<compile_context>
chip_gen: v7x
topology: tpu7x:2x2x1
jax: 0.10.2.dev20260603
libtpu: 0.0.44.dev20260713+nightly
codegen_flags: <defaults>
</compile_context>

<pallas_src>
import functools

import jax
import jax.numpy as jnp
from jax import lax
from jax.experimental import pallas as pl
from jax.experimental.pallas import tpu as pltpu
from jax.experimental.pallas import tpu_sc as plsc

N = 2048
D = 768
F = 3072
E = 8
EP = 128
K = 2
A = N * K
CH = 128
NCH = A // CH
TM = 512
PMAX = ((A + E * (TM - 1)) + TM - 1) // TM * TM
NT = PMAX // TM
FB = 1536
NJ = F // FB
NW = 32
TOK_W = N // NW



def _router_body(x_ref, wr_ref, pos_ref, w0_ref, w1_ref, te_ref, aux_ref):
    x = x_ref[...]
    wr = wr_ref[...]
    logits = lax.dot_general(x, wr, (((1,), (1,)), ((), ())),
                             preferred_element_type=jnp.float32)
    lane = lax.broadcasted_iota(jnp.int32, (N, EP), 1)
    valid = lane < E
    logits = jnp.where(valid, logits, -1e30)
    m = jnp.max(logits, axis=1, keepdims=True)
    ex = jnp.exp(logits - m)
    ex = jnp.where(valid, ex, 0.0)
    denom = jnp.sum(ex, axis=1, keepdims=True)
    probs = ex / denom

    p1 = jnp.max(probs, axis=1, keepdims=True)
    i1 = jnp.min(jnp.where(probs == p1, lane, EP), axis=1, keepdims=True)
    probs2 = jnp.where(lane == i1, -1.0, probs)
    p2 = jnp.max(probs2, axis=1, keepdims=True)
    i2 = jnp.min(jnp.where(probs2 == p2, lane, EP), axis=1, keepdims=True)
    s = p1 + p2
    w0_ref[...] = p1 / s
    w1_ref[...] = p2 / s

    e1 = (lane == i1).astype(jnp.float32)
    e2 = (lane == i2).astype(jnp.float32)
    onehot = jnp.concatenate([e1, e2], axis=0)

    r = lax.broadcasted_iota(jnp.int32, (CH, CH), 0)
    c = lax.broadcasted_iota(jnp.int32, (CH, CH), 1)
    ls = (r > c).astype(jnp.float32)
    us = (r < c).astype(jnp.float32)
    cums = []
    tots = []
    for ci in range(NCH):
        oc = onehot[ci * CH:(ci + 1) * CH, :]
        cums.append(lax.dot_general(ls, oc, (((1,), (0,)), ((), ())),
                                    preferred_element_type=jnp.float32))
        tots.append(jnp.sum(oc, axis=0, keepdims=True))
    t = jnp.concatenate(tots, axis=0)
    r32 = lax.broadcasted_iota(jnp.int32, (NCH, NCH), 0)
    c32 = lax.broadcasted_iota(jnp.int32, (NCH, NCH), 1)
    ls32 = (r32 > c32).astype(jnp.float32)
    off = lax.dot_general(ls32, t, (((1,), (0,)), ((), ())),
                          preferred_element_type=jnp.float32)
    counts = jnp.sum(t, axis=0, keepdims=True)
    padded = jnp.floor((counts + (TM - 1)) / TM) * TM
    base = lax.dot_general(padded, us, (((1,), (0,)), ((), ())),
                           preferred_element_type=jnp.float32)

    poss = []
    for ci in range(NCH):
        oc = onehot[ci * CH:(ci + 1) * CH, :]
        pc = cums[ci] + off[ci:ci + 1, :] + base
        poss.append(jnp.sum(oc * pc, axis=1, keepdims=True))
    pos = jnp.concatenate(poss, axis=0)
    pos_ref[...] = pos.astype(jnp.int32)

    ntiles = padded / TM
    ends = lax.dot_general(ntiles, (r <= c).astype(jnp.float32),
                           (((1,), (0,)), ((), ())),
                           preferred_element_type=jnp.float32)
    dends = jnp.where(r == c, jnp.broadcast_to(ends, (CH, CH)), 0.0)
    ends_mat = lax.dot_general(dends, jnp.ones((CH, CH), jnp.float32),
                               (((1,), (0,)), ((), ())),
                               preferred_element_type=jnp.float32)
    lanes_f = c.astype(jnp.float32)
    m_te = jnp.logical_and(ends_mat <= lanes_f,
                           lax.broadcasted_iota(jnp.int32, (CH, CH), 0) < E)
    te_row = jnp.sum(m_te.astype(jnp.float32), axis=0, keepdims=True)
    te_row = jnp.minimum(te_row, E - 1.0)
    n_used = jnp.sum(jnp.where(lane[:1, :] == E - 1, ends, 0.0))
    te_row = jnp.where(lane[:1, :] == NT, n_used, te_row)
    te_ref[...] = te_row.astype(jnp.int32)

    importance = jnp.sum(probs, axis=0, keepdims=True)
    aux = jnp.sum(importance * counts) * (E / (N * N + 1e-06))
    aux_ref[...] = jnp.broadcast_to(aux, (1, 1))


def _router(x_flat, wr_pad):
    return pl.pallas_call(
        _router_body,
        out_shape=(
            jax.ShapeDtypeStruct((A, 1), jnp.int32),
            jax.ShapeDtypeStruct((N, 1), jnp.float32),
            jax.ShapeDtypeStruct((N, 1), jnp.float32),
            jax.ShapeDtypeStruct((1, EP), jnp.int32),
            jax.ShapeDtypeStruct((1, 1), jnp.float32),
        ),
    )(x_flat, wr_pad)



def _dispatch_body(x_hbm, p0_hbm, p1_hbm, xs_hbm, i0_v, i1_v, xbuf, sem):
    wid = lax.axis_index("s") * 2 + lax.axis_index("c")
    t0 = wid * TOK_W
    pltpu.sync_copy(p0_hbm.at[pl.ds(t0, TOK_W)], i0_v)
    pltpu.sync_copy(p1_hbm.at[pl.ds(t0, TOK_W)], i1_v)
    pltpu.sync_copy(x_hbm.at[pl.ds(t0, TOK_W)], xbuf)
    pltpu.async_copy(xbuf, xs_hbm.at[i0_v], sem).wait()
    pltpu.async_copy(xbuf, xs_hbm.at[i1_v], sem).wait()


def _dispatch(x_flat, p0, p1):
    mesh = plsc.VectorSubcoreMesh(core_axis_name="c", subcore_axis_name="s")
    return pl.kernel(
        _dispatch_body,
        out_type=jax.ShapeDtypeStruct((PMAX, D), jnp.float32),
        mesh=mesh,
        scratch_types=[
            pltpu.VMEM((TOK_W,), jnp.int32),
            pltpu.VMEM((TOK_W,), jnp.int32),
            pltpu.VMEM((TOK_W, D), jnp.float32),
            pltpu.SemaphoreType.DMA,
        ],
    )(x_flat, p0, p1)



def _ffn_body(te_ref, xs_ref, w1_ref, w3_ref, w2_ref, out_ref):
    j = pl.program_id(0)
    i = pl.program_id(1)
    n_used = te_ref[NT]

    @pl.when(i < n_used)
    def _():
        x = xs_ref[...]
        a = lax.dot_general(x, w1_ref[0], (((1,), (1,)), ((), ())),
                            preferred_element_type=jnp.float32)
        b = lax.dot_general(x, w3_ref[0], (((1,), (1,)), ((), ())),
                            preferred_element_type=jnp.float32)
        h = a * (1.0 / (1.0 + jnp.exp(-a))) * b
        o = lax.dot_general(h, w2_ref[0], (((1,), (1,)), ((), ())),
                            preferred_element_type=jnp.float32)
        rows = pl.ds(i * TM, TM)

        @pl.when(j == 0)
        def _():
            out_ref[rows, :] = o

        @pl.when(j > 0)
        def _():
            out_ref[rows, :] += o


def _ffn(tile_expert, xs, w1, w2, w3):
    def iclamp(i, te):
        return jnp.minimum(i, te[NT] - 1)

    grid_spec = pltpu.PrefetchScalarGridSpec(
        num_scalar_prefetch=1,
        grid=(NJ, NT),
        in_specs=[
            pl.BlockSpec((TM, D), lambda j, i, te: (iclamp(i, te), 0)),
            pl.BlockSpec((1, FB, D), lambda j, i, te: (te[iclamp(i, te)], j, 0)),
            pl.BlockSpec((1, FB, D), lambda j, i, te: (te[iclamp(i, te)], j, 0)),
            pl.BlockSpec((1, D, FB), lambda j, i, te: (te[iclamp(i, te)], 0, j)),
        ],
        out_specs=pl.BlockSpec((PMAX, D), lambda j, i, te: (0, 0)),
    )
    return pl.pallas_call(
        _ffn_body,
        grid_spec=grid_spec,
        out_shape=jax.ShapeDtypeStruct((PMAX, D), jnp.float32),
        compiler_params=pltpu.CompilerParams(
            dimension_semantics=("arbitrary", "arbitrary"),
            vmem_limit_bytes=60 * 1024 * 1024,
        ),
    )(tile_expert, xs, w1, w3, w2)



def _combine_body(y_hbm, p0_hbm, p1_hbm, wv0_hbm, wv1_hbm, out_hbm,
                  i0_v, i1_v, wv0_v, wv1_v, buf0, buf1, sem):
    wid = lax.axis_index("s") * 2 + lax.axis_index("c")
    t0 = wid * TOK_W
    pltpu.sync_copy(p0_hbm.at[pl.ds(t0, TOK_W)], i0_v)
    pltpu.sync_copy(p1_hbm.at[pl.ds(t0, TOK_W)], i1_v)
    pltpu.sync_copy(wv0_hbm.at[pl.ds(t0, TOK_W)], wv0_v)
    pltpu.sync_copy(wv1_hbm.at[pl.ds(t0, TOK_W)], wv1_v)
    c0 = pltpu.async_copy(y_hbm.at[i0_v], buf0, sem)
    c1 = pltpu.async_copy(y_hbm.at[i1_v], buf1, sem)
    c0.wait()
    c1.wait()

    def tok_body(i, _):
        lanes = jnp.zeros((16,), jnp.int32) + i
        w0b = plsc.load_gather(wv0_v, [lanes])
        w1b = plsc.load_gather(wv1_v, [lanes])
        for cc in range(D // 16):
            v = (w0b * buf0[i, pl.ds(cc * 16, 16)]
                 + w1b * buf1[i, pl.ds(cc * 16, 16)])
            buf0[i, pl.ds(cc * 16, 16)] = v
        return 0

    lax.fori_loop(0, TOK_W, tok_body, 0)
    pltpu.sync_copy(buf0, out_hbm.at[pl.ds(t0, TOK_W)])


def _combine(y, p0, p1, w0, w1):
    mesh = plsc.VectorSubcoreMesh(core_axis_name="c", subcore_axis_name="s")
    return pl.kernel(
        _combine_body,
        out_type=jax.ShapeDtypeStruct((N, D), jnp.float32),
        mesh=mesh,
        scratch_types=[
            pltpu.VMEM((TOK_W,), jnp.int32),
            pltpu.VMEM((TOK_W,), jnp.int32),
            pltpu.VMEM((TOK_W,), jnp.float32),
            pltpu.VMEM((TOK_W,), jnp.float32),
            pltpu.VMEM((TOK_W, D), jnp.float32),
            pltpu.VMEM((TOK_W, D), jnp.float32),
            pltpu.SemaphoreType.DMA,
        ],
        compiler_params=pltpu.CompilerParams(needs_layout_passes=False),
    )(y, p0, p1, w0, w1)



def kernel(x, Wr, W1, W2, W3):
    Bx, Sx, Dx = x.shape
    x_flat = x.reshape(N, D)
    wr_pad = jnp.concatenate(
        [Wr, jnp.zeros((EP - E, D), jnp.float32)], axis=0)

    pos, w0, w1, te, aux = _router(x_flat, wr_pad)
    pos_flat = pos.reshape(A)
    p0 = pos_flat[:N]
    p1 = pos_flat[N:]
    tile_expert = te.reshape(EP)

    xs = _dispatch(x_flat, p0, p1)
    y = _ffn(tile_expert, xs, W1, W2, W3)
    out = _combine(y, p0, p1, w0.reshape(N), w1.reshape(N))
    return out.reshape(Bx, Sx, Dx), aux[0, 0]

# --- scband reference (transcript-rebuilt; emitter-appended) ---
"""Pipeline reference for scband-reflex-mo-elayer-83124797046960 (READ-ONLY COPY).

The authoritative reference and input builder live on the scoring server;
editing this copy changes nothing except your own understanding.
"""

import jax, jax.numpy as jnp
import numpy as np

D_MODEL = 768
D_FF = 4 * D_MODEL
N_EXPERTS = 8
TOP_K = 2
B, S = 1, 2048


def setup_inputs(seed: int = 0) -> dict:
    key = jax.random.key(seed)
    k_x, k_r, k1, k2, k3 = jax.random.split(key, 5)
    x = jax.random.normal(k_x, (B, S, D_MODEL), dtype=jnp.float32)
    Wr = jax.random.normal(k_r, (N_EXPERTS, D_MODEL), dtype=jnp.float32) * (1.0 / np.sqrt(D_MODEL))
    W1 = jax.random.normal(k1, (N_EXPERTS, D_FF, D_MODEL), dtype=jnp.float32) * (1.0 / np.sqrt(D_MODEL))
    W2 = jax.random.normal(k2, (N_EXPERTS, D_MODEL, D_FF), dtype=jnp.float32) * (1.0 / np.sqrt(D_FF))
    W3 = jax.random.normal(k3, (N_EXPERTS, D_FF, D_MODEL), dtype=jnp.float32) * (1.0 / np.sqrt(D_MODEL))
    return {"x": x, "Wr": Wr, "W1": W1, "W2": W2, "W3": W3}


def reference(x, Wr, W1, W2, W3):
    Bx, Sx, Dx = x.shape
    x_flat = x.reshape(-1, Dx)
    N = x_flat.shape[0]
    # router
    logits = x_flat @ Wr.T                      # [N, E]
    probs = jax.nn.softmax(logits, axis=-1)
    top_probs, top_idx = jax.lax.top_k(probs, TOP_K)
    top_probs = top_probs / jnp.sum(top_probs, axis=-1, keepdims=True)
    # dense per-expert SwiGLU FFN (math-equivalent to masked dispatch)
    h1 = jnp.einsum('nd,efd->enf', x_flat, W1)   # [E, N, F]
    h3 = jnp.einsum('nd,efd->enf', x_flat, W3)   # [E, N, F]
    h = jax.nn.silu(h1) * h3
    expert_out = jnp.einsum('enf,edf->end', h, W2)  # [E, N, D]
    final_out = jnp.zeros_like(x_flat)
    tok = jnp.arange(N)
    for k_idx in range(TOP_K):
        idx = top_idx[:, k_idx]                 # [N]
        w = top_probs[:, k_idx]                 # [N]
        sel = expert_out[idx, tok]              # [N, D] gather
        final_out = final_out + sel * w[:, None]
    importance = probs.sum(axis=0)              # [E]
    onehot = jax.nn.one_hot(top_idx, N_EXPERTS, dtype=jnp.float32).sum(axis=1)  # [N, E]
    load = onehot.sum(axis=0)                   # [E]
    aux_loss = (importance * load).sum() * (N_EXPERTS / (N ** 2 + 1e-06))
    return final_out.reshape(Bx, Sx, Dx), aux_loss

if __name__ == "__main__":
    import jax
    _d = setup_inputs()
    print(jax.jit(kernel)(*tuple(_d.values())))

</pallas_src>

<mosaic_0001>
#map = affine_map<(d0, d1) -> (0, 0)>
#map1 = affine_map<(d0, d1) -> (0)>
module attributes {stable_mosaic.version = 14 : i64} {
  func.func @_dispatch_body(%arg0: i32, %arg1: i32, %arg2: memref<2048x768xf32, #tpu.memory_space<hbm>>, %arg3: memref<2048xi32, #tpu.memory_space<hbm>>, %arg4: memref<2048xi32, #tpu.memory_space<hbm>>, %arg5: memref<8192x768xf32, #tpu.memory_space<hbm>>, %arg6: memref<64xi32, #tpu.memory_space<vmem>>, %arg7: memref<64xi32, #tpu.memory_space<vmem>>, %arg8: memref<64x768xf32, #tpu.memory_space<vmem>>, %arg9: memref<!tpu.dma_semaphore, #tpu.memory_space<semaphore_mem>>) attributes {dimension_semantics = [#tpu.dimension_semantics<core_parallel>, #tpu.dimension_semantics<subcore_parallel>], iteration_bounds = array<i64: 2, 16>, scalar_prefetch = 0 : i64, scratch_operands = 4 : i64, tpu.core_type = #tpu.core_type<sc_vector_subcore>, window_params = [{transform_indices = #map}, {transform_indices = #map1}, {transform_indices = #map1}, {transform_indices = #map}]} {
    %mul3A = arith.constant 2 : i32
    %mul3A_0 = arith.muli %arg1, %mul3A : i32
    %add3A = arith.addi %mul3A_0, %arg0 : i32
    %mul3A_1 = arith.constant 64 : i32
    %mul3A_2 = arith.muli %add3A, %mul3A_1 : i32
    "tpu.region"() ({
      %run_scoped3A = tpu.sem_alloc : memref<!tpu.dma_semaphore, #tpu.memory_space<semaphore_mem>>
      %dma_start3A_13 = tpu.memref_slice %arg3[%mul3A_2] : memref<2048xi32, #tpu.memory_space<hbm>> -> memref<64xi32, #tpu.memory_space<hbm>>
      %dma_start3A_14 = tpu.memref_slice %arg3[%mul3A_2] : memref<2048xi32, #tpu.memory_space<hbm>> -> memref<64xi32, #tpu.memory_space<hbm>>
      tpu.enqueue_dma source(%dma_start3A_14 : memref<64xi32, #tpu.memory_space<hbm>>) target(%arg6 : memref<64xi32, #tpu.memory_space<vmem>>) target_semaphore(%run_scoped3A : memref<!tpu.dma_semaphore, #tpu.memory_space<semaphore_mem>>)
      %dma_wait3A_15 = tpu.memref_slice %arg3[%mul3A_2] : memref<2048xi32, #tpu.memory_space<hbm>> -> memref<64xi32, #tpu.memory_space<hbm>>
      %dma_wait3A_16 = tpu.memref_slice %arg3[%mul3A_2] : memref<2048xi32, #tpu.memory_space<hbm>> -> memref<64xi32, #tpu.memory_space<hbm>>
      tpu.wait_dma2 semaphore(%run_scoped3A : memref<!tpu.dma_semaphore, #tpu.memory_space<semaphore_mem>>) src(%dma_wait3A_16 : memref<64xi32, #tpu.memory_space<hbm>>) dst(%arg6 : memref<64xi32, #tpu.memory_space<vmem>>)
      tpu.yield
    }) : () -> ()
    "tpu.region"() ({
      %run_scoped3A = tpu.sem_alloc : memref<!tpu.dma_semaphore, #tpu.memory_space<semaphore_mem>>
      %dma_start3A_13 = tpu.memref_slice %arg4[%mul3A_2] : memref<2048xi32, #tpu.memory_space<hbm>> -> memref<64xi32, #tpu.memory_space<hbm>>
      %dma_start3A_14 = tpu.memref_slice %arg4[%mul3A_2] : memref<2048xi32, #tpu.memory_space<hbm>> -> memref<64xi32, #tpu.memory_space<hbm>>
      tpu.enqueue_dma source(%dma_start3A_14 : memref<64xi32, #tpu.memory_space<hbm>>) target(%arg7 : memref<64xi32, #tpu.memory_space<vmem>>) target_semaphore(%run_scoped3A : memref<!tpu.dma_semaphore, #tpu.memory_space<semaphore_mem>>)
      %dma_wait3A_15 = tpu.memref_slice %arg4[%mul3A_2] : memref<2048xi32, #tpu.memory_space<hbm>> -> memref<64xi32, #tpu.memory_space<hbm>>
      %dma_wait3A_16 = tpu.memref_slice %arg4[%mul3A_2] : memref<2048xi32, #tpu.memory_space<hbm>> -> memref<64xi32, #tpu.memory_space<hbm>>
      tpu.wait_dma2 semaphore(%run_scoped3A : memref<!tpu.dma_semaphore, #tpu.memory_space<semaphore_mem>>) src(%dma_wait3A_16 : memref<64xi32, #tpu.memory_space<hbm>>) dst(%arg7 : memref<64xi32, #tpu.memory_space<vmem>>)
      tpu.yield
    }) : () -> ()
    "tpu.region"() ({
      %run_scoped3A = tpu.sem_alloc : memref<!tpu.dma_semaphore, #tpu.memory_space<semaphore_mem>>
      %dma_start3A_13 = arith.constant 0 : i32
      %dma_start3A_14 = tpu.memref_slice %arg2[%mul3A_2, %dma_start3A_13] : memref<2048x768xf32, #tpu.memory_space<hbm>> -> memref<64x768xf32, #tpu.memory_space<hbm>>
      %dma_start3A_15 = arith.constant 0 : i32
      %dma_start3A_16 = tpu.memref_slice %arg2[%mul3A_2, %dma_start3A_15] : memref<2048x768xf32, #tpu.memory_space<hbm>> -> memref<64x768xf32, #tpu.memory_space<hbm>>
      tpu.enqueue_dma source(%dma_start3A_16 : memref<64x768xf32, #tpu.memory_space<hbm>>) target(%arg8 : memref<64x768xf32, #tpu.memory_space<vmem>>) target_semaphore(%run_scoped3A : memref<!tpu.dma_semaphore, #tpu.memory_space<semaphore_mem>>)
      %dma_wait3A_17 = arith.constant 0 : i32
      %dma_wait3A_18 = tpu.memref_slice %arg2[%mul3A_2, %dma_wait3A_17] : memref<2048x768xf32, #tpu.memory_space<hbm>> -> memref<64x768xf32, #tpu.memory_space<hbm>>
      %dma_wait3A_19 = arith.constant 0 : i32
      %dma_wait3A_20 = tpu.memref_slice %arg2[%mul3A_2, %dma_wait3A_19] : memref<2048x768xf32, #tpu.memory_space<hbm>> -> memref<64x768xf32, #tpu.memory_space<hbm>>
      tpu.wait_dma2 semaphore(%run_scoped3A : memref<!tpu.dma_semaphore, #tpu.memory_space<semaphore_mem>>) src(%dma_wait3A_20 : memref<64x768xf32, #tpu.memory_space<hbm>>) dst(%arg8 : memref<64x768xf32, #tpu.memory_space<vmem>>)
      tpu.yield
    }) : () -> ()
    %dma_start3A = arith.constant 0 : i32
    %dma_start3A_3 = arith.constant 0 : i32
    %dma_start3A_4 = tpu.memref_slice %arg5[%dma_start3A, %dma_start3A_3] : memref<8192x768xf32, #tpu.memory_space<hbm>> -> memref<8192x768xf32, #tpu.memory_space<hbm>>
    tpu.enqueue_indirect_dma source(%arg8 : memref<64x768xf32, #tpu.memory_space<vmem>>) target(%dma_start3A_4 : memref<8192x768xf32, #tpu.memory_space<hbm>>) offsets(%arg6 : memref<64xi32, #tpu.memory_space<vmem>>) semaphore(%arg9 : memref<!tpu.dma_semaphore, #tpu.memory_space<semaphore_mem>>)
    %dma_wait3A = arith.constant 0 : i32
    %dma_wait3A_5 = arith.constant 0 : i32
    %dma_wait3A_6 = tpu.memref_slice %arg5[%dma_wait3A, %dma_wait3A_5] : memref<8192x768xf32, #tpu.memory_space<hbm>> -> memref<8192x768xf32, #tpu.memory_space<hbm>>
    tpu.wait_indirect_dma semaphore(%arg9 : memref<!tpu.dma_semaphore, #tpu.memory_space<semaphore_mem>>) src(%arg8 : memref<64x768xf32, #tpu.memory_space<vmem>>) dst(%dma_wait3A_6 : memref<8192x768xf32, #tpu.memory_space<hbm>>)
    %dma_start3A_7 = arith.constant 0 : i32
    %dma_start3A_8 = arith.constant 0 : i32
    %dma_start3A_9 = tpu.memref_slice %arg5[%dma_start3A_7, %dma_start3A_8] : memref<8192x768xf32, #tpu.memory_space<hbm>> -> memref<8192x768xf32, #tpu.memory_space<hbm>>
    tpu.enqueue_indirect_dma source(%arg8 : memref<64x768xf32, #tpu.memory_space<vmem>>) target(%dma_start3A_9 : memref<8192x768xf32, #tpu.memory_space<hbm>>) offsets(%arg7 : memref<64xi32, #tpu.memory_space<vmem>>) semaphore(%arg9 : memref<!tpu.dma_semaphore, #tpu.memory_space<semaphore_mem>>)
    %dma_wait3A_10 = arith.constant 0 : i32
    %dma_wait3A_11 = arith.constant 0 : i32
    %dma_wait3A_12 = tpu.memref_slice %arg5[%dma_wait3A_10, %dma_wait3A_11] : memref<8192x768xf32, #tpu.memory_space<hbm>> -> memref<8192x768xf32, #tpu.memory_space<hbm>>
    tpu.wait_indirect_dma semaphore(%arg9 : memref<!tpu.dma_semaphore, #tpu.memory_space<semaphore_mem>>) src(%arg8 : memref<64x768xf32, #tpu.memory_space<vmem>>) dst(%dma_wait3A_12 : memref<8192x768xf32, #tpu.memory_space<hbm>>)
    return
  }
}

#map = affine_map<(d0, d1) -> (0, 0)>
#map1 = affine_map<(d0, d1) -> (0)>
module attributes {stable_mosaic.version = 14 : i64} {
  func.func @_combine_body(%arg0: i32, %arg1: i32, %arg2: memref<8192x768xf32, #tpu.memory_space<hbm>>, %arg3: memref<2048xi32, #tpu.memory_space<hbm>>, %arg4: memref<2048xi32, #tpu.memory_space<hbm>>, %arg5: memref<2048xf32, #tpu.memory_space<hbm>>, %arg6: memref<2048xf32, #tpu.memory_space<hbm>>, %arg7: memref<2048x768xf32, #tpu.memory_space<hbm>>, %arg8: memref<64xi32, #tpu.memory_space<vmem>>, %arg9: memref<64xi32, #tpu.memory_space<vmem>>, %arg10: memref<64xf32, #tpu.memory_space<vmem>>, %arg11: memref<64xf32, #tpu.memory_space<vmem>>, %arg12: memref<64x768xf32, #tpu.memory_space<vmem>>, %arg13: memref<64x768xf32, #tpu.memory_space<vmem>>, %arg14: memref<!tpu.dma_semaphore, #tpu.memory_space<semaphore_mem>>) attributes {dimension_semantics = [#tpu.dimension_semantics<core_parallel>, #tpu.dimension_semantics<subcore_parallel>], iteration_bounds = array<i64: 2, 16>, scalar_prefetch = 0 : i64, scratch_operands = 7 : i64, tpu.core_type = #tpu.core_type<sc_vector_subcore>, window_params = [{transform_indices = #map}, {transform_indices = #map1}, {transform_indices = #map1}, {transform_indices = #map1}, {transform_indices = #map1}, {transform_indices = #map}]} {
    %mul3A = arith.constant 2 : i32
    %mul3A_0 = arith.muli %arg1, %mul3A : i32
    %add3A = arith.addi %mul3A_0, %arg0 : i32
    %mul3A_1 = arith.constant 64 : i32
    %mul3A_2 = arith.muli %add3A, %mul3A_1 : i32
    "tpu.region"() ({
      %run_scoped3A = tpu.sem_alloc : memref<!tpu.dma_semaphore, #tpu.memory_space<semaphore_mem>>
      %dma_start3A_19 = tpu.memref_slice %arg3[%mul3A_2] : memref<2048xi32, #tpu.memory_space<hbm>> -> memref<64xi32, #tpu.memory_space<hbm>>
      %dma_start3A_20 = tpu.memref_slice %arg3[%mul3A_2] : memref<2048xi32, #tpu.memory_space<hbm>> -> memref<64xi32, #tpu.memory_space<hbm>>
      tpu.enqueue_dma source(%dma_start3A_20 : memref<64xi32, #tpu.memory_space<hbm>>) target(%arg8 : memref<64xi32, #tpu.memory_space<vmem>>) target_semaphore(%run_scoped3A : memref<!tpu.dma_semaphore, #tpu.memory_space<semaphore_mem>>)
      %dma_wait3A_21 = tpu.memref_slice %arg3[%mul3A_2] : memref<2048xi32, #tpu.memory_space<hbm>> -> memref<64xi32, #tpu.memory_space<hbm>>
      %dma_wait3A_22 = tpu.memref_slice %arg3[%mul3A_2] : memref<2048xi32, #tpu.memory_space<hbm>> -> memref<64xi32, #tpu.memory_space<hbm>>
      tpu.wait_dma2 semaphore(%run_scoped3A : memref<!tpu.dma_semaphore, #tpu.memory_space<semaphore_mem>>) src(%dma_wait3A_22 : memref<64xi32, #tpu.memory_space<hbm>>) dst(%arg8 : memref<64xi32, #tpu.memory_space<vmem>>)
      tpu.yield
    }) : () -> ()
    "tpu.region"() ({
      %run_scoped3A = tpu.sem_alloc : memref<!tpu.dma_semaphore, #tpu.memory_space<semaphore_mem>>
      %dma_start3A_19 = tpu.memref_slice %arg4[%mul3A_2] : memref<2048xi32, #tpu.memory_space<hbm>> -> memref<64xi32, #tpu.memory_space<hbm>>
      %dma_start3A_20 = tpu.memref_slice %arg4[%mul3A_2] : memref<2048xi32, #tpu.memory_space<hbm>> -> memref<64xi32, #tpu.memory_space<hbm>>
      tpu.enqueue_dma source(%dma_start3A_20 : memref<64xi32, #tpu.memory_space<hbm>>) target(%arg9 : memref<64xi32, #tpu.memory_space<vmem>>) target_semaphore(%run_scoped3A : memref<!tpu.dma_semaphore, #tpu.memory_space<semaphore_mem>>)
      %dma_wait3A_21 = tpu.memref_slice %arg4[%mul3A_2] : memref<2048xi32, #tpu.memory_space<hbm>> -> memref<64xi32, #tpu.memory_space<hbm>>
      %dma_wait3A_22 = tpu.memref_slice %arg4[%mul3A_2] : memref<2048xi32, #tpu.memory_space<hbm>> -> memref<64xi32, #tpu.memory_space<hbm>>
      tpu.wait_dma2 semaphore(%run_scoped3A : memref<!tpu.dma_semaphore, #tpu.memory_space<semaphore_mem>>) src(%dma_wait3A_22 : memref<64xi32, #tpu.memory_space<hbm>>) dst(%arg9 : memref<64xi32, #tpu.memory_space<vmem>>)
      tpu.yield
    }) : () -> ()
    "tpu.region"() ({
      %run_scoped3A = tpu.sem_alloc : memref<!tpu.dma_semaphore, #tpu.memory_space<semaphore_mem>>
      %dma_start3A_19 = tpu.memref_slice %arg5[%mul3A_2] : memref<2048xf32, #tpu.memory_space<hbm>> -> memref<64xf32, #tpu.memory_space<hbm>>
      %dma_start3A_20 = tpu.memref_slice %arg5[%mul3A_2] : memref<2048xf32, #tpu.memory_space<hbm>> -> memref<64xf32, #tpu.memory_space<hbm>>
      tpu.enqueue_dma source(%dma_start3A_20 : memref<64xf32, #tpu.memory_space<hbm>>) target(%arg10 : memref<64xf32, #tpu.memory_space<vmem>>) target_semaphore(%run_scoped3A : memref<!tpu.dma_semaphore, #tpu.memory_space<semaphore_mem>>)
      %dma_wait3A_21 = tpu.memref_slice %arg5[%mul3A_2] : memref<2048xf32, #tpu.memory_space<hbm>> -> memref<64xf32, #tpu.memory_space<hbm>>
      %dma_wait3A_22 = tpu.memref_slice %arg5[%mul3A_2] : memref<2048xf32, #tpu.memory_space<hbm>> -> memref<64xf32, #tpu.memory_space<hbm>>
      tpu.wait_dma2 semaphore(%run_scoped3A : memref<!tpu.dma_semaphore, #tpu.memory_space<semaphore_mem>>) src(%dma_wait3A_22 : memref<64xf32, #tpu.memory_space<hbm>>) dst(%arg10 : memref<64xf32, #tpu.memory_space<vmem>>)
      tpu.yield
    }) : () -> ()
    "tpu.region"() ({
      %run_scoped3A = tpu.sem_alloc : memref<!tpu.dma_semaphore, #tpu.memory_space<semaphore_mem>>
      %dma_start3A_19 = tpu.memref_slice %arg6[%mul3A_2] : memref<2048xf32, #tpu.memory_space<hbm>> -> memref<64xf32, #tpu.memory_space<hbm>>
      %dma_start3A_20 = tpu.memref_slice %arg6[%mul3A_2] : memref<2048xf32, #tpu.memory_space<hbm>> -> memref<64xf32, #tpu.memory_space<hbm>>
      tpu.enqueue_dma source(%dma_start3A_20 : memref<64xf32, #tpu.memory_space<hbm>>) target(%arg11 : memref<64xf32, #tpu.memory_space<vmem>>) target_semaphore(%run_scoped3A : memref<!tpu.dma_semaphore, #tpu.memory_space<semaphore_mem>>)
      %dma_wait3A_21 = tpu.memref_slice %arg6[%mul3A_2] : memref<2048xf32, #tpu.memory_space<hbm>> -> memref<64xf32, #tpu.memory_space<hbm>>
      %dma_wait3A_22 = tpu.memref_slice %arg6[%mul3A_2] : memref<2048xf32, #tpu.memory_space<hbm>> -> memref<64xf32, #tpu.memory_space<hbm>>
      tpu.wait_dma2 semaphore(%run_scoped3A : memref<!tpu.dma_semaphore, #tpu.memory_space<semaphore_mem>>) src(%dma_wait3A_22 : memref<64xf32, #tpu.memory_space<hbm>>) dst(%arg11 : memref<64xf32, #tpu.memory_space<vmem>>)
      tpu.yield
    }) : () -> ()
    %dma_start3A = arith.constant 0 : i32
    %dma_start3A_3 = arith.constant 0 : i32
    %dma_start3A_4 = tpu.memref_slice %arg2[%dma_start3A, %dma_start3A_3] : memref<8192x768xf32, #tpu.memory_space<hbm>> -> memref<8192x768xf32, #tpu.memory_space<hbm>>
    tpu.enqueue_indirect_dma source(%dma_start3A_4 : memref<8192x768xf32, #tpu.memory_space<hbm>>) target(%arg12 : memref<64x768xf32, #tpu.memory_space<vmem>>) offsets(%arg8 : memref<64xi32, #tpu.memory_space<vmem>>) semaphore(%arg14 : memref<!tpu.dma_semaphore, #tpu.memory_space<semaphore_mem>>)
    %dma_start3A_5 = arith.constant 0 : i32
    %dma_start3A_6 = arith.constant 0 : i32
    %dma_start3A_7 = tpu.memref_slice %arg2[%dma_start3A_5, %dma_start3A_6] : memref<8192x768xf32, #tpu.memory_space<hbm>> -> memref<8192x768xf32, #tpu.memory_space<hbm>>
    tpu.enqueue_indirect_dma source(%dma_start3A_7 : memref<8192x768xf32, #tpu.memory_space<hbm>>) target(%arg13 : memref<64x768xf32, #tpu.memory_space<vmem>>) offsets(%arg9 : memref<64xi32, #tpu.memory_space<vmem>>) semaphore(%arg14 : memref<!tpu.dma_semaphore, #tpu.memory_space<semaphore_mem>>)
    %dma_wait3A = arith.constant 0 : i32
    %dma_wait3A_8 = arith.constant 0 : i32
    %dma_wait3A_9 = tpu.memref_slice %arg2[%dma_wait3A, %dma_wait3A_8] : memref<8192x768xf32, #tpu.memory_space<hbm>> -> memref<8192x768xf32, #tpu.memory_space<hbm>>
    tpu.wait_indirect_dma semaphore(%arg14 : memref<!tpu.dma_semaphore, #tpu.memory_space<semaphore_mem>>) src(%dma_wait3A_9 : memref<8192x768xf32, #tpu.memory_space<hbm>>) dst(%arg12 : memref<64x768xf32, #tpu.memory_space<vmem>>)
    %dma_wait3A_10 = arith.constant 0 : i32
    %dma_wait3A_11 = arith.constant 0 : i32
    %dma_wait3A_12 = tpu.memref_slice %arg2[%dma_wait3A_10, %dma_wait3A_11] : memref<8192x768xf32, #tpu.memory_space<hbm>> -> memref<8192x768xf32, #tpu.memory_space<hbm>>
    tpu.wait_indirect_dma semaphore(%arg14 : memref<!tpu.dma_semaphore, #tpu.memory_space<semaphore_mem>>) src(%dma_wait3A_12 : memref<8192x768xf32, #tpu.memory_space<hbm>>) dst(%arg13 : memref<64x768xf32, #tpu.memory_space<vmem>>)
    %scan3A = arith.constant 0 : i32
    %scan3A_13 = arith.constant 0 : i32
    %scan3A_14 = arith.constant 64 : i32
    %scan3A_15 = arith.addi %scan3A_13, %scan3A_14 : i32
    %scan3A_16 = arith.constant 1 : i32
    %scan3A_17 = scf.for %scan3A_19 = %scan3A_13 to %scan3A_15 step %scan3A_16 iter_args(%scan3A_20 = %scan3A) -> (i32)  : i32 {
      %broadcast_in_dim3A = arith.constant 0 : i32
      %broadcast_in_dim3A_21 = vector.broadcast %broadcast_in_dim3A : i32 to vector<16xi32>
      %add3A_22 = vector.broadcast %scan3A_19 : i32 to vector<16xi32>
      %add3A_23 = arith.addi %broadcast_in_dim3A_21, %add3A_22 : vector<16xi32>
      %gather3A = tpu.vector_load_idx %arg10[%add3A_23] : memref<64xf32, #tpu.memory_space<vmem>>[vector<16xi32>], vector<16xf32>,
      %gather3A_24 = tpu.vector_load_idx %arg11[%add3A_23] : memref<64xf32, #tpu.memory_space<vmem>>[vector<16xi32>], vector<16xf32>,
      %get3A = arith.index_cast %scan3A_19 : i32 to index
      %get3A_25 = arith.constant 0 : index
      %get3A_26 = tpu.vector_load %arg12[%get3A, %get3A_25] {strides = array<i32>} : memref<64x768xf32, #tpu.memory_space<vmem>>, vector<16xf32>,
      %mul3A_27 = arith.mulf %gather3A, %get3A_26 : vector<16xf32>
      %get3A_28 = arith.index_cast %scan3A_19 : i32 to index
      %get3A_29 = arith.constant 0 : index
      %get3A_30 = tpu.vector_load %arg13[%get3A_28, %get3A_29] {strides = array<i32>} : memref<64x768xf32, #tpu.memory_space<vmem>>, vector<16xf32>,
      %mul3A_31 = arith.mulf %gather3A_24, %get3A_30 : vector<16xf32>
      %add3A_32 = arith.addf %mul3A_27, %mul3A_31 : vector<16xf32>
      %swap3A = arith.index_cast %scan3A_19 : i32 to index
      %swap3A_33 = arith.constant 0 : index
      %swap3A_34 = tpu.vector_load %arg12[%swap3A, %swap3A_33] {strides = array<i32>} : memref<64x768xf32, #tpu.memory_space<vmem>>, vector<16xf32>,
      tpu.vector_store %arg12[%swap3A, %swap3A_33], %add3A_32 {strides = array<i32>} : memref<64x768xf32, #tpu.memory_space<vmem>>, vector<16xf32>,
      %get3A_35 = arith.index_cast %scan3A_19 : i32 to index
      %get3A_36 = arith.constant 16 : index
      %get3A_37 = tpu.vector_load %arg12[%get3A_35, %get3A_36] {strides = array<i32>} : memref<64x768xf32, #tpu.memory_space<vmem>>, vector<16xf32>,
      %mul3A_38 = arith.mulf %gather3A, %get3A_37 : vector<16xf32>
      %get3A_39 = arith.index_cast %scan3A_19 : i32 to index
      %get3A_40 = arith.constant 16 : index
      %get3A_41 = tpu.vector_load %arg13[%get3A_39, %get3A_40] {strides = array<i32>} : memref<64x768xf32, #tpu.memory_space<vmem>>, vector<16xf32>,
      %mul3A_42 = arith.mulf %gather3A_24, %get3A_41 : vector<16xf32>
      %add3A_43 = arith.addf %mul3A_38, %mul3A_42 : vector<16xf32>
      %swap3A_44 = arith.index_cast %scan3A_19 : i32 to index
      %swap3A_45 = arith.constant 16 : index
      %swap3A_46 = tpu.vector_load %arg12[%swap3A_44, %swap3A_45] {strides = array<i32>} : memref<64x768xf32, #tpu.memory_space<vmem>>, vector<16xf32>,
      tpu.vector_store %arg12[%swap3A_44, %swap3A_45], %add3A_43 {strides = array<i32>} : memref<64x768xf32, #tpu.memory_space<vmem>>, vector<16xf32>,
      %get3A_47 = arith.index_cast %scan3A_19 : i32 to index
      %get3A_48 = arith.constant 32 : index
      %get3A_49 = tpu.vector_load %arg12[%get3A_47, %get3A_48] {strides = array<i32>} : memref<64x768xf32, #tpu.memory_space<vmem>>, vector<16xf32>,
      %mul3A_50 = arith.mulf %gather3A, %get3A_49 : vector<16xf32>
      %get3A_51 = arith.index_cast %scan3A_19 : i32 to index
      %get3A_52 = arith.constant 32 : index
      %get3A_53 = tpu.vector_load %arg13[%get3A_51, %get3A_52] {strides = array<i32>} : memref<64x768xf32, #tpu.memory_space<vmem>>, vector<16xf32>,
      %mul3A_54 = arith.mulf %gather3A_24, %get3A_53 : vector<16xf32>
      %add3A_55 = arith.addf %mul3A_50, %mul3A_54 : vector<16xf32>
      %swap3A_56 = arith.index_cast %scan3A_19 : i32 to index
      %swap3A_57 = arith.constant 32 : index
      %swap3A_58 = tpu.vector_load %arg12[%swap3A_56, %swap3A_57] {strides = array<i32>} : memref<64x768xf32, #tpu.memory_space<vmem>>, vector<16xf32>,
      tpu.vector_store %arg12[%swap3A_56, %swap3A_57], %add3A_55 {strides = array<i32>} : memref<64x768xf32, #tpu.memory_space<vmem>>, vector<16xf32>,
      %get3A_59 = arith.index_cast %scan3A_19 : i32 to index
      %get3A_60 = arith.constant 48 : index
      %get3A_61 = tpu.vector_load %arg12[%get3A_59, %get3A_60] {strides = array<i32>} : memref<64x768xf32, #tpu.memory_space<vmem>>, vector<16xf32>,
      %mul3A_62 = arith.mulf %gather3A, %get3A_61 : vector<16xf32>
      %get3A_63 = arith.index_cast %scan3A_19 : i32 to index
      %get3A_64 = arith.constant 48 : index
      %get3A_65 = tpu.vector_load %arg13[%get3A_63, %get3A_64] {strides = array<i32>} : memref<64x768xf32, #tpu.memory_space<vmem>>, vector<16xf32>,
      %mul3A_66 = arith.mulf %gather3A_24, %get3A_65 : vector<16xf32>
      %add3A_67 = arith.addf %mul3A_62, %mul3A_66 : vector<16xf32>
      %swap3A_68 = arith.index_cast %scan3A_19 : i32 to index
      %swap3A_69 = arith.constant 48 : index
      %swap3A_70 = tpu.vector_load %arg12[%swap3A_68, %swap3A_69] {strides = array<i32>} : memref<64x768xf32, #tpu.memory_space<vmem>>, vector<16xf32>,
      tpu.vector_store %arg12[%swap3A_68, %swap3A_69], %add3A_67 {strides = array<i32>} : memref<64x768xf32, #tpu.memory_space<vmem>>, vector<16xf32>,
      %get3A_71 = arith.index_cast %scan3A_19 : i32 to index
      %get3A_72 = arith.constant 64 : index
      %get3A_73 = tpu.vector_load %arg12[%get3A_71, %get3A_72] {strides = array<i32>} : memref<64x768xf32, #tpu.memory_space<vmem>>, vector<16xf32>,
      %mul3A_74 = arith.mulf %gather3A, %get3A_73 : vector<16xf32>
      %get3A_75 = arith.index_cast %scan3A_19 : i32 to index
      %get3A_76 = arith.constant 64 : index
      %get3A_77 = tpu.vector_load %arg13[%get3A_75, %get3A_76] {strides = array<i32>} : memref<64x768xf32, #tpu.memory_space<vmem>>, vector<16xf32>,
      %mul3A_78 = arith.mulf %gather3A_24, %get3A_77 : vector<16xf32>
      %add3A_79 = arith.addf %mul3A_74, %mul3A_78 : vector<16xf32>
      %swap3A_80 = arith.index_cast %scan3A_19 : i32 to index
      %swap3A_81 = arith.constant 64 : index
      %swap3A_82 = tpu.vector_load %arg12[%swap3A_80, %swap3A_81] {strides = array<i32>} : memref<64x768xf32, #tpu.memory_space<vmem>>, vector<16xf32>,
      tpu.vector_store %arg12[%swap3A_80, %swap3A_81], %add3A_79 {strides = array<i32>} : memref<64x768xf32, #tpu.memory_space<vmem>>, vector<16xf32>,
      %get3A_83 = arith.index_cast %scan3A_19 : i32 to index
      %get3A_84 = arith.constant 80 : index
      %get3A_85 = tpu.vector_load %arg12[%get3A_83, %get3A_84] {strides = array<i32>} : memref<64x768xf32, #tpu.memory_space<vmem>>, vector<16xf32>,
      %mul3A_86 = arith.mulf %gather3A, %get3A_85 : vector<16xf32>
      %get3A_87 = arith.index_cast %scan3A_19 : i32 to index
      %get3A_88 = arith.constant 80 : index
      %get3A_89 = tpu.vector_load %arg13[%get3A_87, %get3A_88] {strides = array<i32>} : memref<64x768xf32, #tpu.memory_space<vmem>>, vector<16xf32>,
      %mul3A_90 = arith.mulf %gather3A_24, %get3A_89 : vector<16xf32>
      %add3A_91 = arith.addf %mul3A_86, %mul3A_90 : vector<16xf32>
      %swap3A_92 = arith.index_cast %scan3A_19 : i32 to index
      %swap3A_93 = arith.constant 80 : index
      %swap3A_94 = tpu.vector_load %arg12[%swap3A_92, %swap3A_93] {strides = array<i32>} : memref<64x768xf32, #tpu.memory_space<vmem>>, vector<16xf32>,
      tpu.vector_store %arg12[%swap3A_92, %swap3A_93], %add3A_91 {strides = array<i32>} : memref<64x768xf32, #tpu.memory_space<vmem>>, vector<16xf32>,
      %get3A_95 = arith.index_cast %scan3A_19 : i32 to index
      %get3A_96 = arith.constant 96 : index
      %get3A_97 = tpu.vector_load %arg12[%get3A_95, %get3A_96] {strides = array<i32>} : memref<64x768xf32, #tpu.memory_space<vmem>>, vector<16xf32>,
      %mul3A_98 = arith.mulf %gather3A, %get3A_97 : vector<16xf32>
      %get3A_99 = arith.index_cast %scan3A_19 : i32 to index
      %get3A_100 = arith.constant 96 : index
      %get3A_101 = tpu.vector_load %arg13[%get3A_99, %get3A_100] {strides = array<i32>} : memref<64x768xf32, #tpu.memory_space<vmem>>, vector<16xf32>,
      %mul3A_102 = arith.mulf %gather3A_24, %get3A_101 : vector<16xf32>
      %add3A_103 = arith.addf %mul3A_98, %mul3A_102 : vector<16xf32>
      %swap3A_104 = arith.index_cast %scan3A_19 : i32 to index
      %swap3A_105 = arith.constant 96 : index
      %swap3A_106 = tpu.vector_load %arg12[%swap3A_104, %swap3A_105] {strides = array<i32>} : memref<64x768xf32, #tpu.memory_space<vmem>>, vector<16xf32>,
      tpu.vector_store %arg12[%swap3A_104, %swap3A_105], %add3A_103 {strides = array<i32>} : memref<64x768xf32, #tpu.memory_space<vmem>>, vector<16xf32>,
      %get3A_107 = arith.index_cast %scan3A_19 : i32 to index
      %get3A_108 = arith.constant 112 : index
      %get3A_109 = tpu.vector_load %arg12[%get3A_107, %get3A_108] {strides = array<i32>} : memref<64x768xf32, #tpu.memory_space<vmem>>, vector<16xf32>,
      %mul3A_110 = arith.mulf %gather3A, %get3A_109 : vector<16xf32>
      %get3A_111 = arith.index_cast %scan3A_19 : i32 to index
      %get3A_112 = arith.constant 112 : index
      %get3A_113 = tpu.vector_load %arg13[%get3A_111, %get3A_112] {strides = array<i32>} : memref<64x768xf32, #tpu.memory_space<vmem>>, vector<16xf32>,
      %mul3A_114 = arith.mulf %gather3A_24, %get3A_113 : vector<16xf32>
      %add3A_115 = arith.addf %mul3A_110, %mul3A_114 : vector<16xf32>
      %swap3A_116 = arith.index_cast %scan3A_19 : i32 to index
      %swap3A_117 = arith.constant 112 : index
      %swap3A_118 = tpu.vector_load %arg12[%swap3A_116, %swap3A_117] {strides = array<i32>} : memref<64x768xf32, #tpu.memory_space<vmem>>, vector<16xf32>,
      tpu.vector_store %arg12[%swap3A_116, %swap3A_117], %add3A_115 {strides = array<i32>} : memref<64x768xf32, #tpu.memory_space<vmem>>, vector<16xf32>,
      %get3A_119 = arith.index_cast %scan3A_19 : i32 to index
      %get3A_120 = arith.constant 128 : index
      %get3A_121 = tpu.vector_load %arg12[%get3A_119, %get3A_120] {strides = array<i32>} : memref<64x768xf32, #tpu.memory_space<vmem>>, vector<16xf32>,
      %mul3A_122 = arith.mulf %gather3A, %get3A_121 : vector<16xf32>
      %get3A_123 = arith.index_cast %scan3A_19 : i32 to index
      %get3A_124 = arith.constant 128 : index
      %get3A_125 = tpu.vector_load %arg13[%get3A_123, %get3A_124] {strides = array<i32>} : memref<64x768xf32, #tpu.memory_space<vmem>>, vector<16xf32>,
      %mul3A_126 = arith.mulf %gather3A_24, %get3A_125 : vector<16xf32>
      %add3A_127 = arith.addf %mul3A_122, %mul3A_126 : vector<16xf32>
      %swap3A_128 = arith.index_cast %scan3A_19 : i32 to index
      %swap3A_129 = arith.constant 128 : index
      %swap3A_130 = tpu.vector_load %arg12[%swap3A_128, %swap3A_129] {strides = array<i32>} : memref<64x768xf32, #tpu.memory_space<vmem>>, vector<16xf32>,
      tpu.vector_store %arg12[%swap3A_128, %swap3A_129], %add3A_127 {strides = array<i32>} : memref<64x768xf32, #tpu.memory_space<vmem>>, vector<16xf32>,
      %get3A_131 = arith.index_cast %scan3A_19 : i32 to index
      %get3A_132 = arith.constant 144 : index
      %get3A_133 = tpu.vector_load %arg12[%get3A_131, %get3A_132] {strides = array<i32>} : memref<64x768xf32, #tpu.memory_space<vmem>>, vector<16xf32>,
      %mul3A_134 = arith.mulf %gather3A, %get3A_133 : vector<16xf32>
      %get3A_135 = arith.index_cast %scan3A_19 : i32 to index
      %get3A_136 = arith.constant 144 : index
      %get3A_137 = tpu.vector_load %arg13[%get3A_135, %get3A_136] {strides = array<i32>} : memref<64x768xf32, #tpu.memory_space<vmem>>, vector<16xf32>,
      %mul3A_138 = arith.mulf %gather3A_24, %get3A_137 : vector<16xf32>
      %add3A_139 = arith.addf %mul3A_134, %mul3A_138 : vector<16xf32>
      %swap3A_140 = arith.index_cast %scan3A_19 : i32 to index
      %swap3A_141 = arith.constant 144 : index
      %swap3A_142 = tpu.vector_load %arg12[%swap3A_140, %swap3A_141] {strides = array<i32>} : memref<64x768xf32, #tpu.memory_space<vmem>>, vector<16xf32>,
      tpu.vector_store %arg12[%swap3A_140, %swap3A_141], %add3A_139 {strides = array<i32>} : memref<64x768xf32, #tpu.memory_space<vmem>>, vector<16xf32>,
      %get3A_143 = arith.index_cast %scan3A_19 : i32 to index
      %get3A_144 = arith.constant 160 : index
      %get3A_145 = tpu.vector_load %arg12[%get3A_143, %get3A_144] {strides = array<i32>} : memref<64x768xf32, #tpu.memory_space<vmem>>, vector<16xf32>,
      %mul3A_146 = arith.mulf %gather3A, %get3A_145 : vector<16xf32>
      %get3A_147 = arith.index_cast %scan3A_19 : i32 to index
      %get3A_148 = arith.constant 160 : index
      %get3A_149 = tpu.vector_load %arg13[%get3A_147, %get3A_148] {strides = array<i32>} : memref<64x768xf32, #tpu.memory_space<vmem>>, vector<16xf32>,
      %mul3A_150 = arith.mulf %gather3A_24, %get3A_149 : vector<16xf32>
      %add3A_151 = arith.addf %mul3A_146, %mul3A_150 : vector<16xf32>
      %swap3A_152 = arith.index_cast %scan3A_19 : i32 to index
      %swap3A_153 = arith.constant 160 : index
      %swap3A_154 = tpu.vector_load %arg12[%swap3A_152, %swap3A_153] {strides = array<i32>} : memref<64x768xf32, #tpu.memory_space<vmem>>, vector<16xf32>,
      tpu.vector_store %arg12[%swap3A_152, %swap3A_153], %add3A_151 {strides = array<i32>} : memref<64x768xf32, #tpu.memory_space<vmem>>, vector<16xf32>,
      %get3A_155 = arith.index_cast %scan3A_19 : i32 to index
      %get3A_156 = arith.constant 176 : index
      %get3A_157 = tpu.vector_load %arg12[%get3A_155, %get3A_156] {strides = array<i32>} : memref<64x768xf32, #tpu.memory_space<vmem>>, vector<16xf32>,
      %mul3A_158 = arith.mulf %gather3A, %get3A_157 : vector<16xf32>
      %get3A_159 = arith.index_cast %scan3A_19 : i32 to index
      %get3A_160 = arith.constant 176 : index
      %get3A_161 = tpu.vector_load %arg13[%get3A_159, %get3A_160] {strides = array<i32>} : memref<64x768xf32, #tpu.memory_space<vmem>>, vector<16xf32>,
      %mul3A_162 = arith.mulf %gather3A_24, %get3A_161 : vector<16xf32>
      %add3A_163 = arith.addf %mul3A_158, %mul3A_162 : vector<16xf32>
      %swap3A_164 = arith.index_cast %scan3A_19 : i32 to index
      %swap3A_165 = arith.constant 176 : index
      %swap3A_166 = tpu.vector_load %arg12[%swap3A_164, %swap3A_165] {strides = array<i32>} : memref<64x768xf32, #tpu.memory_space<vmem>>, vector<16xf32>,
      tpu.vector_store %arg12[%swap3A_164, %swap3A_165], %add3A_163 {strides = array<i32>} : memref<64x768xf32, #tpu.memory_space<vmem>>, vector<16xf32>,
      %get3A_167 = arith.index_cast %scan3A_19 : i32 to index
      %get3A_168 = arith.constant 192 : index
      %get3A_169 = tpu.vector_load %arg12[%get3A_167, %get3A_168] {strides = array<i32>} : memref<64x768xf32, #tpu.memory_space<vmem>>, vector<16xf32>,
      %mul3A_170 = arith.mulf %gather3A, %get3A_169 : vector<16xf32>
      %get3A_171 = arith.index_cast %scan3A_19 : i32 to index
      %get3A_172 = arith.constant 192 : index
      %get3A_173 = tpu.vector_load %arg13[%get3A_171, %get3A_172] {strides = array<i32>} : memref<64x768xf32, #tpu.memory_space<vmem>>, vector<16xf32>,
      %mul3A_174 = arith.mulf %gather3A_24, %get3A_173 : vector<16xf32>
      %add3A_175 = arith.addf %mul3A_170, %mul3A_174 : vector<16xf32>
      %swap3A_176 = arith.index_cast %scan3A_19 : i32 to index
      %swap3A_177 = arith.constant 192 : index
      %swap3A_178 = tpu.vector_load %arg12[%swap3A_176, %swap3A_177] {strides = array<i32>} : memref<64x768xf32, #tpu.memory_space<vmem>>, vector<16xf32>,
      tpu.vector_store %arg12[%swap3A_176, %swap3A_177], %add3A_175 {strides = array<i32>} : memref<64x768xf32, #tpu.memory_space<vmem>>, vector<16xf32>,
      %get3A_179 = arith.index_cast %scan3A_19 : i32 to index
      %get3A_180 = arith.constant 208 : index
      %get3A_181 = tpu.vector_load %arg12[%get3A_179, %get3A_180] {strides = array<i32>} : memref<64x768xf32, #tpu.memory_space<vmem>>, vector<16xf32>,
      %mul3A_182 = arith.mulf %gather3A, %get3A_181 : vector<16xf32>
      %get3A_183 = arith.index_cast %scan3A_19 : i32 to index
      %get3A_184 = arith.constant 208 : index
      %get3A_185 = tpu.vector_load %arg13[%get3A_183, %get3A_184] {strides = array<i32>} : memref<64x768xf32, #tpu.memory_space<vmem>>, vector<16xf32>,
      %mul3A_186 = arith.mulf %gather3A_24, %get3A_185 : vector<16xf32>
      %add3A_187 = arith.addf %mul3A_182, %mul3A_186 : vector<16xf32>
      %swap3A_188 = arith.index_cast %scan3A_19 : i32 to index
      %swap3A_189 = arith.constant 208 : index
      %swap3A_190 = tpu.vector_load %arg12[%swap3A_188, %swap3A_189] {strides = array<i32>} : memref<64x768xf32, #tpu.memory_space<vmem>>, vector<16xf32>,
      tpu.vector_store %arg12[%swap3A_188, %swap3A_189], %add3A_187 {strides = array<i32>} : memref<64x768xf32, #tpu.memory_space<vmem>>, vector<16xf32>,
      %get3A_191 = arith.index_cast %scan3A_19 : i32 to index
      %get3A_192 = arith.constant 224 : index
      %get3A_193 = tpu.vector_load %arg12[%get3A_191, %get3A_192] {strides = array<i32>} : memref<64x768xf32, #tpu.memory_space<vmem>>, vector<16xf32>,
      %mul3A_194 = arith.mulf %gather3A, %get3A_193 : vector<16xf32>
      %get3A_195 = arith.index_cast %scan3A_19 : i32 to index
      %get3A_196 = arith.constant 224 : index
      %get3A_197 = tpu.vector_load %arg13[%get3A_195, %get3A_196] {strides = array<i32>} : memref<64x768xf32, #tpu.memory_space<vmem>>, vector<16xf32>,
      %mul3A_198 = arith.mulf %gather3A_24, %get3A_197 : vector<16xf32>
      %add3A_199 = arith.addf %mul3A_194, %mul3A_198 : vector<16xf32>
      %swap3A_200 = arith.index_cast %scan3A_19 : i32 to index
      %swap3A_201 = arith.constant 224 : index
      %swap3A_202 = tpu.vector_load %arg12[%swap3A_200, %swap3A_201] {strides = array<i32>} : memref<64x768xf32, #tpu.memory_space<vmem>>, vector<16xf32>,
      tpu.vector_store %arg12[%swap3A_200, %swap3A_201], %add3A_199 {strides = array<i32>} : memref<64x768xf32, #tpu.memory_space<vmem>>, vector<16xf32>,
      %get3A_203 = arith.index_cast %scan3A_19 : i32 to index
      %get3A_204 = arith.constant 240 : index
      %get3A_205 = tpu.vector_load %arg12[%get3A_203, %get3A_204] {strides = array<i32>} : memref<64x768xf32, #tpu.memory_space<vmem>>, vector<16xf32>,
      %mul3A_206 = arith.mulf %gather3A, %get3A_205 : vector<16xf32>
      %get3A_207 = arith.index_cast %scan3A_19 : i32 to index
      %get3A_208 = arith.constant 240 : index
      %get3A_209 = tpu.vector_load %arg13[%get3A_207, %get3A_208] {strides = array<i32>} : memref<64x768xf32, #tpu.memory_space<vmem>>, vector<16xf32>,
      %mul3A_210 = arith.mulf %gather3A_24, %get3A_209 : vector<16xf32>
      %add3A_211 = arith.addf %mul3A_206, %mul3A_210 : vector<16xf32>
      %swap3A_212 = arith.index_cast %scan3A_19 : i32 to index
      %swap3A_213 = arith.constant 240 : index
      %swap3A_214 = tpu.vector_load %arg12[%swap3A_212, %swap3A_213] {strides = array<i32>} : memref<64x768xf32, #tpu.memory_space<vmem>>, vector<16xf32>,
      tpu.vector_store %arg12[%swap3A_212, %swap3A_213], %add3A_211 {strides = array<i32>} : memref<64x768xf32, #tpu.memory_space<vmem>>, vector<16xf32>,
      %get3A_215 = arith.index_cast %scan3A_19 : i32 to index
      %get3A_216 = arith.constant 256 : index
      %get3A_217 = tpu.vector_load %arg12[%get3A_215, %get3A_216] {strides = array<i32>} : memref<64x768xf32, #tpu.memory_space<vmem>>, vector<16xf32>,
      %mul3A_218 = arith.mulf %gather3A, %get3A_217 : vector<16xf32>
      %get3A_219 = arith.index_cast %scan3A_19 : i32 to index
      %get3A_220 = arith.constant 256 : index
      %get3A_221 = tpu.vector_load %arg13[%get3A_219, %get3A_220] {strides = array<i32>} : memref<64x768xf32, #tpu.memory_space<vmem>>, vector<16xf32>,
      %mul3A_222 = arith.mulf %gather3A_24, %get3A_221 : vector<16xf32>
      %add3A_223 = arith.addf %mul3A_218, %mul3A_222 : vector<16xf32>
      %swap3A_224 = arith.index_cast %scan3A_19 : i32 to index
      %swap3A_225 = arith.constant 256 : index
      %swap3A_226 = tpu.vector_load %arg12[%swap3A_224, %swap3A_225] {strides = array<i32>} : memref<64x768xf32, #tpu.memory_space<vmem>>, vector<16xf32>,
      tpu.vector_store %arg12[%swap3A_224, %swap3A_225], %add3A_223 {strides = array<i32>} : memref<64x768xf32, #tpu.memory_space<vmem>>, vector<16xf32>,
      %get3A_227 = arith.index_cast %scan3A_19 : i32 to index
      %get3A_228 = arith.constant 272 : index
      %get3A_229 = tpu.vector_load %arg12[%get3A_227, %get3A_228] {strides = array<i32>} : memref<64x768xf32, #tpu.memory_space<vmem>>, vector<16xf32>,
      %mul3A_230 = arith.mulf %gather3A, %get3A_229 : vector<16xf32>
      %get3A_231 = arith.index_cast %scan3A_19 : i32 to index
      %get3A_232 = arith.constant 272 : index
      %get3A_233 = tpu.vector_load %arg13[%get3A_231, %get3A_232] {strides = array<i32>} : memref<64x768xf32, #tpu.memory_space<vmem>>, vector<16xf32>,
      %mul3A_234 = arith.mulf %gather3A_24, %get3A_233 : vector<16xf32>
      %add3A_235 = arith.addf %mul3A_230, %mul3A_234 : vector<16xf32>
      %swap3A_236 = arith.index_cast %scan3A_19 : i32 to index
      %swap3A_237 = arith.constant 272 : index
      %swap3A_238 = tpu.vector_load %arg12[%swap3A_236, %swap3A_237] {strides = array<i32>} : memref<64x768xf32, #tpu.memory_space<vmem>>, vector<16xf32>,
      tpu.vector_store %arg12[%swap3A_236, %swap3A_237], %add3A_235 {strides = array<i32>} : memref<64x768xf32, #tpu.memory_space<vmem>>, vector<16xf32>,
      %get3A_239 = arith.index_cast %scan3A_19 : i32 to index
      %get3A_240 = arith.constant 288 : index
      %get3A_241 = tpu.vector_load %arg12[%get3A_239, %get3A_240] {strides = array<i32>} : memref<64x768xf32, #tpu.memory_space<vmem>>, vector<16xf32>,
      %mul3A_242 = arith.mulf %gather3A, %get3A_241 : vector<16xf32>
      %get3A_243 = arith.index_cast %scan3A_19 : i32 to index
      %get3A_244 = arith.constant 288 : index
      %get3A_245 = tpu.vector_load %arg13[%get3A_243, %get3A_244] {strides = array<i32>} : memref<64x768xf32, #tpu.memory_space<vmem>>, vector<16xf32>,
      %mul3A_246 = arith.mulf %gather3A_24, %get3A_245 : vector<16xf32>
      %add3A_247 = arith.addf %mul3A_242, %mul3A_246 : vector<16xf32>
      %swap3A_248 = arith.index_cast %scan3A_19 : i32 to index
      %swap3A_249 = arith.constant 288 : index
      %swap3A_250 = tpu.vector_load %arg12[%swap3A_248, %swap3A_249] {strides = array<i32>} : memref<64x768xf32, #tpu.memory_space<vmem>>, vector<16xf32>,
      tpu.vector_store %arg12[%swap3A_248, %swap3A_249], %add3A_247 {strides = array<i32>} : memref<64x768xf32, #tpu.memory_space<vmem>>, vector<16xf32>,
      %get3A_251 = arith.index_cast %scan3A_19 : i32 to index
      %get3A_252 = arith.constant 304 : index
      %get3A_253 = tpu.vector_load %arg12[%get3A_251, %get3A_252] {strides = array<i32>} : memref<64x768xf32, #tpu.memory_space<vmem>>, vector<16xf32>,
      %mul3A_254 = arith.mulf %gather3A, %get3A_253 : vector<16xf32>
      %get3A_255 = arith.index_cast %scan3A_19 : i32 to index
      %get3A_256 = arith.constant 304 : index
      %get3A_257 = tpu.vector_load %arg13[%get3A_255, %get3A_256] {strides = array<i32>} : memref<64x768xf32, #tpu.memory_space<vmem>>, vector<16xf32>,
      %mul3A_258 = arith.mulf %gather3A_24, %get3A_257 : vector<16xf32>
      %add3A_259 = arith.addf %mul3A_254, %mul3A_258 : vector<16xf32>
      %swap3A_260 = arith.index_cast %scan3A_19 : i32 to index
      %swap3A_261 = arith.constant 304 : index
      %swap3A_262 = tpu.vector_load %arg12[%swap3A_260, %swap3A_261] {strides = array<i32>} : memref<64x768xf32, #tpu.memory_space<vmem>>, vector<16xf32>,
      tpu.vector_store %arg12[%swap3A_260, %swap3A_261], %add3A_259 {strides = array<i32>} : memref<64x768xf32, #tpu.memory_space<vmem>>, vector<16xf32>,
      %get3A_263 = arith.index_cast %scan3A_19 : i32 to index
      %get3A_264 = arith.constant 320 : index
      %get3A_265 = tpu.vector_load %arg12[%get3A_263, %get3A_264] {strides = array<i32>} : memref<64x768xf32, #tpu.memory_space<vmem>>, vector<16xf32>,
      %mul3A_266 = arith.mulf %gather3A, %get3A_265 : vector<16xf32>
      %get3A_267 = arith.index_cast %scan3A_19 : i32 to index
      %get3A_268 = arith.constant 320 : index
      %get3A_269 = tpu.vector_load %arg13[%get3A_267, %get3A_268] {strides = array<i32>} : memref<64x768xf32, #tpu.memory_space<vmem>>, vector<16xf32>,
      %mul3A_270 = arith.mulf %gather3A_24, %get3A_269 : vector<16xf32>
      %add3A_271 = arith.addf %mul3A_266, %mul3A_270 : vector<16xf32>
      %swap3A_272 = arith.index_cast %scan3A_19 : i32 to index
      %swap3A_273 = arith.constant 320 : index
      %swap3A_274 = tpu.vector_load %arg12[%swap3A_272, %swap3A_273] {strides = array<i32>} : memref<64x768xf32, #tpu.memory_space<vmem>>, vector<16xf32>,
      tpu.vector_store %arg12[%swap3A_272, %swap3A_273], %add3A_271 {strides = array<i32>} : memref<64x768xf32, #tpu.memory_space<vmem>>, vector<16xf32>,
      %get3A_275 = arith.index_cast %scan3A_19 : i32 to index
      %get3A_276 = arith.constant 336 : index
      %get3A_277 = tpu.vector_load %arg12[%get3A_275, %get3A_276] {strides = array<i32>} : memref<64x768xf32, #tpu.memory_space<vmem>>, vector<16xf32>,
      %mul3A_278 = arith.mulf %gather3A, %get3A_277 : vector<16xf32>
      %get3A_279 = arith.index_cast %scan3A_19 : i32 to index
      %get3A_280 = arith.constant 336 : index
      %get3A_281 = tpu.vector_load %arg13[%get3A_279, %get3A_280] {strides = array<i32>} : memref<64x768xf32, #tpu.memory_space<vmem>>, vector<16xf32>,
      %mul3A_282 = arith.mulf %gather3A_24, %get3A_281 : vector<16xf32>
      %add3A_283 = arith.addf %mul3A_278, %mul3A_282 : vector<16xf32>
      %swap3A_284 = arith.index_cast %scan3A_19 : i32 to index
      %swap3A_285 = arith.constant 336 : index
      %swap3A_286 = tpu.vector_load %arg12[%swap3A_284, %swap3A_285] {strides = array<i32>} : memref<64x768xf32, #tpu.memory_space<vmem>>, vector<16xf32>,
      tpu.vector_store %arg12[%swap3A_284, %swap3A_285], %add3A_283 {strides = array<i32>} : memref<64x768xf32, #tpu.memory_space<vmem>>, vector<16xf32>,
      %get3A_287 = arith.index_cast %scan3A_19 : i32 to index
      %get3A_288 = arith.constant 352 : index
      %get3A_289 = tpu.vector_load %arg12[%get3A_287, %get3A_288] {strides = array<i32>} : memref<64x768xf32, #tpu.memory_space<vmem>>, vector<16xf32>,
      %mul3A_290 = arith.mulf %gather3A, %get3A_289 : vector<16xf32>
      %get3A_291 = arith.index_cast %scan3A_19 : i32 to index
      %get3A_292 = arith.constant 352 : index
      %get3A_293 = tpu.vector_load %arg13[%get3A_291, %get3A_292] {strides = array<i32>} : memref<64x768xf32, #tpu.memory_space<vmem>>, vector<16xf32>,
      %mul3A_294 = arith.mulf %gather3A_24, %get3A_293 : vector<16xf32>
      %add3A_295 = arith.addf %mul3A_290, %mul3A_294 : vector<16xf32>
      %swap3A_296 = arith.index_cast %scan3A_19 : i32 to index
      %swap3A_297 = arith.constant 352 : index
      %swap3A_298 = tpu.vector_load %arg12[%swap3A_296, %swap3A_297] {strides = array<i32>} : memref<64x768xf32, #tpu.memory_space<vmem>>, vector<16xf32>,
      tpu.vector_store %arg12[%swap3A_296, %swap3A_297], %add3A_295 {strides = array<i32>} : memref<64x768xf32, #tpu.memory_space<vmem>>, vector<16xf32>,
      %get3A_299 = arith.index_cast %scan3A_19 : i32 to index
      %get3A_300 = arith.constant 368 : index
      %get3A_301 = tpu.vector_load %arg12[%get3A_299, %get3A_300] {strides = array<i32>} : memref<64x768xf32, #tpu.memory_space<vmem>>, vector<16xf32>,
      %mul3A_302 = arith.mulf %gather3A, %get3A_301 : vector<16xf32>
      %get3A_303 = arith.index_cast %scan3A_19 : i32 to index
      %get3A_304 = arith.constant 368 : index
      %get3A_305 = tpu.vector_load %arg13[%get3A_303, %get3A_304] {strides = array<i32>} : memref<64x768xf32, #tpu.memory_space<vmem>>, vector<16xf32>,
      %mul3A_306 = arith.mulf %gather3A_24, %get3A_305 : vector<16xf32>
      %add3A_307 = arith.addf %mul3A_302, %mul3A_306 : vector<16xf32>
      %swap3A_308 = arith.index_cast %scan3A_19 : i32 to index
      %swap3A_309 = arith.constant 368 : index
      %swap3A_310 = tpu.vector_load %arg12[%swap3A_308, %swap3A_309] {strides = array<i32>} : memref<64x768xf32, #tpu.memory_space<vmem>>, vector<16xf32>,
      tpu.vector_store %arg12[%swap3A_308, %swap3A_309], %add3A_307 {strides = array<i32>} : memref<64x768xf32, #tpu.memory_space<vmem>>, vector<16xf32>,
      %get3A_311 = arith.index_cast %scan3A_19 : i32 to index
      %get3A_312 = arith.constant 384 : index
      %get3A_313 = tpu.vector_load %arg12[%get3A_311, %get3A_312] {strides = array<i32>} : memref<64x768xf32, #tpu.memory_space<vmem>>, vector<16xf32>,
      %mul3A_314 = arith.mulf %gather3A, %get3A_313 : vector<16xf32>
      %get3A_315 = arith.index_cast %scan3A_19 : i32 to index
      %get3A_316 = arith.constant 384 : index
      %get3A_317 = tpu.vector_load %arg13[%get3A_315, %get3A_316] {strides = array<i32>} : memref<64x768xf32, #tpu.memory_space<vmem>>, vector<16xf32>,
      %mul3A_318 = arith.mulf %gather3A_24, %get3A_317 : vector<16xf32>
      %add3A_319 = arith.addf %mul3A_314, %mul3A_318 : vector<16xf32>
      %swap3A_320 = arith.index_cast %scan3A_19 : i32 to index
      %swap3A_321 = arith.constant 384 : index
      %swap3A_322 = tpu.vector_load %arg12[%swap3A_320, %swap3A_321] {strides = array<i32>} : memref<64x768xf32, #tpu.memory_space<vmem>>, vector<16xf32>,
      tpu.vector_store %arg12[%swap3A_320, %swap3A_321], %add3A_319 {strides = array<i32>} : memref<64x768xf32, #tpu.memory_space<vmem>>, vector<16xf32>,
      %get3A_323 = arith.index_cast %scan3A_19 : i32 to index
      %get3A_324 = arith.constant 400 : index
      %get3A_325 = tpu.vector_load %arg12[%get3A_323, %get3A_324] {strides = array<i32>} : memref<64x768xf32, #tpu.memory_space<vmem>>, vector<16xf32>,
      %mul3A_326 = arith.mulf %gather3A, %get3A_325 : vector<16xf32>
      %get3A_327 = arith.index_cast %scan3A_19 : i32 to index
      %get3A_328 = arith.constant 400 : index
      %get3A_329 = tpu.vector_load %arg13[%get3A_327, %get3A_328] {strides = array<i32>} : memref<64x768xf32, #tpu.memory_space<vmem>>, vector<16xf32>,
      %mul3A_330 = arith.mulf %gather3A_24, %get3A_329 : vector<16xf32>
      %add3A_331 = arith.addf %mul3A_326, %mul3A_330 : vector<16xf32>
      %swap3A_332 = arith.index_cast %scan3A_19 : i32 to index
      %swap3A_333 = arith.constant 400 : index
      %swap3A_334 = tpu.vector_load %arg12[%swap3A_332, %swap3A_333] {strides = array<i32>} : memref<64x768xf32, #tpu.memory_space<vmem>>, vector<16xf32>,
      tpu.vector_store %arg12[%swap3A_332, %swap3A_333], %add3A_331 {strides = array<i32>} : memref<64x768xf32, #tpu.memory_space<vmem>>, vector<16xf32>,
      %get3A_335 = arith.index_cast %scan3A_19 : i32 to index
      %get3A_336 = arith.constant 416 : index
      %get3A_337 = tpu.vector_load %arg12[%get3A_335, %get3A_336] {strides = array<i32>} : memref<64x768xf32, #tpu.memory_space<vmem>>, vector<16xf32>,
      %mul3A_338 = arith.mulf %gather3A, %get3A_337 : vector<16xf32>
      %get3A_339 = arith.index_cast %scan3A_19 : i32 to index
      %get3A_340 = arith.constant 416 : index
      %get3A_341 = tpu.vector_load %arg13[%get3A_339, %get3A_340] {strides = array<i32>} : memref<64x768xf32, #tpu.memory_space<vmem>>, vector<16xf32>,
      %mul3A_342 = arith.mulf %gather3A_24, %get3A_341 : vector<16xf32>
      %add3A_343 = arith.addf %mul3A_338, %mul3A_342 : vector<16xf32>
      %swap3A_344 = arith.index_cast %scan3A_19 : i32 to index
      %swap3A_345 = arith.constant 416 : index
      %swap3A_346 = tpu.vector_load %arg12[%swap3A_344, %swap3A_345] {strides = array<i32>} : memref<64x768xf32, #tpu.memory_space<vmem>>, vector<16xf32>,
      tpu.vector_store %arg12[%swap3A_344, %swap3A_345], %add3A_343 {strides = array<i32>} : memref<64x768xf32, #tpu.memory_space<vmem>>, vector<16xf32>,
      %get3A_347 = arith.index_cast %scan3A_19 : i32 to index
      %get3A_348 = arith.constant 432 : index
      %get3A_349 = tpu.vector_load %arg12[%get3A_347, %get3A_348] {strides = array<i32>} : memref<64x768xf32, #tpu.memory_space<vmem>>, vector<16xf32>,
      %mul3A_350 = arith.mulf %gather3A, %get3A_349 : vector<16xf32>
      %get3A_351 = arith.index_cast %scan3A_19 : i32 to index
      %get3A_352 = arith.constant 432 : index
      %get3A_353 = tpu.vector_load %arg13[%get3A_351, %get3A_352] {strides = array<i32>} : memref<64x768xf32, #tpu.memory_space<vmem>>, vector<16xf32>,
      %mul3A_354 = arith.mulf %gather3A_24, %get3A_353 : vector<16xf32>
      %add3A_355 = arith.addf %mul3A_350, %mul3A_354 : vector<16xf32>
      %swap3A_356 = arith.index_cast %scan3A_19 : i32 to index
      %swap3A_357 = arith.constant 432 : index
      %swap3A_358 = tpu.vector_load %arg12[%swap3A_356, %swap3A_357] {strides = array<i32>} : memref<64x768xf32, #tpu.memory_space<vmem>>, vector<16xf32>,
      tpu.vector_store %arg12[%swap3A_356, %swap3A_357], %add3A_355 {strides = array<i32>} : memref<64x768xf32, #tpu.memory_space<vmem>>, vector<16xf32>,
      %get3A_359 = arith.index_cast %scan3A_19 : i32 to index
      %get3A_360 = arith.constant 448 : index
      %get3A_361 = tpu.vector_load %arg12[%get3A_359, %get3A_360] {strides = array<i32>} : memref<64x768xf32, #tpu.memory_space<vmem>>, vector<16xf32>,
      %mul3A_362 = arith.mulf %gather3A, %get3A_361 : vector<16xf32>
      %get3A_363 = arith.index_cast %scan3A_19 : i32 to index
      %get3A_364 = arith.constant 448 : index
      %get3A_365 = tpu.vector_load %arg13[%get3A_363, %get3A_364] {strides = array<i32>} : memref<64x768xf32, #tpu.memory_space<vmem>>, vector<16xf32>,
      %mul3A_366 = arith.mulf %gather3A_24, %get3A_365 : vector<16xf32>
      %add3A_367 = arith.addf %mul3A_362, %mul3A_366 : vector<16xf32>
      %swap3A_368 = arith.index_cast %scan3A_19 : i32 to index
      %swap3A_369 = arith.constant 448 : index
      %swap3A_370 = tpu.vector_load %arg12[%swap3A_368, %swap3A_369] {strides = array<i32>} : memref<64x768xf32, #tpu.memory_space<vmem>>, vector<16xf32>,
      tpu.vector_store %arg12[%swap3A_368, %swap3A_369], %add3A_367 {strides = array<i32>} : memref<64x768xf32, #tpu.memory_space<vmem>>, vector<16xf32>,
      %get3A_371 = arith.index_cast %scan3A_19 : i32 to index
      %get3A_372 = arith.constant 464 : index
      %get3A_373 = tpu.vector_load %arg12[%get3A_371, %get3A_372] {strides = array<i32>} : memref<64x768xf32, #tpu.memory_space<vmem>>, vector<16xf32>,
      %mul3A_374 = arith.mulf %gather3A, %get3A_373 : vector<16xf32>
      %get3A_375 = arith.index_cast %scan3A_19 : i32 to index
      %get3A_376 = arith.constant 464 : index
      %get3A_377 = tpu.vector_load %arg13[%get3A_375, %get3A_376] {strides = array<i32>} : memref<64x768xf32, #tpu.memory_space<vmem>>, vector<16xf32>,
      %mul3A_378 = arith.mulf %gather3A_24, %get3A_377 : vector<16xf32>
      %add3A_379 = arith.addf %mul3A_374, %mul3A_378 : vector<16xf32>
      %swap3A_380 = arith.index_cast %scan3A_19 : i32 to index
      %swap3A_381 = arith.constant 464 : index
      %swap3A_382 = tpu.vector_load %arg12[%swap3A_380, %swap3A_381] {strides = array<i32>} : memref<64x768xf32, #tpu.memory_space<vmem>>, vector<16xf32>,
      tpu.vector_store %arg12[%swap3A_380, %swap3A_381], %add3A_379 {strides = array<i32>} : memref<64x768xf32, #tpu.memory_space<vmem>>, vector<16xf32>,
      %get3A_383 = arith.index_cast %scan3A_19 : i32 to index
      %get3A_384 = arith.constant 480 : index
      %get3A_385 = tpu.vector_load %arg12[%get3A_383, %get3A_384] {strides = array<i32>} : memref<64x768xf32, #tpu.memory_space<vmem>>, vector<16xf32>,
      %mul3A_386 = arith.mulf %gather3A, %get3A_385 : vector<16xf32>
      %get3A_387 = arith.index_cast %scan3A_19 : i32 to index
      %get3A_388 = arith.constant 480 : index
      %get3A_389 = tpu.vector_load %arg13[%get3A_387, %get3A_388] {strides = array<i32>} : memref<64x768xf32, #tpu.memory_space<vmem>>, vector<16xf32>,
      %mul3A_390 = arith.mulf %gather3A_24, %get3A_389 : vector<16xf32>
      %add3A_391 = arith.addf %mul3A_386, %mul3A_390 : vector<16xf32>
      %swap3A_392 = arith.index_cast %scan3A_19 : i32 to index
      %swap3A_393 = arith.constant 480 : index
      %swap3A_394 = tpu.vector_load %arg12[%swap3A_392, %swap3A_393] {strides = array<i32>} : memref<64x768xf32, #tpu.memory_space<vmem>>, vector<16xf32>,
      tpu.vector_store %arg12[%swap3A_392, %swap3A_393], %add3A_391 {strides = array<i32>} : memref<64x768xf32, #tpu.memory_space<vmem>>, vector<16xf32>,
      %get3A_395 = arith.index_cast %scan3A_19 : i32 to index
      %get3A_396 = arith.constant 496 : index
      %get3A_397 = tpu.vector_load %arg12[%get3A_395, %get3A_396] {strides = array<i32>} : memref<64x768xf32, #tpu.memory_space<vmem>>, vector<16xf32>,
      %mul3A_398 = arith.mulf %gather3A, %get3A_397 : vector<16xf32>
      %get3A_399 = arith.index_cast %scan3A_19 : i32 to index
      %get3A_400 = arith.constant 496 : index
      %get3A_401 = tpu.vector_load %arg13[%get3A_399, %get3A_400] {strides = array<i32>} : memref<64x768xf32, #tpu.memory_space<vmem>>, vector<16xf32>,
      %mul3A_402 = arith.mulf %gather3A_24, %get3A_401 : vector<16xf32>
      %add3A_403 = arith.addf %mul3A_398, %mul3A_402 : vector<16xf32>
      %swap3A_404 = arith.index_cast %scan3A_19 : i32 to index
      %swap3A_405 = arith.constant 496 : index
      %swap3A_406 = tpu.vector_load %arg12[%swap3A_404, %swap3A_405] {strides = array<i32>} : memref<64x768xf32, #tpu.memory_space<vmem>>, vector<16xf32>,
      tpu.vector_store %arg12[%swap3A_404, %swap3A_405], %add3A_403 {strides = array<i32>} : memref<64x768xf32, #tpu.memory_space<vmem>>, vector<16xf32>,
      %get3A_407 = arith.index_cast %scan3A_19 : i32 to index
      %get3A_408 = arith.constant 512 : index
      %get3A_409 = tpu.vector_load %arg12[%get3A_407, %get3A_408] {strides = array<i32>} : memref<64x768xf32, #tpu.memory_space<vmem>>, vector<16xf32>,
      %mul3A_410 = arith.mulf %gather3A, %get3A_409 : vector<16xf32>
      %get3A_411 = arith.index_cast %scan3A_19 : i32 to index
      %get3A_412 = arith.constant 512 : index
      %get3A_413 = tpu.vector_load %arg13[%get3A_411, %get3A_412] {strides = array<i32>} : memref<64x768xf32, #tpu.memory_space<vmem>>, vector<16xf32>,
      %mul3A_414 = arith.mulf %gather3A_24, %get3A_413 : vector<16xf32>
      %add3A_415 = arith.addf %mul3A_410, %mul3A_414 : vector<16xf32>
      %swap3A_416 = arith.index_cast %scan3A_19 : i32 to index
      %swap3A_417 = arith.constant 512 : index
      %swap3A_418 = tpu.vector_load %arg12[%swap3A_416, %swap3A_417] {strides = array<i32>} : memref<64x768xf32, #tpu.memory_space<vmem>>, vector<16xf32>,
      tpu.vector_store %arg12[%swap3A_416, %swap3A_417], %add3A_415 {strides = array<i32>} : memref<64x768xf32, #tpu.memory_space<vmem>>, vector<16xf32>,
      %get3A_419 = arith.index_cast %scan3A_19 : i32 to index
      %get3A_420 = arith.constant 528 : index
      %get3A_421 = tpu.vector_load %arg12[%get3A_419, %get3A_420] {strides = array<i32>} : memref<64x768xf32, #tpu.memory_space<vmem>>, vector<16xf32>,
      %mul3A_422 = arith.mulf %gather3A, %get3A_421 : vector<16xf32>
      %get3A_423 = arith.index_cast %scan3A_19 : i32 to index
      %get3A_424 = arith.constant 528 : index
      %get3A_425 = tpu.vector_load %arg13[%get3A_423, %get3A_424] {strides = array<i32>} : memref<64x768xf32, #tpu.memory_space<vmem>>, vector<16xf32>,
      %mul3A_426 = arith.mulf %gather3A_24, %get3A_425 : vector<16xf32>
      %add3A_427 = arith.addf %mul3A_422, %mul3A_426 : vector<16xf32>
      %swap3A_428 = arith.index_cast %scan3A_19 : i32 to index
      %swap3A_429 = arith.constant 528 : index
      %swap3A_430 = tpu.vector_load %arg12[%swap3A_428, %swap3A_429] {strides = array<i32>} : memref<64x768xf32, #tpu.memory_space<vmem>>, vector<16xf32>,
      tpu.vector_store %arg12[%swap3A_428, %swap3A_429], %add3A_427 {strides = array<i32>} : memref<64x768xf32, #tpu.memory_space<vmem>>, vector<16xf32>,
      %get3A_431 = arith.index_cast %scan3A_19 : i32 to index
      %get3A_432 = arith.constant 544 : index
      %get3A_433 = tpu.vector_load %arg12[%get3A_431, %get3A_432] {strides = array<i32>} : memref<64x768xf32, #tpu.memory_space<vmem>>, vector<16xf32>,
      %mul3A_434 = arith.mulf %gather3A, %get3A_433 : vector<16xf32>
      %get3A_435 = arith.index_cast %scan3A_19 : i32 to index
      %get3A_436 = arith.constant 544 : index
      %get3A_437 = tpu.vector_load %arg13[%get3A_435, %get3A_436] {strides = array<i32>} : memref<64x768xf32, #tpu.memory_space<vmem>>, vector<16xf32>,
      %mul3A_438 = arith.mulf %gather3A_24, %get3A_437 : vector<16xf32>
      %add3A_439 = arith.addf %mul3A_434, %mul3A_438 : vector<16xf32>
      %swap3A_440 = arith.index_cast %scan3A_19 : i32 to index
      %swap3A_441 = arith.constant 544 : index
      %swap3A_442 = tpu.vector_load %arg12[%swap3A_440, %swap3A_441] {strides = array<i32>} : memref<64x768xf32, #tpu.memory_space<vmem>>, vector<16xf32>,
      tpu.vector_store %arg12[%swap3A_440, %swap3A_441], %add3A_439 {strides = array<i32>} : memref<64x768xf32, #tpu.memory_space<vmem>>, vector<16xf32>,
      %get3A_443 = arith.index_cast %scan3A_19 : i32 to index
      %get3A_444 = arith.constant 560 : index
      %get3A_445 = tpu.vector_load %arg12[%get3A_443, %get3A_444] {strides = array<i32>} : memref<64x768xf32, #tpu.memory_space<vmem>>, vector<16xf32>,
      %mul3A_446 = arith.mulf %gather3A, %get3A_445 : vector<16xf32>
      %get3A_447 = arith.index_cast %scan3A_19 : i32 to index
      %get3A_448 = arith.constant 560 : index
      %get3A_449 = tpu.vector_load %arg13[%get3A_447, %get3A_448] {strides = array<i32>} : memref<64x768xf32, #tpu.memory_space<vmem>>, vector<16xf32>,
      %mul3A_450 = arith.mulf %gather3A_24, %get3A_449 : vector<16xf32>
      %add3A_451 = arith.addf %mul3A_446, %mul3A_450 : vector<16xf32>
      %swap3A_452 = arith.index_cast %scan3A_19 : i32 to index
      %swap3A_453 = arith.constant 560 : index
      %swap3A_454 = tpu.vector_load %arg12[%swap3A_452, %swap3A_453] {strides = array<i32>} : memref<64x768xf32, #tpu.memory_space<vmem>>, vector<16xf32>,
      tpu.vector_store %arg12[%swap3A_452, %swap3A_453], %add3A_451 {strides = array<i32>} : memref<64x768xf32, #tpu.memory_space<vmem>>, vector<16xf32>,
      %get3A_455 = arith.index_cast %scan3A_19 : i32 to index
      %get3A_456 = arith.constant 576 : index
      %get3A_457 = tpu.vector_load %arg12[%get3A_455, %get3A_456] {strides = array<i32>} : memref<64x768xf32, #tpu.memory_space<vmem>>, vector<16xf32>,
      %mul3A_458 = arith.mulf %gather3A, %get3A_457 : vector<16xf32>
      %get3A_459 = arith.index_cast %scan3A_19 : i32 to index
      %get3A_460 = arith.constant 576 : index
      %get3A_461 = tpu.vector_load %arg13[%get3A_459, %get3A_460] {strides = array<i32>} : memref<64x768xf32, #tpu.memory_space<vmem>>, vector<16xf32>,
      %mul3A_462 = arith.mulf %gather3A_24, %get3A_461 : vector<16xf32>
      %add3A_463 = arith.addf %mul3A_458, %mul3A_462 : vector<16xf32>
      %swap3A_464 = arith.index_cast %scan3A_19 : i32 to index
      %swap3A_465 = arith.constant 576 : index
      %swap3A_466 = tpu.vector_load %arg12[%swap3A_464, %swap3A_465] {strides = array<i32>} : memref<64x768xf32, #tpu.memory_space<vmem>>, vector<16xf32>,
      tpu.vector_store %arg12[%swap3A_464, %swap3A_465], %add3A_463 {strides = array<i32>} : memref<64x768xf32, #tpu.memory_space<vmem>>, vector<16xf32>,
      %get3A_467 = arith.index_cast %scan3A_19 : i32 to index
      %get3A_468 = arith.constant 592 : index
      %get3A_469 = tpu.vector_load %arg12[%get3A_467, %get3A_468] {strides = array<i32>} : memref<64x768xf32, #tpu.memory_space<vmem>>, vector<16xf32>,
      %mul3A_470 = arith.mulf %gather3A, %get3A_469 : vector<16xf32>
      %get3A_471 = arith.index_cast %scan3A_19 : i32 to index
      %get3A_472 = arith.constant 592 : index
      %get3A_473 = tpu.vector_load %arg13[%get3A_471, %get3A_472] {strides = array<i32>} : memref<64x768xf32, #tpu.memory_space<vmem>>, vector<16xf32>,
      %mul3A_474 = arith.mulf %gather3A_24, %get3A_473 : vector<16xf32>
      %add3A_475 = arith.addf %mul3A_470, %mul3A_474 : vector<16xf32>
      %swap3A_476 = arith.index_cast %scan3A_19 : i32 to index
      %swap3A_477 = arith.constant 592 : index
      %swap3A_478 = tpu.vector_load %arg12[%swap3A_476, %swap3A_477] {strides = array<i32>} : memref<64x768xf32, #tpu.memory_space<vmem>>, vector<16xf32>,
      tpu.vector_store %arg12[%swap3A_476, %swap3A_477], %add3A_475 {strides = array<i32>} : memref<64x768xf32, #tpu.memory_space<vmem>>, vector<16xf32>,
      %get3A_479 = arith.index_cast %scan3A_19 : i32 to index
      %get3A_480 = arith.constant 608 : index
      %get3A_481 = tpu.vector_load %arg12[%get3A_479, %get3A_480] {strides = array<i32>} : memref<64x768xf32, #tpu.memory_space<vmem>>, vector<16xf32>,
      %mul3A_482 = arith.mulf %gather3A, %get3A_481 : vector<16xf32>
      %get3A_483 = arith.index_cast %scan3A_19 : i32 to index
      %get3A_484 = arith.constant 608 : index
      %get3A_485 = tpu.vector_load %arg13[%get3A_483, %get3A_484] {strides = array<i32>} : memref<64x768xf32, #tpu.memory_space<vmem>>, vector<16xf32>,
      %mul3A_486 = arith.mulf %gather3A_24, %get3A_485 : vector<16xf32>
      %add3A_487 = arith.addf %mul3A_482, %mul3A_486 : vector<16xf32>
      %swap3A_488 = arith.index_cast %scan3A_19 : i32 to index
      %swap3A_489 = arith.constant 608 : index
      %swap3A_490 = tpu.vector_load %arg12[%swap3A_488, %swap3A_489] {strides = array<i32>} : memref<64x768xf32, #tpu.memory_space<vmem>>, vector<16xf32>,
      tpu.vector_store %arg12[%swap3A_488, %swap3A_489], %add3A_487 {strides = array<i32>} : memref<64x768xf32, #tpu.memory_space<vmem>>, vector<16xf32>,
      %get3A_491 = arith.index_cast %scan3A_19 : i32 to index
      %get3A_492 = arith.constant 624 : index
      %get3A_493 = tpu.vector_load %arg12[%get3A_491, %get3A_492] {strides = array<i32>} : memref<64x768xf32, #tpu.memory_space<vmem>>, vector<16xf32>,
      %mul3A_494 = arith.mulf %gather3A, %get3A_493 : vector<16xf32>
      %get3A_495 = arith.index_cast %scan3A_19 : i32 to index
      %get3A_496 = arith.constant 624 : index
      %get3A_497 = tpu.vector_load %arg13[%get3A_495, %get3A_496] {strides = array<i32>} : memref<64x768xf32, #tpu.memory_space<vmem>>, vector<16xf32>,
      %mul3A_498 = arith.mulf %gather3A_24, %get3A_497 : vector<16xf32>
      %add3A_499 = arith.addf %mul3A_494, %mul3A_498 : vector<16xf32>
      %swap3A_500 = arith.index_cast %scan3A_19 : i32 to index
      %swap3A_501 = arith.constant 624 : index
      %swap3A_502 = tpu.vector_load %arg12[%swap3A_500, %swap3A_501] {strides = array<i32>} : memref<64x768xf32, #tpu.memory_space<vmem>>, vector<16xf32>,
      tpu.vector_store %arg12[%swap3A_500, %swap3A_501], %add3A_499 {strides = array<i32>} : memref<64x768xf32, #tpu.memory_space<vmem>>, vector<16xf32>,
      %get3A_503 = arith.index_cast %scan3A_19 : i32 to index
      %get3A_504 = arith.constant 640 : index
      %get3A_505 = tpu.vector_load %arg12[%get3A_503, %get3A_504] {strides = array<i32>} : memref<64x768xf32, #tpu.memory_space<vmem>>, vector<16xf32>,
      %mul3A_506 = arith.mulf %gather3A, %get3A_505 : vector<16xf32>
      %get3A_507 = arith.index_cast %scan3A_19 : i32 to index
      %get3A_508 = arith.constant 640 : index
      %get3A_509 = tpu.vector_load %arg13[%get3A_507, %get3A_508] {strides = array<i32>} : memref<64x768xf32, #tpu.memory_space<vmem>>, vector<16xf32>,
      %mul3A_510 = arith.mulf %gather3A_24, %get3A_509 : vector<16xf32>
      %add3A_511 = arith.addf %mul3A_506, %mul3A_510 : vector<16xf32>
      %swap3A_512 = arith.index_cast %scan3A_19 : i32 to index
      %swap3A_513 = arith.constant 640 : index
      %swap3A_514 = tpu.vector_load %arg12[%swap3A_512, %swap3A_513] {strides = array<i32>} : memref<64x768xf32, #tpu.memory_space<vmem>>, vector<16xf32>,
      tpu.vector_store %arg12[%swap3A_512, %swap3A_513], %add3A_511 {strides = array<i32>} : memref<64x768xf32, #tpu.memory_space<vmem>>, vector<16xf32>,
      %get3A_515 = arith.index_cast %scan3A_19 : i32 to index
      %get3A_516 = arith.constant 656 : index
      %get3A_517 = tpu.vector_load %arg12[%get3A_515, %get3A_516] {strides = array<i32>} : memref<64x768xf32, #tpu.memory_space<vmem>>, vector<16xf32>,
      %mul3A_518 = arith.mulf %gather3A, %get3A_517 : vector<16xf32>
      %get3A_519 = arith.index_cast %scan3A_19 : i32 to index
      %get3A_520 = arith.constant 656 : index
      %get3A_521 = tpu.vector_load %arg13[%get3A_519, %get3A_520] {strides = array<i32>} : memref<64x768xf32, #tpu.memory_space<vmem>>, vector<16xf32>,
      %mul3A_522 = arith.mulf %gather3A_24, %get3A_521 : vector<16xf32>
      %add3A_523 = arith.addf %mul3A_518, %mul3A_522 : vector<16xf32>
      %swap3A_524 = arith.index_cast %scan3A_19 : i32 to index
      %swap3A_525 = arith.constant 656 : index
      %swap3A_526 = tpu.vector_load %arg12[%swap3A_524, %swap3A_525] {strides = array<i32>} : memref<64x768xf32, #tpu.memory_space<vmem>>, vector<16xf32>,
      tpu.vector_store %arg12[%swap3A_524, %swap3A_525], %add3A_523 {strides = array<i32>} : memref<64x768xf32, #tpu.memory_space<vmem>>, vector<16xf32>,
      %get3A_527 = arith.index_cast %scan3A_19 : i32 to index
      %get3A_528 = arith.constant 672 : index
      %get3A_529 = tpu.vector_load %arg12[%get3A_527, %get3A_528] {strides = array<i32>} : memref<64x768xf32, #tpu.memory_space<vmem>>, vector<16xf32>,
      %mul3A_530 = arith.mulf %gather3A, %get3A_529 : vector<16xf32>
      %get3A_531 = arith.index_cast %scan3A_19 : i32 to index
      %get3A_532 = arith.constant 672 : index
      %get3A_533 = tpu.vector_load %arg13[%get3A_531, %get3A_532] {strides = array<i32>} : memref<64x768xf32, #tpu.memory_space<vmem>>, vector<16xf32>,
      %mul3A_534 = arith.mulf %gather3A_24, %get3A_533 : vector<16xf32>
      %add3A_535 = arith.addf %mul3A_530, %mul3A_534 : vector<16xf32>
      %swap3A_536 = arith.index_cast %scan3A_19 : i32 to index
      %swap3A_537 = arith.constant 672 : index
      %swap3A_538 = tpu.vector_load %arg12[%swap3A_536, %swap3A_537] {strides = array<i32>} : memref<64x768xf32, #tpu.memory_space<vmem>>, vector<16xf32>,
      tpu.vector_store %arg12[%swap3A_536, %swap3A_537], %add3A_535 {strides = array<i32>} : memref<64x768xf32, #tpu.memory_space<vmem>>, vector<16xf32>,
      %get3A_539 = arith.index_cast %scan3A_19 : i32 to index
      %get3A_540 = arith.constant 688 : index
      %get3A_541 = tpu.vector_load %arg12[%get3A_539, %get3A_540] {strides = array<i32>} : memref<64x768xf32, #tpu.memory_space<vmem>>, vector<16xf32>,
      %mul3A_542 = arith.mulf %gather3A, %get3A_541 : vector<16xf32>
      %get3A_543 = arith.index_cast %scan3A_19 : i32 to index
      %get3A_544 = arith.constant 688 : index
      %get3A_545 = tpu.vector_load %arg13[%get3A_543, %get3A_544] {strides = array<i32>} : memref<64x768xf32, #tpu.memory_space<vmem>>, vector<16xf32>,
      %mul3A_546 = arith.mulf %gather3A_24, %get3A_545 : vector<16xf32>
      %add3A_547 = arith.addf %mul3A_542, %mul3A_546 : vector<16xf32>
      %swap3A_548 = arith.index_cast %scan3A_19 : i32 to index
      %swap3A_549 = arith.constant 688 : index
      %swap3A_550 = tpu.vector_load %arg12[%swap3A_548, %swap3A_549] {strides = array<i32>} : memref<64x768xf32, #tpu.memory_space<vmem>>, vector<16xf32>,
      tpu.vector_store %arg12[%swap3A_548, %swap3A_549], %add3A_547 {strides = array<i32>} : memref<64x768xf32, #tpu.memory_space<vmem>>, vector<16xf32>,
      %get3A_551 = arith.index_cast %scan3A_19 : i32 to index
      %get3A_552 = arith.constant 704 : index
      %get3A_553 = tpu.vector_load %arg12[%get3A_551, %get3A_552] {strides = array<i32>} : memref<64x768xf32, #tpu.memory_space<vmem>>, vector<16xf32>,
      %mul3A_554 = arith.mulf %gather3A, %get3A_553 : vector<16xf32>
      %get3A_555 = arith.index_cast %scan3A_19 : i32 to index
      %get3A_556 = arith.constant 704 : index
      %get3A_557 = tpu.vector_load %arg13[%get3A_555, %get3A_556] {strides = array<i32>} : memref<64x768xf32, #tpu.memory_space<vmem>>, vector<16xf32>,
      %mul3A_558 = arith.mulf %gather3A_24, %get3A_557 : vector<16xf32>
      %add3A_559 = arith.addf %mul3A_554, %mul3A_558 : vector<16xf32>
      %swap3A_560 = arith.index_cast %scan3A_19 : i32 to index
      %swap3A_561 = arith.constant 704 : index
      %swap3A_562 = tpu.vector_load %arg12[%swap3A_560, %swap3A_561] {strides = array<i32>} : memref<64x768xf32, #tpu.memory_space<vmem>>, vector<16xf32>,
      tpu.vector_store %arg12[%swap3A_560, %swap3A_561], %add3A_559 {strides = array<i32>} : memref<64x768xf32, #tpu.memory_space<vmem>>, vector<16xf32>,
      %get3A_563 = arith.index_cast %scan3A_19 : i32 to index
      %get3A_564 = arith.constant 720 : index
      %get3A_565 = tpu.vector_load %arg12[%get3A_563, %get3A_564] {strides = array<i32>} : memref<64x768xf32, #tpu.memory_space<vmem>>, vector<16xf32>,
      %mul3A_566 = arith.mulf %gather3A, %get3A_565 : vector<16xf32>
      %get3A_567 = arith.index_cast %scan3A_19 : i32 to index
      %get3A_568 = arith.constant 720 : index
      %get3A_569 = tpu.vector_load %arg13[%get3A_567, %get3A_568] {strides = array<i32>} : memref<64x768xf32, #tpu.memory_space<vmem>>, vector<16xf32>,
      %mul3A_570 = arith.mulf %gather3A_24, %get3A_569 : vector<16xf32>
      %add3A_571 = arith.addf %mul3A_566, %mul3A_570 : vector<16xf32>
      %swap3A_572 = arith.index_cast %scan3A_19 : i32 to index
      %swap3A_573 = arith.constant 720 : index
      %swap3A_574 = tpu.vector_load %arg12[%swap3A_572, %swap3A_573] {strides = array<i32>} : memref<64x768xf32, #tpu.memory_space<vmem>>, vector<16xf32>,
      tpu.vector_store %arg12[%swap3A_572, %swap3A_573], %add3A_571 {strides = array<i32>} : memref<64x768xf32, #tpu.memory_space<vmem>>, vector<16xf32>,
      %get3A_575 = arith.index_cast %scan3A_19 : i32 to index
      %get3A_576 = arith.constant 736 : index
      %get3A_577 = tpu.vector_load %arg12[%get3A_575, %get3A_576] {strides = array<i32>} : memref<64x768xf32, #tpu.memory_space<vmem>>, vector<16xf32>,
      %mul3A_578 = arith.mulf %gather3A, %get3A_577 : vector<16xf32>
      %get3A_579 = arith.index_cast %scan3A_19 : i32 to index
      %get3A_580 = arith.constant 736 : index
      %get3A_581 = tpu.vector_load %arg13[%get3A_579, %get3A_580] {strides = array<i32>} : memref<64x768xf32, #tpu.memory_space<vmem>>, vector<16xf32>,
      %mul3A_582 = arith.mulf %gather3A_24, %get3A_581 : vector<16xf32>
      %add3A_583 = arith.addf %mul3A_578, %mul3A_582 : vector<16xf32>
      %swap3A_584 = arith.index_cast %scan3A_19 : i32 to index
      %swap3A_585 = arith.constant 736 : index
      %swap3A_586 = tpu.vector_load %arg12[%swap3A_584, %swap3A_585] {strides = array<i32>} : memref<64x768xf32, #tpu.memory_space<vmem>>, vector<16xf32>,
      tpu.vector_store %arg12[%swap3A_584, %swap3A_585], %add3A_583 {strides = array<i32>} : memref<64x768xf32, #tpu.memory_space<vmem>>, vector<16xf32>,
      %get3A_587 = arith.index_cast %scan3A_19 : i32 to index
      %get3A_588 = arith.constant 752 : index
      %get3A_589 = tpu.vector_load %arg12[%get3A_587, %get3A_588] {strides = array<i32>} : memref<64x768xf32, #tpu.memory_space<vmem>>, vector<16xf32>,
      %mul3A_590 = arith.mulf %gather3A, %get3A_589 : vector<16xf32>
      %get3A_591 = arith.index_cast %scan3A_19 : i32 to index
      %get3A_592 = arith.constant 752 : index
      %get3A_593 = tpu.vector_load %arg13[%get3A_591, %get3A_592] {strides = array<i32>} : memref<64x768xf32, #tpu.memory_space<vmem>>, vector<16xf32>,
      %mul3A_594 = arith.mulf %gather3A_24, %get3A_593 : vector<16xf32>
      %add3A_595 = arith.addf %mul3A_590, %mul3A_594 : vector<16xf32>
      %swap3A_596 = arith.index_cast %scan3A_19 : i32 to index
      %swap3A_597 = arith.constant 752 : index
      %swap3A_598 = tpu.vector_load %arg12[%swap3A_596, %swap3A_597] {strides = array<i32>} : memref<64x768xf32, #tpu.memory_space<vmem>>, vector<16xf32>,
      tpu.vector_store %arg12[%swap3A_596, %swap3A_597], %add3A_595 {strides = array<i32>} : memref<64x768xf32, #tpu.memory_space<vmem>>, vector<16xf32>,
      %scan3A_599 = arith.constant 0 : i32
      scf.yield %scan3A_599 : i32
    }
    %scan3A_18 = arith.constant 64 : i32
    "tpu.region"() ({
      %run_scoped3A = tpu.sem_alloc : memref<!tpu.dma_semaphore, #tpu.memory_space<semaphore_mem>>
      %dma_start3A_19 = arith.constant 0 : i32
      %dma_start3A_20 = tpu.memref_slice %arg7[%mul3A_2, %dma_start3A_19] : memref<2048x768xf32, #tpu.memory_space<hbm>> -> memref<64x768xf32, #tpu.memory_space<hbm>>
      %dma_start3A_21 = arith.constant 0 : i32
      %dma_start3A_22 = tpu.memref_slice %arg7[%mul3A_2, %dma_start3A_21] : memref<2048x768xf32, #tpu.memory_space<hbm>> -> memref<64x768xf32, #tpu.memory_space<hbm>>
      tpu.enqueue_dma source(%arg12 : memref<64x768xf32, #tpu.memory_space<vmem>>) target(%dma_start3A_22 : memref<64x768xf32, #tpu.memory_space<hbm>>) target_semaphore(%run_scoped3A : memref<!tpu.dma_semaphore, #tpu.memory_space<semaphore_mem>>)
      %dma_wait3A_23 = arith.constant 0 : i32
      %dma_wait3A_24 = tpu.memref_slice %arg7[%mul3A_2, %dma_wait3A_23] : memref<2048x768xf32, #tpu.memory_space<hbm>> -> memref<64x768xf32, #tpu.memory_space<hbm>>
      %dma_wait3A_25 = arith.constant 0 : i32
      %dma_wait3A_26 = tpu.memref_slice %arg7[%mul3A_2, %dma_wait3A_25] : memref<2048x768xf32, #tpu.memory_space<hbm>> -> memref<64x768xf32, #tpu.memory_space<hbm>>
      tpu.wait_dma2 semaphore(%run_scoped3A : memref<!tpu.dma_semaphore, #tpu.memory_space<semaphore_mem>>) src(%arg12 : memref<64x768xf32, #tpu.memory_space<vmem>>) dst(%dma_wait3A_26 : memref<64x768xf32, #tpu.memory_space<hbm>>)
      tpu.yield
    }) : () -> ()
    return
  }
}

module attributes {stable_mosaic.version = 14 : i64} {
  func.func @_router_body(%arg0: memref<2048x768xf32, #tpu.memory_space<vmem>>, %arg1: memref<128x768xf32, #tpu.memory_space<vmem>>, %arg2: memref<4096x1xi32, #tpu.memory_space<vmem>>, %arg3: memref<2048x1xf32, #tpu.memory_space<vmem>>, %arg4: memref<2048x1xf32, #tpu.memory_space<vmem>>, %arg5: memref<1x128xi32, #tpu.memory_space<vmem>>, %arg6: memref<1x1xf32, #tpu.memory_space<vmem>>) attributes {dimension_semantics = [], scalar_prefetch = 0 : i64, scratch_operands = 0 : i64, tpu.core_type = #tpu.core_type<tc>} {
    %get3A = arith.constant 0 : index
    %get3A_0 = arith.constant 0 : index
    %get3A_1 = vector.load %arg0[%get3A, %get3A_0] : memref<2048x768xf32, #tpu.memory_space<vmem>>, vector<2048x768xf32>
    %get3A_2 = arith.constant 0 : index
    %get3A_3 = arith.constant 0 : index
    %get3A_4 = vector.load %arg1[%get3A_2, %get3A_3] : memref<128x768xf32, #tpu.memory_space<vmem>>, vector<128x768xf32>
    %dot_general3A = arith.constant dense<0.000000e+00> : vector<2048x128xf32>
    %dot_general3A_5 = tpu.matmul %get3A_1, %get3A_4, %dot_general3A {dimension_numbers = #tpu.dot_dimension_numbers<[1], [1], [0], [0], [0, 0, 1, 0], [], []>, transpose_lhs_hint = false} : vector<2048x768xf32>, vector<128x768xf32>, vector<2048x128xf32> -> vector<2048x128xf32>
    %iota3A = tpu.iota {dimensions = array<i32: 1>} : vector<2048x128xi32>
    %lt3A = arith.constant 8 : i32
    %lt3A_6 = vector.broadcast %lt3A : i32 to vector<2048x128xi32>
    %lt3A_7 = arith.cmpi slt, %iota3A, %lt3A_6 : vector<2048x128xi32>
    %jit3A = arith.constant -1.000000e+30 : f32
    %broadcast_in_dim3A = vector.broadcast %jit3A : f32 to vector<2048x128xf32>
    %select_n3A = arith.select %lt3A_7, %dot_general3A_5, %broadcast_in_dim3A : vector<2048x128xi1>, vector<2048x128xf32>
    %reduce_max3A = arith.constant dense<0xFF800000> : vector<2048xf32>
    %reduce_max3A_8 = vector.multi_reduction <maximumf>, %select_n3A, %reduce_max3A [1] : vector<2048x128xf32> to vector<2048xf32>
    %broadcast_in_dim3A_9 = vector.shape_cast %reduce_max3A_8 : vector<2048xf32> to vector<2048x1xf32>
    %sub3A = vector.broadcast %broadcast_in_dim3A_9 : vector<2048x1xf32> to vector<2048x128xf32>
    %sub3A_10 = arith.subf %select_n3A, %sub3A : vector<2048x128xf32>
    %exp3A = math.exp %sub3A_10 : vector<2048x128xf32>
    %jit3A_11 = arith.constant 0.000000e+00 : f32
    %broadcast_in_dim3A_12 = vector.broadcast %jit3A_11 : f32 to vector<2048x128xf32>
    %select_n3A_13 = arith.select %lt3A_7, %exp3A, %broadcast_in_dim3A_12 : vector<2048x128xi1>, vector<2048x128xf32>
    %reduce_sum3A = arith.constant dense<0.000000e+00> : vector<2048xf32>
    %reduce_sum3A_14 = vector.multi_reduction <add>, %select_n3A_13, %reduce_sum3A [1] : vector<2048x128xf32> to vector<2048xf32>
    %broadcast_in_dim3A_15 = vector.shape_cast %reduce_sum3A_14 : vector<2048xf32> to vector<2048x1xf32>
    %div3A = vector.broadcast %broadcast_in_dim3A_15 : vector<2048x1xf32> to vector<2048x128xf32>
    %div3A_16 = arith.divf %select_n3A_13, %div3A : vector<2048x128xf32>
    %reduce_max3A_17 = arith.constant dense<0xFF800000> : vector<2048xf32>
    %reduce_max3A_18 = vector.multi_reduction <maximumf>, %div3A_16, %reduce_max3A_17 [1] : vector<2048x128xf32> to vector<2048xf32>
    %broadcast_in_dim3A_19 = vector.shape_cast %reduce_max3A_18 : vector<2048xf32> to vector<2048x1xf32>
    %eq3A = vector.broadcast %broadcast_in_dim3A_19 : vector<2048x1xf32> to vector<2048x128xf32>
    %eq3A_20 = arith.cmpf oeq, %div3A_16, %eq3A : vector<2048x128xf32>
    %jit3A_21 = arith.constant 128 : i32
    %broadcast_in_dim3A_22 = vector.broadcast %jit3A_21 : i32 to vector<2048x128xi32>
    %select_n3A_23 = arith.select %eq3A_20, %iota3A, %broadcast_in_dim3A_22 : vector<2048x128xi1>, vector<2048x128xi32>
    %reduce_min3A = arith.constant dense<2147483647> : vector<2048xi32>
    %reduce_min3A_24 = vector.multi_reduction <minsi>, %select_n3A_23, %reduce_min3A [1] : vector<2048x128xi32> to vector<2048xi32>
    %broadcast_in_dim3A_25 = vector.shape_cast %reduce_min3A_24 : vector<2048xi32> to vector<2048x1xi32>
    %eq3A_26 = vector.broadcast %broadcast_in_dim3A_25 : vector<2048x1xi32> to vector<2048x128xi32>
    %eq3A_27 = arith.cmpi eq, %iota3A, %eq3A_26 : vector<2048x128xi32>
    %jit3A_28 = arith.constant -1.000000e+00 : f32
    %broadcast_in_dim3A_29 = vector.broadcast %jit3A_28 : f32 to vector<2048x128xf32>
    %select_n3A_30 = arith.select %eq3A_27, %broadcast_in_dim3A_29, %div3A_16 : vector<2048x128xi1>, vector<2048x128xf32>
    %reduce_max3A_31 = arith.constant dense<0xFF800000> : vector<2048xf32>
    %reduce_max3A_32 = vector.multi_reduction <maximumf>, %select_n3A_30, %reduce_max3A_31 [1] : vector<2048x128xf32> to vector<2048xf32>
    %broadcast_in_dim3A_33 = vector.shape_cast %reduce_max3A_32 : vector<2048xf32> to vector<2048x1xf32>
    %eq3A_34 = vector.broadcast %broadcast_in_dim3A_33 : vector<2048x1xf32> to vector<2048x128xf32>
    %eq3A_35 = arith.cmpf oeq, %select_n3A_30, %eq3A_34 : vector<2048x128xf32>
    %jit3A_36 = arith.constant 128 : i32
    %broadcast_in_dim3A_37 = vector.broadcast %jit3A_36 : i32 to vector<2048x128xi32>
    %select_n3A_38 = arith.select %eq3A_35, %iota3A, %broadcast_in_dim3A_37 : vector<2048x128xi1>, vector<2048x128xi32>
    %reduce_min3A_39 = arith.constant dense<2147483647> : vector<2048xi32>
    %reduce_min3A_40 = vector.multi_reduction <minsi>, %select_n3A_38, %reduce_min3A_39 [1] : vector<2048x128xi32> to vector<2048xi32>
    %broadcast_in_dim3A_41 = vector.shape_cast %reduce_min3A_40 : vector<2048xi32> to vector<2048x1xi32>
    %add3A = arith.addf %broadcast_in_dim3A_19, %broadcast_in_dim3A_33 : vector<2048x1xf32>
    %div3A_42 = arith.divf %broadcast_in_dim3A_19, %add3A : vector<2048x1xf32>
    %swap3A = arith.constant 0 : index
    %swap3A_43 = arith.constant 0 : index
    %swap3A_44 = vector.load %arg3[%swap3A, %swap3A_43] : memref<2048x1xf32, #tpu.memory_space<vmem>>, vector<2048x1xf32>
    tpu.vector_store %arg3[%swap3A, %swap3A_43], %div3A_42 {strides = array<i32>} : memref<2048x1xf32, #tpu.memory_space<vmem>>, vector<2048x1xf32>,
    %div3A_45 = arith.divf %broadcast_in_dim3A_33, %add3A : vector<2048x1xf32>
    %swap3A_46 = arith.constant 0 : index
    %swap3A_47 = arith.constant 0 : index
    %swap3A_48 = vector.load %arg4[%swap3A_46, %swap3A_47] : memref<2048x1xf32, #tpu.memory_space<vmem>>, vector<2048x1xf32>
    tpu.vector_store %arg4[%swap3A_46, %swap3A_47], %div3A_45 {strides = array<i32>} : memref<2048x1xf32, #tpu.memory_space<vmem>>, vector<2048x1xf32>,
    %eq3A_49 = vector.broadcast %broadcast_in_dim3A_25 : vector<2048x1xi32> to vector<2048x128xi32>
    %eq3A_50 = arith.cmpi eq, %iota3A, %eq3A_49 : vector<2048x128xi32>
    %convert_element_type3A = arith.extui %eq3A_50 : vector<2048x128xi1> to vector<2048x128xi32>
    %convert_element_type3A_51 = arith.sitofp %convert_element_type3A : vector<2048x128xi32> to vector<2048x128xf32>
    %eq3A_52 = vector.broadcast %broadcast_in_dim3A_41 : vector<2048x1xi32> to vector<2048x128xi32>
    %eq3A_53 = arith.cmpi eq, %iota3A, %eq3A_52 : vector<2048x128xi32>
    %convert_element_type3A_54 = arith.extui %eq3A_53 : vector<2048x128xi1> to vector<2048x128xi32>
    %convert_element_type3A_55 = arith.sitofp %convert_element_type3A_54 : vector<2048x128xi32> to vector<2048x128xf32>
    %concatenate3A = tpu.concatenate %convert_element_type3A_51, %convert_element_type3A_55 in 0 : vector<2048x128xf32>, vector<2048x128xf32> -> vector<4096x128xf32>
    %iota3A_56 = tpu.iota {dimensions = array<i32: 0>} : vector<128x128xi32>
    %iota3A_57 = tpu.iota {dimensions = array<i32: 1>} : vector<128x128xi32>
    %gt3A = arith.cmpi sgt, %iota3A_56, %iota3A_57 : vector<128x128xi32>
    %convert_element_type3A_58 = arith.extui %gt3A : vector<128x128xi1> to vector<128x128xi32>
    %convert_element_type3A_59 = arith.sitofp %convert_element_type3A_58 : vector<128x128xi32> to vector<128x128xf32>
    %lt3A_60 = arith.cmpi slt, %iota3A_56, %iota3A_57 : vector<128x128xi32>
    %convert_element_type3A_61 = arith.extui %lt3A_60 : vector<128x128xi1> to vector<128x128xi32>
    %convert_element_type3A_62 = arith.sitofp %convert_element_type3A_61 : vector<128x128xi32> to vector<128x128xf32>
    %slice3A = vector.extract_strided_slice %concatenate3A {offsets = [0, 0], sizes = [128, 128], strides = [1, 1]} : vector<4096x128xf32> to vector<128x128xf32>
    %dot_general3A_63 = arith.constant dense<0.000000e+00> : vector<128x128xf32>
    %dot_general3A_64 = tpu.matmul %convert_element_type3A_59, %slice3A, %dot_general3A_63 {dimension_numbers = #tpu.dot_dimension_numbers<[1], [0], [0], [1], [0, 0, 1, 1], [], []>, transpose_lhs_hint = false} : vector<128x128xf32>, vector<128x128xf32>, vector<128x128xf32> -> vector<128x128xf32>
    %reduce_sum3A_65 = arith.constant dense<0.000000e+00> : vector<128xf32>
    %reduce_sum3A_66 = vector.multi_reduction <add>, %slice3A, %reduce_sum3A_65 [0] : vector<128x128xf32> to vector<128xf32>
    %broadcast_in_dim3A_67 = vector.shape_cast %reduce_sum3A_66 : vector<128xf32> to vector<1x128xf32>
    %slice3A_68 = vector.extract_strided_slice %concatenate3A {offsets = [128, 0], sizes = [128, 128], strides = [1, 1]} : vector<4096x128xf32> to vector<128x128xf32>
    %dot_general3A_69 = arith.constant dense<0.000000e+00> : vector<128x128xf32>
    %dot_general3A_70 = tpu.matmul %convert_element_type3A_59, %slice3A_68, %dot_general3A_69 {dimension_numbers = #tpu.dot_dimension_numbers<[1], [0], [0], [1], [0, 0, 1, 1], [], []>, transpose_lhs_hint = false} : vector<128x128xf32>, vector<128x128xf32>, vector<128x128xf32> -> vector<128x128xf32>
    %reduce_sum3A_71 = arith.constant dense<0.000000e+00> : vector<128xf32>
    %reduce_sum3A_72 = vector.multi_reduction <add>, %slice3A_68, %reduce_sum3A_71 [0] : vector<128x128xf32> to vector<128xf32>
    %broadcast_in_dim3A_73 = vector.shape_cast %reduce_sum3A_72 : vector<128xf32> to vector<1x128xf32>
    %slice3A_74 = vector.extract_strided_slice %concatenate3A {offsets = [256, 0], sizes = [128, 128], strides = [1, 1]} : vector<4096x128xf32> to vector<128x128xf32>
    %dot_general3A_75 = arith.constant dense<0.000000e+00> : vector<128x128xf32>
    %dot_general3A_76 = tpu.matmul %convert_element_type3A_59, %slice3A_74, %dot_general3A_75 {dimension_numbers = #tpu.dot_dimension_numbers<[1], [0], [0], [1], [0, 0, 1, 1], [], []>, transpose_lhs_hint = false} : vector<128x128xf32>, vector<128x128xf32>, vector<128x128xf32> -> vector<128x128xf32>
    %reduce_sum3A_77 = arith.constant dense<0.000000e+00> : vector<128xf32>
    %reduce_sum3A_78 = vector.multi_reduction <add>, %slice3A_74, %reduce_sum3A_77 [0] : vector<128x128xf32> to vector<128xf32>
    %broadcast_in_dim3A_79 = vector.shape_cast %reduce_sum3A_78 : vector<128xf32> to vector<1x128xf32>
    %slice3A_80 = vector.extract_strided_slice %concatenate3A {offsets = [384, 0], sizes = [128, 128], strides = [1, 1]} : vector<4096x128xf32> to vector<128x128xf32>
    %dot_general3A_81 = arith.constant dense<0.000000e+00> : vector<128x128xf32>
    %dot_general3A_82 = tpu.matmul %convert_element_type3A_59, %slice3A_80, %dot_general3A_81 {dimension_numbers = #tpu.dot_dimension_numbers<[1], [0], [0], [1], [0, 0, 1, 1], [], []>, transpose_lhs_hint = false} : vector<128x128xf32>, vector<128x128xf32>, vector<128x128xf32> -> vector<128x128xf32>
    %reduce_sum3A_83 = arith.constant dense<0.000000e+00> : vector<128xf32>
    %reduce_sum3A_84 = vector.multi_reduction <add>, %slice3A_80, %reduce_sum3A_83 [0] : vector<128x128xf32> to vector<128xf32>
    %broadcast_in_dim3A_85 = vector.shape_cast %reduce_sum3A_84 : vector<128xf32> to vector<1x128xf32>
    %slice3A_86 = vector.extract_strided_slice %concatenate3A {offsets = [512, 0], sizes = [128, 128], strides = [1, 1]} : vector<4096x128xf32> to vector<128x128xf32>
    %dot_general3A_87 = arith.constant dense<0.000000e+00> : vector<128x128xf32>
    %dot_general3A_88 = tpu.matmul %convert_element_type3A_59, %slice3A_86, %dot_general3A_87 {dimension_numbers = #tpu.dot_dimension_numbers<[1], [0], [0], [1], [0, 0, 1, 1], [], []>, transpose_lhs_hint = false} : vector<128x128xf32>, vector<128x128xf32>, vector<128x128xf32> -> vector<128x128xf32>
    %reduce_sum3A_89 = arith.constant dense<0.000000e+00> : vector<128xf32>
    %reduce_sum3A_90 = vector.multi_reduction <add>, %slice3A_86, %reduce_sum3A_89 [0] : vector<128x128xf32> to vector<128xf32>
    %broadcast_in_dim3A_91 = vector.shape_cast %reduce_sum3A_90 : vector<128xf32> to vector<1x128xf32>
    %slice3A_92 = vector.extract_strided_slice %concatenate3A {offsets = [640, 0], sizes = [128, 128], strides = [1, 1]} : vector<4096x128xf32> to vector<128x128xf32>
    %dot_general3A_93 = arith.constant dense<0.000000e+00> : vector<128x128xf32>
    %dot_general3A_94 = tpu.matmul %convert_element_type3A_59, %slice3A_92, %dot_general3A_93 {dimension_numbers = #tpu.dot_dimension_numbers<[1], [0], [0], [1], [0, 0, 1, 1], [], []>, transpose_lhs_hint = false} : vector<128x128xf32>, vector<128x128xf32>, vector<128x128xf32> -> vector<128x128xf32>
    %reduce_sum3A_95 = arith.constant dense<0.000000e+00> : vector<128xf32>
    %reduce_sum3A_96 = vector.multi_reduction <add>, %slice3A_92, %reduce_sum3A_95 [0] : vector<128x128xf32> to vector<128xf32>
    %broadcast_in_dim3A_97 = vector.shape_cast %reduce_sum3A_96 : vector<128xf32> to vector<1x128xf32>
    %slice3A_98 = vector.extract_strided_slice %concatenate3A {offsets = [768, 0], sizes = [128, 128], strides = [1, 1]} : vector<4096x128xf32> to vector<128x128xf32>
    %dot_general3A_99 = arith.constant dense<0.000000e+00> : vector<128x128xf32>
    %dot_general3A_100 = tpu.matmul %convert_element_type3A_59, %slice3A_98, %dot_general3A_99 {dimension_numbers = #tpu.dot_dimension_numbers<[1], [0], [0], [1], [0, 0, 1, 1], [], []>, transpose_lhs_hint = false} : vector<128x128xf32>, vector<128x128xf32>, vector<128x128xf32> -> vector<128x128xf32>
    %reduce_sum3A_101 = arith.constant dense<0.000000e+00> : vector<128xf32>
    %reduce_sum3A_102 = vector.multi_reduction <add>, %slice3A_98, %reduce_sum3A_101 [0] : vector<128x128xf32> to vector<128xf32>
    %broadcast_in_dim3A_103 = vector.shape_cast %reduce_sum3A_102 : vector<128xf32> to vector<1x128xf32>
    %slice3A_104 = vector.extract_strided_slice %concatenate3A {offsets = [896, 0], sizes = [128, 128], strides = [1, 1]} : vector<4096x128xf32> to vector<128x128xf32>
    %dot_general3A_105 = arith.constant dense<0.000000e+00> : vector<128x128xf32>
    %dot_general3A_106 = tpu.matmul %convert_element_type3A_59, %slice3A_104, %dot_general3A_105 {dimension_numbers = #tpu.dot_dimension_numbers<[1], [0], [0], [1], [0, 0, 1, 1], [], []>, transpose_lhs_hint = false} : vector<128x128xf32>, vector<128x128xf32>, vector<128x128xf32> -> vector<128x128xf32>
    %reduce_sum3A_107 = arith.constant dense<0.000000e+00> : vector<128xf32>
    %reduce_sum3A_108 = vector.multi_reduction <add>, %slice3A_104, %reduce_sum3A_107 [0] : vector<128x128xf32> to vector<128xf32>
    %broadcast_in_dim3A_109 = vector.shape_cast %reduce_sum3A_108 : vector<128xf32> to vector<1x128xf32>
    %slice3A_110 = vector.extract_strided_slice %concatenate3A {offsets = [1024, 0], sizes = [128, 128], strides = [1, 1]} : vector<4096x128xf32> to vector<128x128xf32>
    %dot_general3A_111 = arith.constant dense<0.000000e+00> : vector<128x128xf32>
    %dot_general3A_112 = tpu.matmul %convert_element_type3A_59, %slice3A_110, %dot_general3A_111 {dimension_numbers = #tpu.dot_dimension_numbers<[1], [0], [0], [1], [0, 0, 1, 1], [], []>, transpose_lhs_hint = false} : vector<128x128xf32>, vector<128x128xf32>, vector<128x128xf32> -> vector<128x128xf32>
    %reduce_sum3A_113 = arith.constant dense<0.000000e+00> : vector<128xf32>
    %reduce_sum3A_114 = vector.multi_reduction <add>, %slice3A_110, %reduce_sum3A_113 [0] : vector<128x128xf32> to vector<128xf32>
    %broadcast_in_dim3A_115 = vector.shape_cast %reduce_sum3A_114 : vector<128xf32> to vector<1x128xf32>
    %slice3A_116 = vector.extract_strided_slice %concatenate3A {offsets = [1152, 0], sizes = [128, 128], strides = [1, 1]} : vector<4096x128xf32> to vector<128x128xf32>
    %dot_general3A_117 = arith.constant dense<0.000000e+00> : vector<128x128xf32>
    %dot_general3A_118 = tpu.matmul %convert_element_type3A_59, %slice3A_116, %dot_general3A_117 {dimension_numbers = #tpu.dot_dimension_numbers<[1], [0], [0], [1], [0, 0, 1, 1], [], []>, transpose_lhs_hint = false} : vector<128x128xf32>, vector<128x128xf32>, vector<128x128xf32> -> vector<128x128xf32>
    %reduce_sum3A_119 = arith.constant dense<0.000000e+00> : vector<128xf32>
    %reduce_sum3A_120 = vector.multi_reduction <add>, %slice3A_116, %reduce_sum3A_119 [0] : vector<128x128xf32> to vector<128xf32>
    %broadcast_in_dim3A_121 = vector.shape_cast %reduce_sum3A_120 : vector<128xf32> to vector<1x128xf32>
    %slice3A_122 = vector.extract_strided_slice %concatenate3A {offsets = [1280, 0], sizes = [128, 128], strides = [1, 1]} : vector<4096x128xf32> to vector<128x128xf32>
    %dot_general3A_123 = arith.constant dense<0.000000e+00> : vector<128x128xf32>
    %dot_general3A_124 = tpu.matmul %convert_element_type3A_59, %slice3A_122, %dot_general3A_123 {dimension_numbers = #tpu.dot_dimension_numbers<[1], [0], [0], [1], [0, 0, 1, 1], [], []>, transpose_lhs_hint = false} : vector<128x128xf32>, vector<128x128xf32>, vector<128x128xf32> -> vector<128x128xf32>
    %reduce_sum3A_125 = arith.constant dense<0.000000e+00> : vector<128xf32>
    %reduce_sum3A_126 = vector.multi_reduction <add>, %slice3A_122, %reduce_sum3A_125 [0] : vector<128x128xf32> to vector<128xf32>
    %broadcast_in_dim3A_127 = vector.shape_cast %reduce_sum3A_126 : vector<128xf32> to vector<1x128xf32>
    %slice3A_128 = vector.extract_strided_slice %concatenate3A {offsets = [1408, 0], sizes = [128, 128], strides = [1, 1]} : vector<4096x128xf32> to vector<128x128xf32>
    %dot_general3A_129 = arith.constant dense<0.000000e+00> : vector<128x128xf32>
    %dot_general3A_130 = tpu.matmul %convert_element_type3A_59, %slice3A_128, %dot_general3A_129 {dimension_numbers = #tpu.dot_dimension_numbers<[1], [0], [0], [1], [0, 0, 1, 1], [], []>, transpose_lhs_hint = false} : vector<128x128xf32>, vector<128x128xf32>, vector<128x128xf32> -> vector<128x128xf32>
    %reduce_sum3A_131 = arith.constant dense<0.000000e+00> : vector<128xf32>
    %reduce_sum3A_132 = vector.multi_reduction <add>, %slice3A_128, %reduce_sum3A_131 [0] : vector<128x128xf32> to vector<128xf32>
    %broadcast_in_dim3A_133 = vector.shape_cast %reduce_sum3A_132 : vector<128xf32> to vector<1x128xf32>
    %slice3A_134 = vector.extract_strided_slice %concatenate3A {offsets = [1536, 0], sizes = [128, 128], strides = [1, 1]} : vector<4096x128xf32> to vector<128x128xf32>
    %dot_general3A_135 = arith.constant dense<0.000000e+00> : vector<128x128xf32>
    %dot_general3A_136 = tpu.matmul %convert_element_type3A_59, %slice3A_134, %dot_general3A_135 {dimension_numbers = #tpu.dot_dimension_numbers<[1], [0], [0], [1], [0, 0, 1, 1], [], []>, transpose_lhs_hint = false} : vector<128x128xf32>, vector<128x128xf32>, vector<128x128xf32> -> vector<128x128xf32>
    %reduce_sum3A_137 = arith.constant dense<0.000000e+00> : vector<128xf32>
    %reduce_sum3A_138 = vector.multi_reduction <add>, %slice3A_134, %reduce_sum3A_137 [0] : vector<128x128xf32> to vector<128xf32>
    %broadcast_in_dim3A_139 = vector.shape_cast %reduce_sum3A_138 : vector<128xf32> to vector<1x128xf32>
    %slice3A_140 = vector.extract_strided_slice %concatenate3A {offsets = [1664, 0], sizes = [128, 128], strides = [1, 1]} : vector<4096x128xf32> to vector<128x128xf32>
    %dot_general3A_141 = arith.constant dense<0.000000e+00> : vector<128x128xf32>
    %dot_general3A_142 = tpu.matmul %convert_element_type3A_59, %slice3A_140, %dot_general3A_141 {dimension_numbers = #tpu.dot_dimension_numbers<[1], [0], [0], [1], [0, 0, 1, 1], [], []>, transpose_lhs_hint = false} : vector<128x128xf32>, vector<128x128xf32>, vector<128x128xf32> -> vector<128x128xf32>
    %reduce_sum3A_143 = arith.constant dense<0.000000e+00> : vector<128xf32>
    %reduce_sum3A_144 = vector.multi_reduction <add>, %slice3A_140, %reduce_sum3A_143 [0] : vector<128x128xf32> to vector<128xf32>
    %broadcast_in_dim3A_145 = vector.shape_cast %reduce_sum3A_144 : vector<128xf32> to vector<1x128xf32>
    %slice3A_146 = vector.extract_strided_slice %concatenate3A {offsets = [1792, 0], sizes = [128, 128], strides = [1, 1]} : vector<4096x128xf32> to vector<128x128xf32>
    %dot_general3A_147 = arith.constant dense<0.000000e+00> : vector<128x128xf32>
    %dot_general3A_148 = tpu.matmul %convert_element_type3A_59, %slice3A_146, %dot_general3A_147 {dimension_numbers = #tpu.dot_dimension_numbers<[1], [0], [0], [1], [0, 0, 1, 1], [], []>, transpose_lhs_hint = false} : vector<128x128xf32>, vector<128x128xf32>, vector<128x128xf32> -> vector<128x128xf32>
    %reduce_sum3A_149 = arith.constant dense<0.000000e+00> : vector<128xf32>
    %reduce_sum3A_150 = vector.multi_reduction <add>, %slice3A_146, %reduce_sum3A_149 [0] : vector<128x128xf32> to vector<128xf32>
    %broadcast_in_dim3A_151 = vector.shape_cast %reduce_sum3A_150 : vector<128xf32> to vector<1x128xf32>
    %slice3A_152 = vector.extract_strided_slice %concatenate3A {offsets = [1920, 0], sizes = [128, 128], strides = [1, 1]} : vector<4096x128xf32> to vector<128x128xf32>
    %dot_general3A_153 = arith.constant dense<0.000000e+00> : vector<128x128xf32>
    %dot_general3A_154 = tpu.matmul %convert_element_type3A_59, %slice3A_152, %dot_general3A_153 {dimension_numbers = #tpu.dot_dimension_numbers<[1], [0], [0], [1], [0, 0, 1, 1], [], []>, transpose_lhs_hint = false} : vector<128x128xf32>, vector<128x128xf32>, vector<128x128xf32> -> vector<128x128xf32>
    %reduce_sum3A_155 = arith.constant dense<0.000000e+00> : vector<128xf32>
    %reduce_sum3A_156 = vector.multi_reduction <add>, %slice3A_152, %reduce_sum3A_155 [0] : vector<128x128xf32> to vector<128xf32>
    %broadcast_in_dim3A_157 = vector.shape_cast %reduce_sum3A_156 : vector<128xf32> to vector<1x128xf32>
    %slice3A_158 = vector.extract_strided_slice %concatenate3A {offsets = [2048, 0], sizes = [128, 128], strides = [1, 1]} : vector<4096x128xf32> to vector<128x128xf32>
    %dot_general3A_159 = arith.constant dense<0.000000e+00> : vector<128x128xf32>
    %dot_general3A_160 = tpu.matmul %convert_element_type3A_59, %slice3A_158, %dot_general3A_159 {dimension_numbers = #tpu.dot_dimension_numbers<[1], [0], [0], [1], [0, 0, 1, 1], [], []>, transpose_lhs_hint = false} : vector<128x128xf32>, vector<128x128xf32>, vector<128x128xf32> -> vector<128x128xf32>
    %reduce_sum3A_161 = arith.constant dense<0.000000e+00> : vector<128xf32>
    %reduce_sum3A_162 = vector.multi_reduction <add>, %slice3A_158, %reduce_sum3A_161 [0] : vector<128x128xf32> to vector<128xf32>
    %broadcast_in_dim3A_163 = vector.shape_cast %reduce_sum3A_162 : vector<128xf32> to vector<1x128xf32>
    %slice3A_164 = vector.extract_strided_slice %concatenate3A {offsets = [2176, 0], sizes = [128, 128], strides = [1, 1]} : vector<4096x128xf32> to vector<128x128xf32>
    %dot_general3A_165 = arith.constant dense<0.000000e+00> : vector<128x128xf32>
    %dot_general3A_166 = tpu.matmul %convert_element_type3A_59, %slice3A_164, %dot_general3A_165 {dimension_numbers = #tpu.dot_dimension_numbers<[1], [0], [0], [1], [0, 0, 1, 1], [], []>, transpose_lhs_hint = false} : vector<128x128xf32>, vector<128x128xf32>, vector<128x128xf32> -> vector<128x128xf32>
    %reduce_sum3A_167 = arith.constant dense<0.000000e+00> : vector<128xf32>
    %reduce_sum3A_168 = vector.multi_reduction <add>, %slice3A_164, %reduce_sum3A_167 [0] : vector<128x128xf32> to vector<128xf32>
    %broadcast_in_dim3A_169 = vector.shape_cast %reduce_sum3A_168 : vector<128xf32> to vector<1x128xf32>
    %slice3A_170 = vector.extract_strided_slice %concatenate3A {offsets = [2304, 0], sizes = [128, 128], strides = [1, 1]} : vector<4096x128xf32> to vector<128x128xf32>
    %dot_general3A_171 = arith.constant dense<0.000000e+00> : vector<128x128xf32>
    %dot_general3A_172 = tpu.matmul %convert_element_type3A_59, %slice3A_170, %dot_general3A_171 {dimension_numbers = #tpu.dot_dimension_numbers<[1], [0], [0], [1], [0, 0, 1, 1], [], []>, transpose_lhs_hint = false} : vector<128x128xf32>, vector<128x128xf32>, vector<128x128xf32> -> vector<128x128xf32>
    %reduce_sum3A_173 = arith.constant dense<0.000000e+00> : vector<128xf32>
    %reduce_sum3A_174 = vector.multi_reduction <add>, %slice3A_170, %reduce_sum3A_173 [0] : vector<128x128xf32> to vector<128xf32>
    %broadcast_in_dim3A_175 = vector.shape_cast %reduce_sum3A_174 : vector<128xf32> to vector<1x128xf32>
    %slice3A_176 = vector.extract_strided_slice %concatenate3A {offsets = [2432, 0], sizes = [128, 128], strides = [1, 1]} : vector<4096x128xf32> to vector<128x128xf32>
    %dot_general3A_177 = arith.constant dense<0.000000e+00> : vector<128x128xf32>
    %dot_general3A_178 = tpu.matmul %convert_element_type3A_59, %slice3A_176, %dot_general3A_177 {dimension_numbers = #tpu.dot_dimension_numbers<[1], [0], [0], [1], [0, 0, 1, 1], [], []>, transpose_lhs_hint = false} : vector<128x128xf32>, vector<128x128xf32>, vector<128x128xf32> -> vector<128x128xf32>
    %reduce_sum3A_179 = arith.constant dense<0.000000e+00> : vector<128xf32>
    %reduce_sum3A_180 = vector.multi_reduction <add>, %slice3A_176, %reduce_sum3A_179 [0] : vector<128x128xf32> to vector<128xf32>
    %broadcast_in_dim3A_181 = vector.shape_cast %reduce_sum3A_180 : vector<128xf32> to vector<1x128xf32>
    %slice3A_182 = vector.extract_strided_slice %concatenate3A {offsets = [2560, 0], sizes = [128, 128], strides = [1, 1]} : vector<4096x128xf32> to vector<128x128xf32>
    %dot_general3A_183 = arith.constant dense<0.000000e+00> : vector<128x128xf32>
    %dot_general3A_184 = tpu.matmul %convert_element_type3A_59, %slice3A_182, %dot_general3A_183 {dimension_numbers = #tpu.dot_dimension_numbers<[1], [0], [0], [1], [0, 0, 1, 1], [], []>, transpose_lhs_hint = false} : vector<128x128xf32>, vector<128x128xf32>, vector<128x128xf32> -> vector<128x128xf32>
    %reduce_sum3A_185 = arith.constant dense<0.000000e+00> : vector<128xf32>
    %reduce_sum3A_186 = vector.multi_reduction <add>, %slice3A_182, %reduce_sum3A_185 [0] : vector<128x128xf32> to vector<128xf32>
    %broadcast_in_dim3A_187 = vector.shape_cast %reduce_sum3A_186 : vector<128xf32> to vector<1x128xf32>
    %slice3A_188 = vector.extract_strided_slice %concatenate3A {offsets = [2688, 0], sizes = [128, 128], strides = [1, 1]} : vector<4096x128xf32> to vector<128x128xf32>
    %dot_general3A_189 = arith.constant dense<0.000000e+00> : vector<128x128xf32>
    %dot_general3A_190 = tpu.matmul %convert_element_type3A_59, %slice3A_188, %dot_general3A_189 {dimension_numbers = #tpu.dot_dimension_numbers<[1], [0], [0], [1], [0, 0, 1, 1], [], []>, transpose_lhs_hint = false} : vector<128x128xf32>, vector<128x128xf32>, vector<128x128xf32> -> vector<128x128xf32>
    %reduce_sum3A_191 = arith.constant dense<0.000000e+00> : vector<128xf32>
    %reduce_sum3A_192 = vector.multi_reduction <add>, %slice3A_188, %reduce_sum3A_191 [0] : vector<128x128xf32> to vector<128xf32>
    %broadcast_in_dim3A_193 = vector.shape_cast %reduce_sum3A_192 : vector<128xf32> to vector<1x128xf32>
    %slice3A_194 = vector.extract_strided_slice %concatenate3A {offsets = [2816, 0], sizes = [128, 128], strides = [1, 1]} : vector<4096x128xf32> to vector<128x128xf32>
    %dot_general3A_195 = arith.constant dense<0.000000e+00> : vector<128x128xf32>
    %dot_general3A_196 = tpu.matmul %convert_element_type3A_59, %slice3A_194, %dot_general3A_195 {dimension_numbers = #tpu.dot_dimension_numbers<[1], [0], [0], [1], [0, 0, 1, 1], [], []>, transpose_lhs_hint = false} : vector<128x128xf32>, vector<128x128xf32>, vector<128x128xf32> -> vector<128x128xf32>
    %reduce_sum3A_197 = arith.constant dense<0.000000e+00> : vector<128xf32>
    %reduce_sum3A_198 = vector.multi_reduction <add>, %slice3A_194, %reduce_sum3A_197 [0] : vector<128x128xf32> to vector<128xf32>
    %broadcast_in_dim3A_199 = vector.shape_cast %reduce_sum3A_198 : vector<128xf32> to vector<1x128xf32>
    %slice3A_200 = vector.extract_strided_slice %concatenate3A {offsets = [2944, 0], sizes = [128, 128], strides = [1, 1]} : vector<4096x128xf32> to vector<128x128xf32>
    %dot_general3A_201 = arith.constant dense<0.000000e+00> : vector<128x128xf32>
    %dot_general3A_202 = tpu.matmul %convert_element_type3A_59, %slice3A_200, %dot_general3A_201 {dimension_numbers = #tpu.dot_dimension_numbers<[1], [0], [0], [1], [0, 0, 1, 1], [], []>, transpose_lhs_hint = false} : vector<128x128xf32>, vector<128x128xf32>, vector<128x128xf32> -> vector<128x128xf32>
    %reduce_sum3A_203 = arith.constant dense<0.000000e+00> : vector<128xf32>
    %reduce_sum3A_204 = vector.multi_reduction <add>, %slice3A_200, %reduce_sum3A_203 [0] : vector<128x128xf32> to vector<128xf32>
    %broadcast_in_dim3A_205 = vector.shape_cast %reduce_sum3A_204 : vector<128xf32> to vector<1x128xf32>
    %slice3A_206 = vector.extract_strided_slice %concatenate3A {offsets = [3072, 0], sizes = [128, 128], strides = [1, 1]} : vector<4096x128xf32> to vector<128x128xf32>
    %dot_general3A_207 = arith.constant dense<0.000000e+00> : vector<128x128xf32>
    %dot_general3A_208 = tpu.matmul %convert_element_type3A_59, %slice3A_206, %dot_general3A_207 {dimension_numbers = #tpu.dot_dimension_numbers<[1], [0], [0], [1], [0, 0, 1, 1], [], []>, transpose_lhs_hint = false} : vector<128x128xf32>, vector<128x128xf32>, vector<128x128xf32> -> vector<128x128xf32>
    %reduce_sum3A_209 = arith.constant dense<0.000000e+00> : vector<128xf32>
    %reduce_sum3A_210 = vector.multi_reduction <add>, %slice3A_206, %reduce_sum3A_209 [0] : vector<128x128xf32> to vector<128xf32>
    %broadcast_in_dim3A_211 = vector.shape_cast %reduce_sum3A_210 : vector<128xf32> to vector<1x128xf32>
    %slice3A_212 = vector.extract_strided_slice %concatenate3A {offsets = [3200, 0], sizes = [128, 128], strides = [1, 1]} : vector<4096x128xf32> to vector<128x128xf32>
    %dot_general3A_213 = arith.constant dense<0.000000e+00> : vector<128x128xf32>
    %dot_general3A_214 = tpu.matmul %convert_element_type3A_59, %slice3A_212, %dot_general3A_213 {dimension_numbers = #tpu.dot_dimension_numbers<[1], [0], [0], [1], [0, 0, 1, 1], [], []>, transpose_lhs_hint = false} : vector<128x128xf32>, vector<128x128xf32>, vector<128x128xf32> -> vector<128x128xf32>
    %reduce_sum3A_215 = arith.constant dense<0.000000e+00> : vector<128xf32>
    %reduce_sum3A_216 = vector.multi_reduction <add>, %slice3A_212, %reduce_sum3A_215 [0] : vector<128x128xf32> to vector<128xf32>
    %broadcast_in_dim3A_217 = vector.shape_cast %reduce_sum3A_216 : vector<128xf32> to vector<1x128xf32>
    %slice3A_218 = vector.extract_strided_slice %concatenate3A {offsets = [3328, 0], sizes = [128, 128], strides = [1, 1]} : vector<4096x128xf32> to vector<128x128xf32>
    %dot_general3A_219 = arith.constant dense<0.000000e+00> : vector<128x128xf32>
    %dot_general3A_220 = tpu.matmul %convert_element_type3A_59, %slice3A_218, %dot_general3A_219 {dimension_numbers = #tpu.dot_dimension_numbers<[1], [0], [0], [1], [0, 0, 1, 1], [], []>, transpose_lhs_hint = false} : vector<128x128xf32>, vector<128x128xf32>, vector<128x128xf32> -> vector<128x128xf32>
    %reduce_sum3A_221 = arith.constant dense<0.000000e+00> : vector<128xf32>
    %reduce_sum3A_222 = vector.multi_reduction <add>, %slice3A_218, %reduce_sum3A_221 [0] : vector<128x128xf32> to vector<128xf32>
    %broadcast_in_dim3A_223 = vector.shape_cast %reduce_sum3A_222 : vector<128xf32> to vector<1x128xf32>
    %slice3A_224 = vector.extract_strided_slice %concatenate3A {offsets = [3456, 0], sizes = [128, 128], strides = [1, 1]} : vector<4096x128xf32> to vector<128x128xf32>
    %dot_general3A_225 = arith.constant dense<0.000000e+00> : vector<128x128xf32>
    %dot_general3A_226 = tpu.matmul %convert_element_type3A_59, %slice3A_224, %dot_general3A_225 {dimension_numbers = #tpu.dot_dimension_numbers<[1], [0], [0], [1], [0, 0, 1, 1], [], []>, transpose_lhs_hint = false} : vector<128x128xf32>, vector<128x128xf32>, vector<128x128xf32> -> vector<128x128xf32>
    %reduce_sum3A_227 = arith.constant dense<0.000000e+00> : vector<128xf32>
    %reduce_sum3A_228 = vector.multi_reduction <add>, %slice3A_224, %reduce_sum3A_227 [0] : vector<128x128xf32> to vector<128xf32>
    %broadcast_in_dim3A_229 = vector.shape_cast %reduce_sum3A_228 : vector<128xf32> to vector<1x128xf32>
    %slice3A_230 = vector.extract_strided_slice %concatenate3A {offsets = [3584, 0], sizes = [128, 128], strides = [1, 1]} : vector<4096x128xf32> to vector<128x128xf32>
    %dot_general3A_231 = arith.constant dense<0.000000e+00> : vector<128x128xf32>
    %dot_general3A_232 = tpu.matmul %convert_element_type3A_59, %slice3A_230, %dot_general3A_231 {dimension_numbers = #tpu.dot_dimension_numbers<[1], [0], [0], [1], [0, 0, 1, 1], [], []>, transpose_lhs_hint = false} : vector<128x128xf32>, vector<128x128xf32>, vector<128x128xf32> -> vector<128x128xf32>
    %reduce_sum3A_233 = arith.constant dense<0.000000e+00> : vector<128xf32>
    %reduce_sum3A_234 = vector.multi_reduction <add>, %slice3A_230, %reduce_sum3A_233 [0] : vector<128x128xf32> to vector<128xf32>
    %broadcast_in_dim3A_235 = vector.shape_cast %reduce_sum3A_234 : vector<128xf32> to vector<1x128xf32>
    %slice3A_236 = vector.extract_strided_slice %concatenate3A {offsets = [3712, 0], sizes = [128, 128], strides = [1, 1]} : vector<4096x128xf32> to vector<128x128xf32>
    %dot_general3A_237 = arith.constant dense<0.000000e+00> : vector<128x128xf32>
    %dot_general3A_238 = tpu.matmul %convert_element_type3A_59, %slice3A_236, %dot_general3A_237 {dimension_numbers = #tpu.dot_dimension_numbers<[1], [0], [0], [1], [0, 0, 1, 1], [], []>, transpose_lhs_hint = false} : vector<128x128xf32>, vector<128x128xf32>, vector<128x128xf32> -> vector<128x128xf32>
    %reduce_sum3A_239 = arith.constant dense<0.000000e+00> : vector<128xf32>
    %reduce_sum3A_240 = vector.multi_reduction <add>, %slice3A_236, %reduce_sum3A_239 [0] : vector<128x128xf32> to vector<128xf32>
    %broadcast_in_dim3A_241 = vector.shape_cast %reduce_sum3A_240 : vector<128xf32> to vector<1x128xf32>
    %slice3A_242 = vector.extract_strided_slice %concatenate3A {offsets = [3840, 0], sizes = [128, 128], strides = [1, 1]} : vector<4096x128xf32> to vector<128x128xf32>
    %dot_general3A_243 = arith.constant dense<0.000000e+00> : vector<128x128xf32>
    %dot_general3A_244 = tpu.matmul %convert_element_type3A_59, %slice3A_242, %dot_general3A_243 {dimension_numbers = #tpu.dot_dimension_numbers<[1], [0], [0], [1], [0, 0, 1, 1], [], []>, transpose_lhs_hint = false} : vector<128x128xf32>, vector<128x128xf32>, vector<128x128xf32> -> vector<128x128xf32>
    %reduce_sum3A_245 = arith.constant dense<0.000000e+00> : vector<128xf32>
    %reduce_sum3A_246 = vector.multi_reduction <add>, %slice3A_242, %reduce_sum3A_245 [0] : vector<128x128xf32> to vector<128xf32>
    %broadcast_in_dim3A_247 = vector.shape_cast %reduce_sum3A_246 : vector<128xf32> to vector<1x128xf32>
    %slice3A_248 = vector.extract_strided_slice %concatenate3A {offsets = [3968, 0], sizes = [128, 128], strides = [1, 1]} : vector<4096x128xf32> to vector<128x128xf32>
    %dot_general3A_249 = arith.constant dense<0.000000e+00> : vector<128x128xf32>
    %dot_general3A_250 = tpu.matmul %convert_element_type3A_59, %slice3A_248, %dot_general3A_249 {dimension_numbers = #tpu.dot_dimension_numbers<[1], [0], [0], [1], [0, 0, 1, 1], [], []>, transpose_lhs_hint = false} : vector<128x128xf32>, vector<128x128xf32>, vector<128x128xf32> -> vector<128x128xf32>
    %reduce_sum3A_251 = arith.constant dense<0.000000e+00> : vector<128xf32>
    %reduce_sum3A_252 = vector.multi_reduction <add>, %slice3A_248, %reduce_sum3A_251 [0] : vector<128x128xf32> to vector<128xf32>
    %broadcast_in_dim3A_253 = vector.shape_cast %reduce_sum3A_252 : vector<128xf32> to vector<1x128xf32>
    %concatenate3A_254 = tpu.concatenate %broadcast_in_dim3A_67, %broadcast_in_dim3A_73, %broadcast_in_dim3A_79, %broadcast_in_dim3A_85, %broadcast_in_dim3A_91, %broadcast_in_dim3A_97, %broadcast_in_dim3A_103, %broadcast_in_dim3A_109, %broadcast_in_dim3A_115, %broadcast_in_dim3A_121, %broadcast_in_dim3A_127, %broadcast_in_dim3A_133, %broadcast_in_dim3A_139, %broadcast_in_dim3A_145, %broadcast_in_dim3A_151, %broadcast_in_dim3A_157, %broadcast_in_dim3A_163, %broadcast_in_dim3A_169, %broadcast_in_dim3A_175, %broadcast_in_dim3A_181, %broadcast_in_dim3A_187, %broadcast_in_dim3A_193, %broadcast_in_dim3A_199, %broadcast_in_dim3A_205, %broadcast_in_dim3A_211, %broadcast_in_dim3A_217, %broadcast_in_dim3A_223, %broadcast_in_dim3A_229, %broadcast_in_dim3A_235, %broadcast_in_dim3A_241, %broadcast_in_dim3A_247, %broadcast_in_dim3A_253 in 0 : vector<1x128xf32>, vector<1x128xf32>, vector<1x128xf32>, vector<1x128xf32>, vector<1x128xf32>, vector<1x128xf32>, vector<1x128xf32>, vector<1x128xf32>, vector<1x128xf32>, vector<1x128xf32>, vector<1x128xf32>, vector<1x128xf32>, vector<1x128xf32>, vector<1x128xf32>, vector<1x128xf32>, vector<1x128xf32>, vector<1x128xf32>, vector<1x128xf32>, vector<1x128xf32>, vector<1x128xf32>, vector<1x128xf32>, vector<1x128xf32>, vector<1x128xf32>, vector<1x128xf32>, vector<1x128xf32>, vector<1x128xf32>, vector<1x128xf32>, vector<1x128xf32>, vector<1x128xf32>, vector<1x128xf32>, vector<1x128xf32>, vector<1x128xf32> -> vector<32x128xf32>
    %iota3A_255 = tpu.iota {dimensions = array<i32: 0>} : vector<32x32xi32>
    %iota3A_256 = tpu.iota {dimensions = array<i32: 1>} : vector<32x32xi32>
    %gt3A_257 = arith.cmpi sgt, %iota3A_255, %iota3A_256 : vector<32x32xi32>
    %convert_element_type3A_258 = arith.extui %gt3A_257 : vector<32x32xi1> to vector<32x32xi32>
    %convert_element_type3A_259 = arith.sitofp %convert_element_type3A_258 : vector<32x32xi32> to vector<32x32xf32>
    %dot_general3A_260 = arith.constant dense<0.000000e+00> : vector<32x128xf32>
    %dot_general3A_261 = tpu.matmul %convert_element_type3A_259, %concatenate3A_254, %dot_general3A_260 {dimension_numbers = #tpu.dot_dimension_numbers<[1], [0], [0], [1], [0, 0, 1, 1], [], []>, transpose_lhs_hint = false} : vector<32x32xf32>, vector<32x128xf32>, vector<32x128xf32> -> vector<32x128xf32>
    %reduce_sum3A_262 = arith.constant dense<0.000000e+00> : vector<128xf32>
    %reduce_sum3A_263 = vector.multi_reduction <add>, %concatenate3A_254, %reduce_sum3A_262 [0] : vector<32x128xf32> to vector<128xf32>
    %broadcast_in_dim3A_264 = vector.shape_cast %reduce_sum3A_263 : vector<128xf32> to vector<1x128xf32>
    %add3A_265 = arith.constant 5.110000e+02 : f32
    %add3A_266 = vector.broadcast %add3A_265 : f32 to vector<1x128xf32>
    %add3A_267 = arith.addf %broadcast_in_dim3A_264, %add3A_266 : vector<1x128xf32>
    %div3A_268 = arith.constant 5.120000e+02 : f32
    %div3A_269 = vector.broadcast %div3A_268 : f32 to vector<1x128xf32>
    %div3A_270 = arith.divf %add3A_267, %div3A_269 : vector<1x128xf32>
    %floor3A = math.floor %div3A_270 : vector<1x128xf32>
    %mul3A = arith.constant 5.120000e+02 : f32
    %mul3A_271 = vector.broadcast %mul3A : f32 to vector<1x128xf32>
    %mul3A_272 = arith.mulf %floor3A, %mul3A_271 : vector<1x128xf32>
    %dot_general3A_273 = arith.constant dense<0.000000e+00> : vector<1x128xf32>
    %dot_general3A_274 = tpu.matmul %mul3A_272, %convert_element_type3A_62, %dot_general3A_273 {dimension_numbers = #tpu.dot_dimension_numbers<[1], [0], [0], [1], [0, 0, 1, 1], [], []>, transpose_lhs_hint = false} : vector<1x128xf32>, vector<128x128xf32>, vector<1x128xf32> -> vector<1x128xf32>
    %slice3A_275 = vector.extract_strided_slice %concatenate3A {offsets = [0, 0], sizes = [128, 128], strides = [1, 1]} : vector<4096x128xf32> to vector<128x128xf32>
    %slice3A_276 = vector.extract_strided_slice %dot_general3A_261 {offsets = [0, 0], sizes = [1, 128], strides = [1, 1]} : vector<32x128xf32> to vector<1x128xf32>
    %add3A_277 = vector.broadcast %slice3A_276 : vector<1x128xf32> to vector<128x128xf32>
    %add3A_278 = arith.addf %dot_general3A_64, %add3A_277 : vector<128x128xf32>
    %add3A_279 = vector.broadcast %dot_general3A_274 : vector<1x128xf32> to vector<128x128xf32>
    %add3A_280 = arith.addf %add3A_278, %add3A_279 : vector<128x128xf32>
    %mul3A_281 = arith.mulf %slice3A_275, %add3A_280 : vector<128x128xf32>
    %reduce_sum3A_282 = arith.constant dense<0.000000e+00> : vector<128xf32>
    %reduce_sum3A_283 = vector.multi_reduction <add>, %mul3A_281, %reduce_sum3A_282 [1] : vector<128x128xf32> to vector<128xf32>
    %broadcast_in_dim3A_284 = vector.shape_cast %reduce_sum3A_283 : vector<128xf32> to vector<128x1xf32>
    %slice3A_285 = vector.extract_strided_slice %concatenate3A {offsets = [128, 0], sizes = [128, 128], strides = [1, 1]} : vector<4096x128xf32> to vector<128x128xf32>
    %slice3A_286 = vector.extract_strided_slice %dot_general3A_261 {offsets = [1, 0], sizes = [1, 128], strides = [1, 1]} : vector<32x128xf32> to vector<1x128xf32>
    %add3A_287 = vector.broadcast %slice3A_286 : vector<1x128xf32> to vector<128x128xf32>
    %add3A_288 = arith.addf %dot_general3A_70, %add3A_287 : vector<128x128xf32>
    %add3A_289 = vector.broadcast %dot_general3A_274 : vector<1x128xf32> to vector<128x128xf32>
    %add3A_290 = arith.addf %add3A_288, %add3A_289 : vector<128x128xf32>
    %mul3A_291 = arith.mulf %slice3A_285, %add3A_290 : vector<128x128xf32>
    %reduce_sum3A_292 = arith.constant dense<0.000000e+00> : vector<128xf32>
    %reduce_sum3A_293 = vector.multi_reduction <add>, %mul3A_291, %reduce_sum3A_292 [1] : vector<128x128xf32> to vector<128xf32>
    %broadcast_in_dim3A_294 = vector.shape_cast %reduce_sum3A_293 : vector<128xf32> to vector<128x1xf32>
    %slice3A_295 = vector.extract_strided_slice %concatenate3A {offsets = [256, 0], sizes = [128, 128], strides = [1, 1]} : vector<4096x128xf32> to vector<128x128xf32>
    %slice3A_296 = vector.extract_strided_slice %dot_general3A_261 {offsets = [2, 0], sizes = [1, 128], strides = [1, 1]} : vector<32x128xf32> to vector<1x128xf32>
    %add3A_297 = vector.broadcast %slice3A_296 : vector<1x128xf32> to vector<128x128xf32>
    %add3A_298 = arith.addf %dot_general3A_76, %add3A_297 : vector<128x128xf32>
    %add3A_299 = vector.broadcast %dot_general3A_274 : vector<1x128xf32> to vector<128x128xf32>
    %add3A_300 = arith.addf %add3A_298, %add3A_299 : vector<128x128xf32>
    %mul3A_301 = arith.mulf %slice3A_295, %add3A_300 : vector<128x128xf32>
    %reduce_sum3A_302 = arith.constant dense<0.000000e+00> : vector<128xf32>
    %reduce_sum3A_303 = vector.multi_reduction <add>, %mul3A_301, %reduce_sum3A_302 [1] : vector<128x128xf32> to vector<128xf32>
    %broadcast_in_dim3A_304 = vector.shape_cast %reduce_sum3A_303 : vector<128xf32> to vector<128x1xf32>
    %slice3A_305 = vector.extract_strided_slice %concatenate3A {offsets = [384, 0], sizes = [128, 128], strides = [1, 1]} : vector<4096x128xf32> to vector<128x128xf32>
    %slice3A_306 = vector.extract_strided_slice %dot_general3A_261 {offsets = [3, 0], sizes = [1, 128], strides = [1, 1]} : vector<32x128xf32> to vector<1x128xf32>
    %add3A_307 = vector.broadcast %slice3A_306 : vector<1x128xf32> to vector<128x128xf32>
    %add3A_308 = arith.addf %dot_general3A_82, %add3A_307 : vector<128x128xf32>
    %add3A_309 = vector.broadcast %dot_general3A_274 : vector<1x128xf32> to vector<128x128xf32>
    %add3A_310 = arith.addf %add3A_308, %add3A_309 : vector<128x128xf32>
    %mul3A_311 = arith.mulf %slice3A_305, %add3A_310 : vector<128x128xf32>
    %reduce_sum3A_312 = arith.constant dense<0.000000e+00> : vector<128xf32>
    %reduce_sum3A_313 = vector.multi_reduction <add>, %mul3A_311, %reduce_sum3A_312 [1] : vector<128x128xf32> to vector<128xf32>
    %broadcast_in_dim3A_314 = vector.shape_cast %reduce_sum3A_313 : vector<128xf32> to vector<128x1xf32>
    %slice3A_315 = vector.extract_strided_slice %concatenate3A {offsets = [512, 0], sizes = [128, 128], strides = [1, 1]} : vector<4096x128xf32> to vector<128x128xf32>
    %slice3A_316 = vector.extract_strided_slice %dot_general3A_261 {offsets = [4, 0], sizes = [1, 128], strides = [1, 1]} : vector<32x128xf32> to vector<1x128xf32>
    %add3A_317 = vector.broadcast %slice3A_316 : vector<1x128xf32> to vector<128x128xf32>
    %add3A_318 = arith.addf %dot_general3A_88, %add3A_317 : vector<128x128xf32>
    %add3A_319 = vector.broadcast %dot_general3A_274 : vector<1x128xf32> to vector<128x128xf32>
    %add3A_320 = arith.addf %add3A_318, %add3A_319 : vector<128x128xf32>
    %mul3A_321 = arith.mulf %slice3A_315, %add3A_320 : vector<128x128xf32>
    %reduce_sum3A_322 = arith.constant dense<0.000000e+00> : vector<128xf32>
    %reduce_sum3A_323 = vector.multi_reduction <add>, %mul3A_321, %reduce_sum3A_322 [1] : vector<128x128xf32> to vector<128xf32>
    %broadcast_in_dim3A_324 = vector.shape_cast %reduce_sum3A_323 : vector<128xf32> to vector<128x1xf32>
    %slice3A_325 = vector.extract_strided_slice %concatenate3A {offsets = [640, 0], sizes = [128, 128], strides = [1, 1]} : vector<4096x128xf32> to vector<128x128xf32>
    %slice3A_326 = vector.extract_strided_slice %dot_general3A_261 {offsets = [5, 0], sizes = [1, 128], strides = [1, 1]} : vector<32x128xf32> to vector<1x128xf32>
    %add3A_327 = vector.broadcast %slice3A_326 : vector<1x128xf32> to vector<128x128xf32>
    %add3A_328 = arith.addf %dot_general3A_94, %add3A_327 : vector<128x128xf32>
    %add3A_329 = vector.broadcast %dot_general3A_274 : vector<1x128xf32> to vector<128x128xf32>
    %add3A_330 = arith.addf %add3A_328, %add3A_329 : vector<128x128xf32>
    %mul3A_331 = arith.mulf %slice3A_325, %add3A_330 : vector<128x128xf32>
    %reduce_sum3A_332 = arith.constant dense<0.000000e+00> : vector<128xf32>
    %reduce_sum3A_333 = vector.multi_reduction <add>, %mul3A_331, %reduce_sum3A_332 [1] : vector<128x128xf32> to vector<128xf32>
    %broadcast_in_dim3A_334 = vector.shape_cast %reduce_sum3A_333 : vector<128xf32> to vector<128x1xf32>
    %slice3A_335 = vector.extract_strided_slice %concatenate3A {offsets = [768, 0], sizes = [128, 128], strides = [1, 1]} : vector<4096x128xf32> to vector<128x128xf32>
    %slice3A_336 = vector.extract_strided_slice %dot_general3A_261 {offsets = [6, 0], sizes = [1, 128], strides = [1, 1]} : vector<32x128xf32> to vector<1x128xf32>
    %add3A_337 = vector.broadcast %slice3A_336 : vector<1x128xf32> to vector<128x128xf32>
    %add3A_338 = arith.addf %dot_general3A_100, %add3A_337 : vector<128x128xf32>
    %add3A_339 = vector.broadcast %dot_general3A_274 : vector<1x128xf32> to vector<128x128xf32>
    %add3A_340 = arith.addf %add3A_338, %add3A_339 : vector<128x128xf32>
    %mul3A_341 = arith.mulf %slice3A_335, %add3A_340 : vector<128x128xf32>
    %reduce_sum3A_342 = arith.constant dense<0.000000e+00> : vector<128xf32>
    %reduce_sum3A_343 = vector.multi_reduction <add>, %mul3A_341, %reduce_sum3A_342 [1] : vector<128x128xf32> to vector<128xf32>
    %broadcast_in_dim3A_344 = vector.shape_cast %reduce_sum3A_343 : vector<128xf32> to vector<128x1xf32>
    %slice3A_345 = vector.extract_strided_slice %concatenate3A {offsets = [896, 0], sizes = [128, 128], strides = [1, 1]} : vector<4096x128xf32> to vector<128x128xf32>
    %slice3A_346 = vector.extract_strided_slice %dot_general3A_261 {offsets = [7, 0], sizes = [1, 128], strides = [1, 1]} : vector<32x128xf32> to vector<1x128xf32>
    %add3A_347 = vector.broadcast %slice3A_346 : vector<1x128xf32> to vector<128x128xf32>
    %add3A_348 = arith.addf %dot_general3A_106, %add3A_347 : vector<128x128xf32>
    %add3A_349 = vector.broadcast %dot_general3A_274 : vector<1x128xf32> to vector<128x128xf32>
    %add3A_350 = arith.addf %add3A_348, %add3A_349 : vector<128x128xf32>
    %mul3A_351 = arith.mulf %slice3A_345, %add3A_350 : vector<128x128xf32>
    %reduce_sum3A_352 = arith.constant dense<0.000000e+00> : vector<128xf32>
    %reduce_sum3A_353 = vector.multi_reduction <add>, %mul3A_351, %reduce_sum3A_352 [1] : vector<128x128xf32> to vector<128xf32>
    %broadcast_in_dim3A_354 = vector.shape_cast %reduce_sum3A_353 : vector<128xf32> to vector<128x1xf32>
    %slice3A_355 = vector.extract_strided_slice %concatenate3A {offsets = [1024, 0], sizes = [128, 128], strides = [1, 1]} : vector<4096x128xf32> to vector<128x128xf32>
    %slice3A_356 = vector.extract_strided_slice %dot_general3A_261 {offsets = [8, 0], sizes = [1, 128], strides = [1, 1]} : vector<32x128xf32> to vector<1x128xf32>
    %add3A_357 = vector.broadcast %slice3A_356 : vector<1x128xf32> to vector<128x128xf32>
    %add3A_358 = arith.addf %dot_general3A_112, %add3A_357 : vector<128x128xf32>
    %add3A_359 = vector.broadcast %dot_general3A_274 : vector<1x128xf32> to vector<128x128xf32>
    %add3A_360 = arith.addf %add3A_358, %add3A_359 : vector<128x128xf32>
    %mul3A_361 = arith.mulf %slice3A_355, %add3A_360 : vector<128x128xf32>
    %reduce_sum3A_362 = arith.constant dense<0.000000e+00> : vector<128xf32>
    %reduce_sum3A_363 = vector.multi_reduction <add>, %mul3A_361, %reduce_sum3A_362 [1] : vector<128x128xf32> to vector<128xf32>
    %broadcast_in_dim3A_364 = vector.shape_cast %reduce_sum3A_363 : vector<128xf32> to vector<128x1xf32>
    %slice3A_365 = vector.extract_strided_slice %concatenate3A {offsets = [1152, 0], sizes = [128, 128], strides = [1, 1]} : vector<4096x128xf32> to vector<128x128xf32>
    %slice3A_366 = vector.extract_strided_slice %dot_general3A_261 {offsets = [9, 0], sizes = [1, 128], strides = [1, 1]} : vector<32x128xf32> to vector<1x128xf32>
    %add3A_367 = vector.broadcast %slice3A_366 : vector<1x128xf32> to vector<128x128xf32>
    %add3A_368 = arith.addf %dot_general3A_118, %add3A_367 : vector<128x128xf32>
    %add3A_369 = vector.broadcast %dot_general3A_274 : vector<1x128xf32> to vector<128x128xf32>
    %add3A_370 = arith.addf %add3A_368, %add3A_369 : vector<128x128xf32>
    %mul3A_371 = arith.mulf %slice3A_365, %add3A_370 : vector<128x128xf32>
    %reduce_sum3A_372 = arith.constant dense<0.000000e+00> : vector<128xf32>
    %reduce_sum3A_373 = vector.multi_reduction <add>, %mul3A_371, %reduce_sum3A_372 [1] : vector<128x128xf32> to vector<128xf32>
    %broadcast_in_dim3A_374 = vector.shape_cast %reduce_sum3A_373 : vector<128xf32> to vector<128x1xf32>
    %slice3A_375 = vector.extract_strided_slice %concatenate3A {offsets = [1280, 0], sizes = [128, 128], strides = [1, 1]} : vector<4096x128xf32> to vector<128x128xf32>
    %slice3A_376 = vector.extract_strided_slice %dot_general3A_261 {offsets = [10, 0], sizes = [1, 128], strides = [1, 1]} : vector<32x128xf32> to vector<1x128xf32>
    %add3A_377 = vector.broadcast %slice3A_376 : vector<1x128xf32> to vector<128x128xf32>
    %add3A_378 = arith.addf %dot_general3A_124, %add3A_377 : vector<128x128xf32>
    %add3A_379 = vector.broadcast %dot_general3A_274 : vector<1x128xf32> to vector<128x128xf32>
    %add3A_380 = arith.addf %add3A_378, %add3A_379 : vector<128x128xf32>
    %mul3A_381 = arith.mulf %slice3A_375, %add3A_380 : vector<128x128xf32>
    %reduce_sum3A_382 = arith.constant dense<0.000000e+00> : vector<128xf32>
    %reduce_sum3A_383 = vector.multi_reduction <add>, %mul3A_381, %reduce_sum3A_382 [1] : vector<128x128xf32> to vector<128xf32>
    %broadcast_in_dim3A_384 = vector.shape_cast %reduce_sum3A_383 : vector<128xf32> to vector<128x1xf32>
    %slice3A_385 = vector.extract_strided_slice %concatenate3A {offsets = [1408, 0], sizes = [128, 128], strides = [1, 1]} : vector<4096x128xf32> to vector<128x128xf32>
    %slice3A_386 = vector.extract_strided_slice %dot_general3A_261 {offsets = [11, 0], sizes = [1, 128], strides = [1, 1]} : vector<32x128xf32> to vector<1x128xf32>
    %add3A_387 = vector.broadcast %slice3A_386 : vector<1x128xf32> to vector<128x128xf32>
    %add3A_388 = arith.addf %dot_general3A_130, %add3A_387 : vector<128x128xf32>
    %add3A_389 = vector.broadcast %dot_general3A_274 : vector<1x128xf32> to vector<128x128xf32>
    %add3A_390 = arith.addf %add3A_388, %add3A_389 : vector<128x128xf32>
    %mul3A_391 = arith.mulf %slice3A_385, %add3A_390 : vector<128x128xf32>
    %reduce_sum3A_392 = arith.constant dense<0.000000e+00> : vector<128xf32>
    %reduce_sum3A_393 = vector.multi_reduction <add>, %mul3A_391, %reduce_sum3A_392 [1] : vector<128x128xf32> to vector<128xf32>
    %broadcast_in_dim3A_394 = vector.shape_cast %reduce_sum3A_393 : vector<128xf32> to vector<128x1xf32>
    %slice3A_395 = vector.extract_strided_slice %concatenate3A {offsets = [1536, 0], sizes = [128, 128], strides = [1, 1]} : vector<4096x128xf32> to vector<128x128xf32>
    %slice3A_396 = vector.extract_strided_slice %dot_general3A_261 {offsets = [12, 0], sizes = [1, 128], strides = [1, 1]} : vector<32x128xf32> to vector<1x128xf32>
    %add3A_397 = vector.broadcast %slice3A_396 : vector<1x128xf32> to vector<128x128xf32>
    %add3A_398 = arith.addf %dot_general3A_136, %add3A_397 : vector<128x128xf32>
    %add3A_399 = vector.broadcast %dot_general3A_274 : vector<1x128xf32> to vector<128x128xf32>
    %add3A_400 = arith.addf %add3A_398, %add3A_399 : vector<128x128xf32>
    %mul3A_401 = arith.mulf %slice3A_395, %add3A_400 : vector<128x128xf32>
    %reduce_sum3A_402 = arith.constant dense<0.000000e+00> : vector<128xf32>
    %reduce_sum3A_403 = vector.multi_reduction <add>, %mul3A_401, %reduce_sum3A_402 [1] : vector<128x128xf32> to vector<128xf32>
    %broadcast_in_dim3A_404 = vector.shape_cast %reduce_sum3A_403 : vector<128xf32> to vector<128x1xf32>
    %slice3A_405 = vector.extract_strided_slice %concatenate3A {offsets = [1664, 0], sizes = [128, 128], strides = [1, 1]} : vector<4096x128xf32> to vector<128x128xf32>
    %slice3A_406 = vector.extract_strided_slice %dot_general3A_261 {offsets = [13, 0], sizes = [1, 128], strides = [1, 1]} : vector<32x128xf32> to vector<1x128xf32>
    %add3A_407 = vector.broadcast %slice3A_406 : vector<1x128xf32> to vector<128x128xf32>
    %add3A_408 = arith.addf %dot_general3A_142, %add3A_407 : vector<128x128xf32>
    %add3A_409 = vector.broadcast %dot_general3A_274 : vector<1x128xf32> to vector<128x128xf32>
    %add3A_410 = arith.addf %add3A_408, %add3A_409 : vector<128x128xf32>
    %mul3A_411 = arith.mulf %slice3A_405, %add3A_410 : vector<128x128xf32>
    %reduce_sum3A_412 = arith.constant dense<0.000000e+00> : vector<128xf32>
    %reduce_sum3A_413 = vector.multi_reduction <add>, %mul3A_411, %reduce_sum3A_412 [1] : vector<128x128xf32> to vector<128xf32>
    %broadcast_in_dim3A_414 = vector.shape_cast %reduce_sum3A_413 : vector<128xf32> to vector<128x1xf32>
    %slice3A_415 = vector.extract_strided_slice %concatenate3A {offsets = [1792, 0], sizes = [128, 128], strides = [1, 1]} : vector<4096x128xf32> to vector<128x128xf32>
    %slice3A_416 = vector.extract_strided_slice %dot_general3A_261 {offsets = [14, 0], sizes = [1, 128], strides = [1, 1]} : vector<32x128xf32> to vector<1x128xf32>
    %add3A_417 = vector.broadcast %slice3A_416 : vector<1x128xf32> to vector<128x128xf32>
    %add3A_418 = arith.addf %dot_general3A_148, %add3A_417 : vector<128x128xf32>
    %add3A_419 = vector.broadcast %dot_general3A_274 : vector<1x128xf32> to vector<128x128xf32>
    %add3A_420 = arith.addf %add3A_418, %add3A_419 : vector<128x128xf32>
    %mul3A_421 = arith.mulf %slice3A_415, %add3A_420 : vector<128x128xf32>
    %reduce_sum3A_422 = arith.constant dense<0.000000e+00> : vector<128xf32>
    %reduce_sum3A_423 = vector.multi_reduction <add>, %mul3A_421, %reduce_sum3A_422 [1] : vector<128x128xf32> to vector<128xf32>
    %broadcast_in_dim3A_424 = vector.shape_cast %reduce_sum3A_423 : vector<128xf32> to vector<128x1xf32>
    %slice3A_425 = vector.extract_strided_slice %concatenate3A {offsets = [1920, 0], sizes = [128, 128], strides = [1, 1]} : vector<4096x128xf32> to vector<128x128xf32>
    %slice3A_426 = vector.extract_strided_slice %dot_general3A_261 {offsets = [15, 0], sizes = [1, 128], strides = [1, 1]} : vector<32x128xf32> to vector<1x128xf32>
    %add3A_427 = vector.broadcast %slice3A_426 : vector<1x128xf32> to vector<128x128xf32>
    %add3A_428 = arith.addf %dot_general3A_154, %add3A_427 : vector<128x128xf32>
    %add3A_429 = vector.broadcast %dot_general3A_274 : vector<1x128xf32> to vector<128x128xf32>
    %add3A_430 = arith.addf %add3A_428, %add3A_429 : vector<128x128xf32>
    %mul3A_431 = arith.mulf %slice3A_425, %add3A_430 : vector<128x128xf32>
    %reduce_sum3A_432 = arith.constant dense<0.000000e+00> : vector<128xf32>
    %reduce_sum3A_433 = vector.multi_reduction <add>, %mul3A_431, %reduce_sum3A_432 [1] : vector<128x128xf32> to vector<128xf32>
    %broadcast_in_dim3A_434 = vector.shape_cast %reduce_sum3A_433 : vector<128xf32> to vector<128x1xf32>
    %slice3A_435 = vector.extract_strided_slice %concatenate3A {offsets = [2048, 0], sizes = [128, 128], strides = [1, 1]} : vector<4096x128xf32> to vector<128x128xf32>
    %slice3A_436 = vector.extract_strided_slice %dot_general3A_261 {offsets = [16, 0], sizes = [1, 128], strides = [1, 1]} : vector<32x128xf32> to vector<1x128xf32>
    %add3A_437 = vector.broadcast %slice3A_436 : vector<1x128xf32> to vector<128x128xf32>
    %add3A_438 = arith.addf %dot_general3A_160, %add3A_437 : vector<128x128xf32>
    %add3A_439 = vector.broadcast %dot_general3A_274 : vector<1x128xf32> to vector<128x128xf32>
    %add3A_440 = arith.addf %add3A_438, %add3A_439 : vector<128x128xf32>
    %mul3A_441 = arith.mulf %slice3A_435, %add3A_440 : vector<128x128xf32>
    %reduce_sum3A_442 = arith.constant dense<0.000000e+00> : vector<128xf32>
    %reduce_sum3A_443 = vector.multi_reduction <add>, %mul3A_441, %reduce_sum3A_442 [1] : vector<128x128xf32> to vector<128xf32>
    %broadcast_in_dim3A_444 = vector.shape_cast %reduce_sum3A_443 : vector<128xf32> to vector<128x1xf32>
    %slice3A_445 = vector.extract_strided_slice %concatenate3A {offsets = [2176, 0], sizes = [128, 128], strides = [1, 1]} : vector<4096x128xf32> to vector<128x128xf32>
    %slice3A_446 = vector.extract_strided_slice %dot_general3A_261 {offsets = [17, 0], sizes = [1, 128], strides = [1, 1]} : vector<32x128xf32> to vector<1x128xf32>
    %add3A_447 = vector.broadcast %slice3A_446 : vector<1x128xf32> to vector<128x128xf32>
    %add3A_448 = arith.addf %dot_general3A_166, %add3A_447 : vector<128x128xf32>
    %add3A_449 = vector.broadcast %dot_general3A_274 : vector<1x128xf32> to vector<128x128xf32>
    %add3A_450 = arith.addf %add3A_448, %add3A_449 : vector<128x128xf32>
    %mul3A_451 = arith.mulf %slice3A_445, %add3A_450 : vector<128x128xf32>
    %reduce_sum3A_452 = arith.constant dense<0.000000e+00> : vector<128xf32>
    %reduce_sum3A_453 = vector.multi_reduction <add>, %mul3A_451, %reduce_sum3A_452 [1] : vector<128x128xf32> to vector<128xf32>
    %broadcast_in_dim3A_454 = vector.shape_cast %reduce_sum3A_453 : vector<128xf32> to vector<128x1xf32>
    %slice3A_455 = vector.extract_strided_slice %concatenate3A {offsets = [2304, 0], sizes = [128, 128], strides = [1, 1]} : vector<4096x128xf32> to vector<128x128xf32>
    %slice3A_456 = vector.extract_strided_slice %dot_general3A_261 {offsets = [18, 0], sizes = [1, 128], strides = [1, 1]} : vector<32x128xf32> to vector<1x128xf32>
    %add3A_457 = vector.broadcast %slice3A_456 : vector<1x128xf32> to vector<128x128xf32>
    %add3A_458 = arith.addf %dot_general3A_172, %add3A_457 : vector<128x128xf32>
    %add3A_459 = vector.broadcast %dot_general3A_274 : vector<1x128xf32> to vector<128x128xf32>
    %add3A_460 = arith.addf %add3A_458, %add3A_459 : vector<128x128xf32>
    %mul3A_461 = arith.mulf %slice3A_455, %add3A_460 : vector<128x128xf32>
    %reduce_sum3A_462 = arith.constant dense<0.000000e+00> : vector<128xf32>
    %reduce_sum3A_463 = vector.multi_reduction <add>, %mul3A_461, %reduce_sum3A_462 [1] : vector<128x128xf32> to vector<128xf32>
    %broadcast_in_dim3A_464 = vector.shape_cast %reduce_sum3A_463 : vector<128xf32> to vector<128x1xf32>
    %slice3A_465 = vector.extract_strided_slice %concatenate3A {offsets = [2432, 0], sizes = [128, 128], strides = [1, 1]} : vector<4096x128xf32> to vector<128x128xf32>
    %slice3A_466 = vector.extract_strided_slice %dot_general3A_261 {offsets = [19, 0], sizes = [1, 128], strides = [1, 1]} : vector<32x128xf32> to vector<1x128xf32>
    %add3A_467 = vector.broadcast %slice3A_466 : vector<1x128xf32> to vector<128x128xf32>
    %add3A_468 = arith.addf %dot_general3A_178, %add3A_467 : vector<128x128xf32>
    %add3A_469 = vector.broadcast %dot_general3A_274 : vector<1x128xf32> to vector<128x128xf32>
    %add3A_470 = arith.addf %add3A_468, %add3A_469 : vector<128x128xf32>
    %mul3A_471 = arith.mulf %slice3A_465, %add3A_470 : vector<128x128xf32>
    %reduce_sum3A_472 = arith.constant dense<0.000000e+00> : vector<128xf32>
    %reduce_sum3A_473 = vector.multi_reduction <add>, %mul3A_471, %reduce_sum3A_472 [1] : vector<128x128xf32> to vector<128xf32>
    %broadcast_in_dim3A_474 = vector.shape_cast %reduce_sum3A_473 : vector<128xf32> to vector<128x1xf32>
    %slice3A_475 = vector.extract_strided_slice %concatenate3A {offsets = [2560, 0], sizes = [128, 128], strides = [1, 1]} : vector<4096x128xf32> to vector<128x128xf32>
    %slice3A_476 = vector.extract_strided_slice %dot_general3A_261 {offsets = [20, 0], sizes = [1, 128], strides = [1, 1]} : vector<32x128xf32> to vector<1x128xf32>
    %add3A_477 = vector.broadcast %slice3A_476 : vector<1x128xf32> to vector<128x128xf32>
    %add3A_478 = arith.addf %dot_general3A_184, %add3A_477 : vector<128x128xf32>
    %add3A_479 = vector.broadcast %dot_general3A_274 : vector<1x128xf32> to vector<128x128xf32>
    %add3A_480 = arith.addf %add3A_478, %add3A_479 : vector<128x128xf32>
    %mul3A_481 = arith.mulf %slice3A_475, %add3A_480 : vector<128x128xf32>
    %reduce_sum3A_482 = arith.constant dense<0.000000e+00> : vector<128xf32>
    %reduce_sum3A_483 = vector.multi_reduction <add>, %mul3A_481, %reduce_sum3A_482 [1] : vector<128x128xf32> to vector<128xf32>
    %broadcast_in_dim3A_484 = vector.shape_cast %reduce_sum3A_483 : vector<128xf32> to vector<128x1xf32>
    %slice3A_485 = vector.extract_strided_slice %concatenate3A {offsets = [2688, 0], sizes = [128, 128], strides = [1, 1]} : vector<4096x128xf32> to vector<128x128xf32>
    %slice3A_486 = vector.extract_strided_slice %dot_general3A_261 {offsets = [21, 0], sizes = [1, 128], strides = [1, 1]} : vector<32x128xf32> to vector<1x128xf32>
    %add3A_487 = vector.broadcast %slice3A_486 : vector<1x128xf32> to vector<128x128xf32>
    %add3A_488 = arith.addf %dot_general3A_190, %add3A_487 : vector<128x128xf32>
    %add3A_489 = vector.broadcast %dot_general3A_274 : vector<1x128xf32> to vector<128x128xf32>
    %add3A_490 = arith.addf %add3A_488, %add3A_489 : vector<128x128xf32>
    %mul3A_491 = arith.mulf %slice3A_485, %add3A_490 : vector<128x128xf32>
    %reduce_sum3A_492 = arith.constant dense<0.000000e+00> : vector<128xf32>
    %reduce_sum3A_493 = vector.multi_reduction <add>, %mul3A_491, %reduce_sum3A_492 [1] : vector<128x128xf32> to vector<128xf32>
    %broadcast_in_dim3A_494 = vector.shape_cast %reduce_sum3A_493 : vector<128xf32> to vector<128x1xf32>
    %slice3A_495 = vector.extract_strided_slice %concatenate3A {offsets = [2816, 0], sizes = [128, 128], strides = [1, 1]} : vector<4096x128xf32> to vector<128x128xf32>
    %slice3A_496 = vector.extract_strided_slice %dot_general3A_261 {offsets = [22, 0], sizes = [1, 128], strides = [1, 1]} : vector<32x128xf32> to vector<1x128xf32>
    %add3A_497 = vector.broadcast %slice3A_496 : vector<1x128xf32> to vector<128x128xf32>
    %add3A_498 = arith.addf %dot_general3A_196, %add3A_497 : vector<128x128xf32>
    %add3A_499 = vector.broadcast %dot_general3A_274 : vector<1x128xf32> to vector<128x128xf32>
    %add3A_500 = arith.addf %add3A_498, %add3A_499 : vector<128x128xf32>
    %mul3A_501 = arith.mulf %slice3A_495, %add3A_500 : vector<128x128xf32>
    %reduce_sum3A_502 = arith.constant dense<0.000000e+00> : vector<128xf32>
    %reduce_sum3A_503 = vector.multi_reduction <add>, %mul3A_501, %reduce_sum3A_502 [1] : vector<128x128xf32> to vector<128xf32>
    %broadcast_in_dim3A_504 = vector.shape_cast %reduce_sum3A_503 : vector<128xf32> to vector<128x1xf32>
    %slice3A_505 = vector.extract_strided_slice %concatenate3A {offsets = [2944, 0], sizes = [128, 128], strides = [1, 1]} : vector<4096x128xf32> to vector<128x128xf32>
    %slice3A_506 = vector.extract_strided_slice %dot_general3A_261 {offsets = [23, 0], sizes = [1, 128], strides = [1, 1]} : vector<32x128xf32> to vector<1x128xf32>
    %add3A_507 = vector.broadcast %slice3A_506 : vector<1x128xf32> to vector<128x128xf32>
    %add3A_508 = arith.addf %dot_general3A_202, %add3A_507 : vector<128x128xf32>
    %add3A_509 = vector.broadcast %dot_general3A_274 : vector<1x128xf32> to vector<128x128xf32>
    %add3A_510 = arith.addf %add3A_508, %add3A_509 : vector<128x128xf32>
    %mul3A_511 = arith.mulf %slice3A_505, %add3A_510 : vector<128x128xf32>
    %reduce_sum3A_512 = arith.constant dense<0.000000e+00> : vector<128xf32>
    %reduce_sum3A_513 = vector.multi_reduction <add>, %mul3A_511, %reduce_sum3A_512 [1] : vector<128x128xf32> to vector<128xf32>
    %broadcast_in_dim3A_514 = vector.shape_cast %reduce_sum3A_513 : vector<128xf32> to vector<128x1xf32>
    %slice3A_515 = vector.extract_strided_slice %concatenate3A {offsets = [3072, 0], sizes = [128, 128], strides = [1, 1]} : vector<4096x128xf32> to vector<128x128xf32>
    %slice3A_516 = vector.extract_strided_slice %dot_general3A_261 {offsets = [24, 0], sizes = [1, 128], strides = [1, 1]} : vector<32x128xf32> to vector<1x128xf32>
    %add3A_517 = vector.broadcast %slice3A_516 : vector<1x128xf32> to vector<128x128xf32>
    %add3A_518 = arith.addf %dot_general3A_208, %add3A_517 : vector<128x128xf32>
    %add3A_519 = vector.broadcast %dot_general3A_274 : vector<1x128xf32> to vector<128x128xf32>
    %add3A_520 = arith.addf %add3A_518, %add3A_519 : vector<128x128xf32>
    %mul3A_521 = arith.mulf %slice3A_515, %add3A_520 : vector<128x128xf32>
    %reduce_sum3A_522 = arith.constant dense<0.000000e+00> : vector<128xf32>
    %reduce_sum3A_523 = vector.multi_reduction <add>, %mul3A_521, %reduce_sum3A_522 [1] : vector<128x128xf32> to vector<128xf32>
    %broadcast_in_dim3A_524 = vector.shape_cast %reduce_sum3A_523 : vector<128xf32> to vector<128x1xf32>
    %slice3A_525 = vector.extract_strided_slice %concatenate3A {offsets = [3200, 0], sizes = [128, 128], strides = [1, 1]} : vector<4096x128xf32> to vector<128x128xf32>
    %slice3A_526 = vector.extract_strided_slice %dot_general3A_261 {offsets = [25, 0], sizes = [1, 128], strides = [1, 1]} : vector<32x128xf32> to vector<1x128xf32>
    %add3A_527 = vector.broadcast %slice3A_526 : vector<1x128xf32> to vector<128x128xf32>
    %add3A_528 = arith.addf %dot_general3A_214, %add3A_527 : vector<128x128xf32>
    %add3A_529 = vector.broadcast %dot_general3A_274 : vector<1x128xf32> to vector<128x128xf32>
    %add3A_530 = arith.addf %add3A_528, %add3A_529 : vector<128x128xf32>
    %mul3A_531 = arith.mulf %slice3A_525, %add3A_530 : vector<128x128xf32>
    %reduce_sum3A_532 = arith.constant dense<0.000000e+00> : vector<128xf32>
    %reduce_sum3A_533 = vector.multi_reduction <add>, %mul3A_531, %reduce_sum3A_532 [1] : vector<128x128xf32> to vector<128xf32>
    %broadcast_in_dim3A_534 = vector.shape_cast %reduce_sum3A_533 : vector<128xf32> to vector<128x1xf32>
    %slice3A_535 = vector.extract_strided_slice %concatenate3A {offsets = [3328, 0], sizes = [128, 128], strides = [1, 1]} : vector<4096x128xf32> to vector<128x128xf32>
    %slice3A_536 = vector.extract_strided_slice %dot_general3A_261 {offsets = [26, 0], sizes = [1, 128], strides = [1, 1]} : vector<32x128xf32> to vector<1x128xf32>
    %add3A_537 = vector.broadcast %slice3A_536 : vector<1x128xf32> to vector<128x128xf32>
    %add3A_538 = arith.addf %dot_general3A_220, %add3A_537 : vector<128x128xf32>
    %add3A_539 = vector.broadcast %dot_general3A_274 : vector<1x128xf32> to vector<128x128xf32>
    %add3A_540 = arith.addf %add3A_538, %add3A_539 : vector<128x128xf32>
    %mul3A_541 = arith.mulf %slice3A_535, %add3A_540 : vector<128x128xf32>
    %reduce_sum3A_542 = arith.constant dense<0.000000e+00> : vector<128xf32>
    %reduce_sum3A_543 = vector.multi_reduction <add>, %mul3A_541, %reduce_sum3A_542 [1] : vector<128x128xf32> to vector<128xf32>
    %broadcast_in_dim3A_544 = vector.shape_cast %reduce_sum3A_543 : vector<128xf32> to vector<128x1xf32>
    %slice3A_545 = vector.extract_strided_slice %concatenate3A {offsets = [3456, 0], sizes = [128, 128], strides = [1, 1]} : vector<4096x128xf32> to vector<128x128xf32>
    %slice3A_546 = vector.extract_strided_slice %dot_general3A_261 {offsets = [27, 0], sizes = [1, 128], strides = [1, 1]} : vector<32x128xf32> to vector<1x128xf32>
    %add3A_547 = vector.broadcast %slice3A_546 : vector<1x128xf32> to vector<128x128xf32>
    %add3A_548 = arith.addf %dot_general3A_226, %add3A_547 : vector<128x128xf32>
    %add3A_549 = vector.broadcast %dot_general3A_274 : vector<1x128xf32> to vector<128x128xf32>
    %add3A_550 = arith.addf %add3A_548, %add3A_549 : vector<128x128xf32>
    %mul3A_551 = arith.mulf %slice3A_545, %add3A_550 : vector<128x128xf32>
    %reduce_sum3A_552 = arith.constant dense<0.000000e+00> : vector<128xf32>
    %reduce_sum3A_553 = vector.multi_reduction <add>, %mul3A_551, %reduce_sum3A_552 [1] : vector<128x128xf32> to vector<128xf32>
    %broadcast_in_dim3A_554 = vector.shape_cast %reduce_sum3A_553 : vector<128xf32> to vector<128x1xf32>
    %slice3A_555 = vector.extract_strided_slice %concatenate3A {offsets = [3584, 0], sizes = [128, 128], strides = [1, 1]} : vector<4096x128xf32> to vector<128x128xf32>
    %slice3A_556 = vector.extract_strided_slice %dot_general3A_261 {offsets = [28, 0], sizes = [1, 128], strides = [1, 1]} : vector<32x128xf32> to vector<1x128xf32>
    %add3A_557 = vector.broadcast %slice3A_556 : vector<1x128xf32> to vector<128x128xf32>
    %add3A_558 = arith.addf %dot_general3A_232, %add3A_557 : vector<128x128xf32>
    %add3A_559 = vector.broadcast %dot_general3A_274 : vector<1x128xf32> to vector<128x128xf32>
    %add3A_560 = arith.addf %add3A_558, %add3A_559 : vector<128x128xf32>
    %mul3A_561 = arith.mulf %slice3A_555, %add3A_560 : vector<128x128xf32>
    %reduce_sum3A_562 = arith.constant dense<0.000000e+00> : vector<128xf32>
    %reduce_sum3A_563 = vector.multi_reduction <add>, %mul3A_561, %reduce_sum3A_562 [1] : vector<128x128xf32> to vector<128xf32>
    %broadcast_in_dim3A_564 = vector.shape_cast %reduce_sum3A_563 : vector<128xf32> to vector<128x1xf32>
    %slice3A_565 = vector.extract_strided_slice %concatenate3A {offsets = [3712, 0], sizes = [128, 128], strides = [1, 1]} : vector<4096x128xf32> to vector<128x128xf32>
    %slice3A_566 = vector.extract_strided_slice %dot_general3A_261 {offsets = [29, 0], sizes = [1, 128], strides = [1, 1]} : vector<32x128xf32> to vector<1x128xf32>
    %add3A_567 = vector.broadcast %slice3A_566 : vector<1x128xf32> to vector<128x128xf32>
    %add3A_568 = arith.addf %dot_general3A_238, %add3A_567 : vector<128x128xf32>
    %add3A_569 = vector.broadcast %dot_general3A_274 : vector<1x128xf32> to vector<128x128xf32>
    %add3A_570 = arith.addf %add3A_568, %add3A_569 : vector<128x128xf32>
    %mul3A_571 = arith.mulf %slice3A_565, %add3A_570 : vector<128x128xf32>
    %reduce_sum3A_572 = arith.constant dense<0.000000e+00> : vector<128xf32>
    %reduce_sum3A_573 = vector.multi_reduction <add>, %mul3A_571, %reduce_sum3A_572 [1] : vector<128x128xf32> to vector<128xf32>
    %broadcast_in_dim3A_574 = vector.shape_cast %reduce_sum3A_573 : vector<128xf32> to vector<128x1xf32>
    %slice3A_575 = vector.extract_strided_slice %concatenate3A {offsets = [3840, 0], sizes = [128, 128], strides = [1, 1]} : vector<4096x128xf32> to vector<128x128xf32>
    %slice3A_576 = vector.extract_strided_slice %dot_general3A_261 {offsets = [30, 0], sizes = [1, 128], strides = [1, 1]} : vector<32x128xf32> to vector<1x128xf32>
    %add3A_577 = vector.broadcast %slice3A_576 : vector<1x128xf32> to vector<128x128xf32>
    %add3A_578 = arith.addf %dot_general3A_244, %add3A_577 : vector<128x128xf32>
    %add3A_579 = vector.broadcast %dot_general3A_274 : vector<1x128xf32> to vector<128x128xf32>
    %add3A_580 = arith.addf %add3A_578, %add3A_579 : vector<128x128xf32>
    %mul3A_581 = arith.mulf %slice3A_575, %add3A_580 : vector<128x128xf32>
    %reduce_sum3A_582 = arith.constant dense<0.000000e+00> : vector<128xf32>
    %reduce_sum3A_583 = vector.multi_reduction <add>, %mul3A_581, %reduce_sum3A_582 [1] : vector<128x128xf32> to vector<128xf32>
    %broadcast_in_dim3A_584 = vector.shape_cast %reduce_sum3A_583 : vector<128xf32> to vector<128x1xf32>
    %slice3A_585 = vector.extract_strided_slice %concatenate3A {offsets = [3968, 0], sizes = [128, 128], strides = [1, 1]} : vector<4096x128xf32> to vector<128x128xf32>
    %slice3A_586 = vector.extract_strided_slice %dot_general3A_261 {offsets = [31, 0], sizes = [1, 128], strides = [1, 1]} : vector<32x128xf32> to vector<1x128xf32>
    %add3A_587 = vector.broadcast %slice3A_586 : vector<1x128xf32> to vector<128x128xf32>
    %add3A_588 = arith.addf %dot_general3A_250, %add3A_587 : vector<128x128xf32>
    %add3A_589 = vector.broadcast %dot_general3A_274 : vector<1x128xf32> to vector<128x128xf32>
    %add3A_590 = arith.addf %add3A_588, %add3A_589 : vector<128x128xf32>
    %mul3A_591 = arith.mulf %slice3A_585, %add3A_590 : vector<128x128xf32>
    %reduce_sum3A_592 = arith.constant dense<0.000000e+00> : vector<128xf32>
    %reduce_sum3A_593 = vector.multi_reduction <add>, %mul3A_591, %reduce_sum3A_592 [1] : vector<128x128xf32> to vector<128xf32>
    %broadcast_in_dim3A_594 = vector.shape_cast %reduce_sum3A_593 : vector<128xf32> to vector<128x1xf32>
    %concatenate3A_595 = tpu.concatenate %broadcast_in_dim3A_284, %broadcast_in_dim3A_294, %broadcast_in_dim3A_304, %broadcast_in_dim3A_314, %broadcast_in_dim3A_324, %broadcast_in_dim3A_334, %broadcast_in_dim3A_344, %broadcast_in_dim3A_354, %broadcast_in_dim3A_364, %broadcast_in_dim3A_374, %broadcast_in_dim3A_384, %broadcast_in_dim3A_394, %broadcast_in_dim3A_404, %broadcast_in_dim3A_414, %broadcast_in_dim3A_424, %broadcast_in_dim3A_434, %broadcast_in_dim3A_444, %broadcast_in_dim3A_454, %broadcast_in_dim3A_464, %broadcast_in_dim3A_474, %broadcast_in_dim3A_484, %broadcast_in_dim3A_494, %broadcast_in_dim3A_504, %broadcast_in_dim3A_514, %broadcast_in_dim3A_524, %broadcast_in_dim3A_534, %broadcast_in_dim3A_544, %broadcast_in_dim3A_554, %broadcast_in_dim3A_564, %broadcast_in_dim3A_574, %broadcast_in_dim3A_584, %broadcast_in_dim3A_594 in 0 : vector<128x1xf32>, vector<128x1xf32>, vector<128x1xf32>, vector<128x1xf32>, vector<128x1xf32>, vector<128x1xf32>, vector<128x1xf32>, vector<128x1xf32>, vector<128x1xf32>, vector<128x1xf32>, vector<128x1xf32>, vector<128x1xf32>, vector<128x1xf32>, vector<128x1xf32>, vector<128x1xf32>, vector<128x1xf32>, vector<128x1xf32>, vector<128x1xf32>, vector<128x1xf32>, vector<128x1xf32>, vector<128x1xf32>, vector<128x1xf32>, vector<128x1xf32>, vector<128x1xf32>, vector<128x1xf32>, vector<128x1xf32>, vector<128x1xf32>, vector<128x1xf32>, vector<128x1xf32>, vector<128x1xf32>, vector<128x1xf32>, vector<128x1xf32> -> vector<4096x1xf32>
    %convert_element_type3A_596 = arith.fptosi %concatenate3A_595 : vector<4096x1xf32> to vector<4096x1xi32>
    %swap3A_597 = arith.constant 0 : index
    %swap3A_598 = arith.constant 0 : index
    %swap3A_599 = vector.load %arg2[%swap3A_597, %swap3A_598] : memref<4096x1xi32, #tpu.memory_space<vmem>>, vector<4096x1xi32>
    tpu.vector_store %arg2[%swap3A_597, %swap3A_598], %convert_element_type3A_596 {strides = array<i32>} : memref<4096x1xi32, #tpu.memory_space<vmem>>, vector<4096x1xi32>,
    %div3A_600 = arith.constant 5.120000e+02 : f32
    %div3A_601 = vector.broadcast %div3A_600 : f32 to vector<1x128xf32>
    %div3A_602 = arith.divf %mul3A_272, %div3A_601 : vector<1x128xf32>
    %le3A = arith.cmpi sle, %iota3A_56, %iota3A_57 : vector<128x128xi32>
    %convert_element_type3A_603 = arith.extui %le3A : vector<128x128xi1> to vector<128x128xi32>
    %convert_element_type3A_604 = arith.sitofp %convert_element_type3A_603 : vector<128x128xi32> to vector<128x128xf32>
    %dot_general3A_605 = arith.constant dense<0.000000e+00> : vector<1x128xf32>
    %dot_general3A_606 = tpu.matmul %div3A_602, %convert_element_type3A_604, %dot_general3A_605 {dimension_numbers = #tpu.dot_dimension_numbers<[1], [0], [0], [1], [0, 0, 1, 1], [], []>, transpose_lhs_hint = false} : vector<1x128xf32>, vector<128x128xf32>, vector<1x128xf32> -> vector<1x128xf32>
    %eq3A_607 = arith.cmpi eq, %iota3A_56, %iota3A_57 : vector<128x128xi32>
    %broadcast_in_dim3A_608 = vector.shape_cast %dot_general3A_606 : vector<1x128xf32> to vector<1x128xf32>
    %broadcast_in_dim3A_609 = vector.broadcast %broadcast_in_dim3A_608 : vector<1x128xf32> to vector<128x128xf32>
    %jit3A_610 = arith.constant 0.000000e+00 : f32
    %broadcast_in_dim3A_611 = vector.broadcast %jit3A_610 : f32 to vector<128x128xf32>
    %select_n3A_612 = arith.select %eq3A_607, %broadcast_in_dim3A_609, %broadcast_in_dim3A_611 : vector<128x128xi1>, vector<128x128xf32>
    %broadcast_in_dim3A_613 = arith.constant 1.000000e+00 : f32
    %broadcast_in_dim3A_614 = vector.broadcast %broadcast_in_dim3A_613 : f32 to vector<128x128xf32>
    %dot_general3A_615 = arith.constant dense<0.000000e+00> : vector<128x128xf32>
    %dot_general3A_616 = tpu.matmul %select_n3A_612, %broadcast_in_dim3A_614, %dot_general3A_615 {dimension_numbers = #tpu.dot_dimension_numbers<[1], [0], [0], [1], [0, 0, 1, 1], [], []>, transpose_lhs_hint = false} : vector<128x128xf32>, vector<128x128xf32>, vector<128x128xf32> -> vector<128x128xf32>
    %convert_element_type3A_617 = arith.sitofp %iota3A_57 : vector<128x128xi32> to vector<128x128xf32>
    %le3A_618 = arith.cmpf ole, %dot_general3A_616, %convert_element_type3A_617 : vector<128x128xf32>
    %iota3A_619 = tpu.iota {dimensions = array<i32: 0>} : vector<128x128xi32>
    %lt3A_620 = arith.constant 8 : i32
    %lt3A_621 = vector.broadcast %lt3A_620 : i32 to vector<128x128xi32>
    %lt3A_622 = arith.cmpi slt, %iota3A_619, %lt3A_621 : vector<128x128xi32>
    %and3A = arith.andi %le3A_618, %lt3A_622 : vector<128x128xi1>
    %convert_element_type3A_623 = arith.extui %and3A : vector<128x128xi1> to vector<128x128xi32>
    %convert_element_type3A_624 = arith.sitofp %convert_element_type3A_623 : vector<128x128xi32> to vector<128x128xf32>
    %reduce_sum3A_625 = arith.constant dense<0.000000e+00> : vector<128xf32>
    %reduce_sum3A_626 = vector.multi_reduction <add>, %convert_element_type3A_624, %reduce_sum3A_625 [0] : vector<128x128xf32> to vector<128xf32>
    %broadcast_in_dim3A_627 = vector.shape_cast %reduce_sum3A_626 : vector<128xf32> to vector<1x128xf32>
    %min3A = arith.constant 7.000000e+00 : f32
    %min3A_628 = vector.broadcast %min3A : f32 to vector<1x128xf32>
    %min3A_629 = arith.minimumf %broadcast_in_dim3A_627, %min3A_628 : vector<1x128xf32>
    %slice3A_630 = vector.extract_strided_slice %iota3A {offsets = [0, 0], sizes = [1, 128], strides = [1, 1]} : vector<2048x128xi32> to vector<1x128xi32>
    %eq3A_631 = arith.constant 7 : i32
    %eq3A_632 = vector.broadcast %eq3A_631 : i32 to vector<1x128xi32>
    %eq3A_633 = arith.cmpi eq, %slice3A_630, %eq3A_632 : vector<1x128xi32>
    %jit3A_634 = arith.constant 0.000000e+00 : f32
    %broadcast_in_dim3A_635 = vector.broadcast %jit3A_634 : f32 to vector<1x128xf32>
    %select_n3A_636 = arith.select %eq3A_633, %dot_general3A_606, %broadcast_in_dim3A_635 : vector<1x128xi1>, vector<1x128xf32>
    %reduce_sum3A_637 = vector.shape_cast %select_n3A_636 : vector<1x128xf32> to vector<1x1x128xf32>
    %reduce_sum3A_638 = arith.constant dense<0.000000e+00> : vector<1xf32>
    %reduce_sum3A_639 = vector.multi_reduction <add>, %reduce_sum3A_637, %reduce_sum3A_638 [1, 2] : vector<1x1x128xf32> to vector<1xf32>
    %reduce_sum3A_640 = vector.shape_cast %reduce_sum3A_639 : vector<1xf32> to vector<1x1x1xf32>
    %reduce_sum3A_641 = vector.extract %reduce_sum3A_640[0, 0, 0] : f32 from vector<1x1x1xf32>
    %slice3A_642 = vector.extract_strided_slice %iota3A {offsets = [0, 0], sizes = [1, 128], strides = [1, 1]} : vector<2048x128xi32> to vector<1x128xi32>
    %eq3A_643 = arith.constant 16 : i32
    %eq3A_644 = vector.broadcast %eq3A_643 : i32 to vector<1x128xi32>
    %eq3A_645 = arith.cmpi eq, %slice3A_642, %eq3A_644 : vector<1x128xi32>
    %broadcast_in_dim3A_646 = vector.broadcast %reduce_sum3A_641 : f32 to vector<1x128xf32>
    %select_n3A_647 = arith.select %eq3A_645, %broadcast_in_dim3A_646, %min3A_629 : vector<1x128xi1>, vector<1x128xf32>
    %convert_element_type3A_648 = arith.fptosi %select_n3A_647 : vector<1x128xf32> to vector<1x128xi32>
    %swap3A_649 = arith.constant 0 : index
    %swap3A_650 = arith.constant 0 : index
    %swap3A_651 = vector.load %arg5[%swap3A_649, %swap3A_650] : memref<1x128xi32, #tpu.memory_space<vmem>>, vector<1x128xi32>
    tpu.vector_store %arg5[%swap3A_649, %swap3A_650], %convert_element_type3A_648 {strides = array<i32>} : memref<1x128xi32, #tpu.memory_space<vmem>>, vector<1x128xi32>,
    %reduce_sum3A_652 = arith.constant dense<0.000000e+00> : vector<128xf32>
    %reduce_sum3A_653 = vector.multi_reduction <add>, %div3A_16, %reduce_sum3A_652 [0] : vector<2048x128xf32> to vector<128xf32>
    %broadcast_in_dim3A_654 = vector.shape_cast %reduce_sum3A_653 : vector<128xf32> to vector<1x128xf32>
    %mul3A_655 = arith.mulf %broadcast_in_dim3A_654, %broadcast_in_dim3A_264 : vector<1x128xf32>
    %reduce_sum3A_656 = vector.shape_cast %mul3A_655 : vector<1x128xf32> to vector<1x1x128xf32>
    %reduce_sum3A_657 = arith.constant dense<0.000000e+00> : vector<1xf32>
    %reduce_sum3A_658 = vector.multi_reduction <add>, %reduce_sum3A_656, %reduce_sum3A_657 [1, 2] : vector<1x1x128xf32> to vector<1xf32>
    %reduce_sum3A_659 = vector.shape_cast %reduce_sum3A_658 : vector<1xf32> to vector<1x1x1xf32>
    %reduce_sum3A_660 = vector.extract %reduce_sum3A_659[0, 0, 0] : f32 from vector<1x1x1xf32>
    %mul3A_661 = arith.constant 1.90734863E-6 : f32
    %mul3A_662 = arith.mulf %reduce_sum3A_660, %mul3A_661 : f32
    %broadcast_in_dim3A_663 = vector.broadcast %mul3A_662 : f32 to vector<1x1xf32>
    %swap3A_664 = arith.constant 0 : index
    %swap3A_665 = arith.constant 0 : index
    %swap3A_666 = vector.load %arg6[%swap3A_664, %swap3A_665] : memref<1x1xf32, #tpu.memory_space<vmem>>, vector<1x1xf32>
    tpu.vector_store %arg6[%swap3A_664, %swap3A_665], %broadcast_in_dim3A_663 {strides = array<i32>} : memref<1x1xf32, #tpu.memory_space<vmem>>, vector<1x1xf32>,
    return
  }
}

module attributes {stable_mosaic.version = 14 : i64} {
  func.func @_ffn_body(%arg0: i32, %arg1: i32, %arg2: memref<128xi32, #tpu.memory_space<smem>>, %arg3: memref<512x768xf32, #tpu.memory_space<vmem>>, %arg4: memref<1x1536x768xf32, #tpu.memory_space<vmem>>, %arg5: memref<1x1536x768xf32, #tpu.memory_space<vmem>>, %arg6: memref<1x768x1536xf32, #tpu.memory_space<vmem>>, %arg7: memref<8192x768xf32, #tpu.memory_space<vmem>>) attributes {dimension_semantics = [#tpu.dimension_semantics<arbitrary>, #tpu.dimension_semantics<arbitrary>], iteration_bounds = array<i64: 2, 16>, scalar_prefetch = 1 : i64, scratch_operands = 0 : i64, tpu.core_type = #tpu.core_type<tc>, window_params = [{transform_indices = @transform_0, window_bounds = array<i64: 512, 768>}, {transform_indices = @transform_1, window_bounds = array<i64: 1, 1536, 768>}, {transform_indices = @transform_2, window_bounds = array<i64: 1, 1536, 768>}, {transform_indices = @transform_3, window_bounds = array<i64: 1, 768, 1536>}, {pipeline_mode = #tpu.pipeline_mode<synchronous>, transform_indices = @transform_4, window_bounds = array<i64: 8192, 768>}]} {
    %get3A = arith.constant 16 : index
    %get3A_0 = memref.load %arg2[%get3A] : memref<128xi32, #tpu.memory_space<smem>>
    %lt3A = arith.cmpi slt, %arg1, %get3A_0 : i32
    %convert_element_type3A = arith.extui %lt3A : i1 to i32
    %cond3A = arith.constant 0 : i32
    %cond3A_1 = arith.cmpi ne, %convert_element_type3A, %cond3A : i32
    scf.if %cond3A_1 {
      %get3A_2 = arith.constant 0 : index
      %get3A_3 = arith.constant 0 : index
      %get3A_4 = vector.load %arg3[%get3A_2, %get3A_3] : memref<512x768xf32, #tpu.memory_space<vmem>>, vector<512x768xf32>
      %get3A_5 = arith.constant 0 : index
      %get3A_6 = arith.constant 0 : index
      %get3A_7 = arith.constant 0 : index
      %get3A_8 = vector.load %arg4[%get3A_5, %get3A_6, %get3A_7] : memref<1x1536x768xf32, #tpu.memory_space<vmem>>, vector<1x1536x768xf32>
      %get3A_9 = vector.shape_cast %get3A_8 : vector<1x1536x768xf32> to vector<1536x768xf32>
      %dot_general3A = arith.constant dense<0.000000e+00> : vector<512x1536xf32>
      %dot_general3A_10 = tpu.matmul %get3A_4, %get3A_9, %dot_general3A {dimension_numbers = #tpu.dot_dimension_numbers<[1], [1], [0], [0], [0, 0, 1, 0], [], []>, transpose_lhs_hint = false} : vector<512x768xf32>, vector<1536x768xf32>, vector<512x1536xf32> -> vector<512x1536xf32>
      %get3A_11 = arith.constant 0 : index
      %get3A_12 = arith.constant 0 : index
      %get3A_13 = arith.constant 0 : index
      %get3A_14 = vector.load %arg5[%get3A_11, %get3A_12, %get3A_13] : memref<1x1536x768xf32, #tpu.memory_space<vmem>>, vector<1x1536x768xf32>
      %get3A_15 = vector.shape_cast %get3A_14 : vector<1x1536x768xf32> to vector<1536x768xf32>
      %dot_general3A_16 = arith.constant dense<0.000000e+00> : vector<512x1536xf32>
      %dot_general3A_17 = tpu.matmul %get3A_4, %get3A_15, %dot_general3A_16 {dimension_numbers = #tpu.dot_dimension_numbers<[1], [1], [0], [0], [0, 0, 1, 0], [], []>, transpose_lhs_hint = false} : vector<512x768xf32>, vector<1536x768xf32>, vector<512x1536xf32> -> vector<512x1536xf32>
      %neg3A = arith.constant 0.000000e+00 : f32
      %neg3A_18 = vector.broadcast %neg3A : f32 to vector<512x1536xf32>
      %neg3A_19 = arith.subf %neg3A_18, %dot_general3A_10 : vector<512x1536xf32>
      %exp3A = math.exp %neg3A_19 : vector<512x1536xf32>
      %add3A = arith.constant 1.000000e+00 : f32
      %add3A_20 = vector.broadcast %add3A : f32 to vector<512x1536xf32>
      %add3A_21 = arith.addf %add3A_20, %exp3A : vector<512x1536xf32>
      %div3A = arith.constant 1.000000e+00 : f32
      %div3A_22 = vector.broadcast %div3A : f32 to vector<512x1536xf32>
      %div3A_23 = arith.divf %div3A_22, %add3A_21 : vector<512x1536xf32>
      %mul3A = arith.mulf %dot_general3A_10, %div3A_23 : vector<512x1536xf32>
      %mul3A_24 = arith.mulf %mul3A, %dot_general3A_17 : vector<512x1536xf32>
      %get3A_25 = arith.constant 0 : index
      %get3A_26 = arith.constant 0 : index
      %get3A_27 = arith.constant 0 : index
      %get3A_28 = vector.load %arg6[%get3A_25, %get3A_26, %get3A_27] : memref<1x768x1536xf32, #tpu.memory_space<vmem>>, vector<1x768x1536xf32>
      %get3A_29 = vector.shape_cast %get3A_28 : vector<1x768x1536xf32> to vector<768x1536xf32>
      %dot_general3A_30 = arith.constant dense<0.000000e+00> : vector<512x768xf32>
      %dot_general3A_31 = tpu.matmul %mul3A_24, %get3A_29, %dot_general3A_30 {dimension_numbers = #tpu.dot_dimension_numbers<[1], [1], [0], [0], [0, 0, 1, 0], [], []>, transpose_lhs_hint = false} : vector<512x1536xf32>, vector<768x1536xf32>, vector<512x768xf32> -> vector<512x768xf32>
      %mul3A_32 = arith.constant 512 : i32
      %mul3A_33 = arith.muli %arg1, %mul3A_32 : i32
      %eq3A = arith.constant 0 : i32
      %eq3A_34 = arith.cmpi eq, %arg0, %eq3A : i32
      %convert_element_type3A_35 = arith.extui %eq3A_34 : i1 to i32
      %cond3A_36 = arith.constant 0 : i32
      %cond3A_37 = arith.cmpi ne, %convert_element_type3A_35, %cond3A_36 : i32
      scf.if %cond3A_37 {
        %swap3A = arith.index_cast %mul3A_33 : i32 to index
        %swap3A_42 = arith.constant 0 : index
        %swap3A_43 = vector.load %arg7[%swap3A, %swap3A_42] : memref<8192x768xf32, #tpu.memory_space<vmem>>, vector<512x768xf32>
        tpu.vector_store %arg7[%swap3A, %swap3A_42], %dot_general3A_31 {strides = array<i32>} : memref<8192x768xf32, #tpu.memory_space<vmem>>, vector<512x768xf32>,
      } else {
      }
      %gt3A = arith.constant 0 : i32
      %gt3A_38 = arith.cmpi sgt, %arg0, %gt3A : i32
      %convert_element_type3A_39 = arith.extui %gt3A_38 : i1 to i32
      %cond3A_40 = arith.constant 0 : i32
      %cond3A_41 = arith.cmpi ne, %convert_element_type3A_39, %cond3A_40 : i32
      scf.if %cond3A_41 {
        %get3A_42 = arith.index_cast %mul3A_33 : i32 to index
        %get3A_43 = arith.constant 0 : index
        %get3A_44 = vector.load %arg7[%get3A_42, %get3A_43] : memref<8192x768xf32, #tpu.memory_space<vmem>>, vector<512x768xf32>
        %add3A_45 = arith.addf %get3A_44, %dot_general3A_31 : vector<512x768xf32>
        %swap3A = arith.index_cast %mul3A_33 : i32 to index
        %swap3A_46 = arith.constant 0 : index
        %swap3A_47 = vector.load %arg7[%swap3A, %swap3A_46] : memref<8192x768xf32, #tpu.memory_space<vmem>>, vector<512x768xf32>
        tpu.vector_store %arg7[%swap3A, %swap3A_46], %add3A_45 {strides = array<i32>} : memref<8192x768xf32, #tpu.memory_space<vmem>>, vector<512x768xf32>,
      } else {
      }
    } else {
    }
    return
  }
  func.func @transform_0(%arg0: i32, %arg1: i32, %arg2: memref<128xi32, #tpu.memory_space<smem>>) -> (i32, i32) {
    %get3A = arith.constant 16 : index
    %get3A_0 = memref.load %arg2[%get3A] : memref<128xi32, #tpu.memory_space<smem>>
    %sub3A = arith.constant 1 : i32
    %sub3A_1 = arith.subi %get3A_0, %sub3A : i32
    %min3A = arith.minsi %arg1, %sub3A_1 : i32
    %c0_i32 = arith.constant 0 : i32
    %c0_i32_2 = arith.constant 0 : i32
    return %min3A, %c0_i32 : i32, i32
  }
  func.func @transform_1(%arg0: i32, %arg1: i32, %arg2: memref<128xi32, #tpu.memory_space<smem>>) -> (i32, i32, i32) {
    %get3A = arith.constant 16 : index
    %get3A_0 = memref.load %arg2[%get3A] : memref<128xi32, #tpu.memory_space<smem>>
    %sub3A = arith.constant 1 : i32
    %sub3A_1 = arith.subi %get3A_0, %sub3A : i32
    %min3A = arith.minsi %arg1, %sub3A_1 : i32
    %get3A_2 = arith.index_cast %min3A : i32 to index
    %get3A_3 = memref.load %arg2[%get3A_2] : memref<128xi32, #tpu.memory_space<smem>>
    %c0_i32 = arith.constant 0 : i32
    %c0_i32_4 = arith.constant 0 : i32
    return %get3A_3, %arg0, %c0_i32 : i32, i32, i32
  }
  func.func @transform_2(%arg0: i32, %arg1: i32, %arg2: memref<128xi32, #tpu.memory_space<smem>>) -> (i32, i32, i32) {
    %get3A = arith.constant 16 : index
    %get3A_0 = memref.load %arg2[%get3A] : memref<128xi32, #tpu.memory_space<smem>>
    %sub3A = arith.constant 1 : i32
    %sub3A_1 = arith.subi %get3A_0, %sub3A : i32
    %min3A = arith.minsi %arg1, %sub3A_1 : i32
    %get3A_2 = arith.index_cast %min3A : i32 to index
    %get3A_3 = memref.load %arg2[%get3A_2] : memref<128xi32, #tpu.memory_space<smem>>
    %c0_i32 = arith.constant 0 : i32
    %c0_i32_4 = arith.constant 0 : i32
    return %get3A_3, %arg0, %c0_i32 : i32, i32, i32
  }
  func.func @transform_3(%arg0: i32, %arg1: i32, %arg2: memref<128xi32, #tpu.memory_space<smem>>) -> (i32, i32, i32) {
    %get3A = arith.constant 16 : index
    %get3A_0 = memref.load %arg2[%get3A] : memref<128xi32, #tpu.memory_space<smem>>
    %sub3A = arith.constant 1 : i32
    %sub3A_1 = arith.subi %get3A_0, %sub3A : i32
    %min3A = arith.minsi %arg1, %sub3A_1 : i32
    %get3A_2 = arith.index_cast %min3A : i32 to index
    %get3A_3 = memref.load %arg2[%get3A_2] : memref<128xi32, #tpu.memory_space<smem>>
    %c0_i32 = arith.constant 0 : i32
    %c0_i32_4 = arith.constant 0 : i32
    return %get3A_3, %c0_i32, %arg0 : i32, i32, i32
  }
  func.func @transform_4(%arg0: i32, %arg1: i32, %arg2: memref<128xi32, #tpu.memory_space<smem>>) -> (i32, i32) {
    %c0_i32 = arith.constant 0 : i32
    %c0_i32_0 = arith.constant 0 : i32
    %c0_i32_1 = arith.constant 0 : i32
    return %c0_i32, %c0_i32_0 : i32, i32
  }
}

</mosaic_0001>

<sc_bundles>
// kernel: kernel.6.cloned.1.call-start
scs
__scs_entry_jumppad:
0x0: {  	(pc) =	sbr.rel $0x88, $3  }
0x1: {  	(tag) =	ssettag $0x0;
	lr =	simm.s32 $0x1  }
0x2: {  	[smem:$0x3F9C] =	sst lr;
	_ =	strace $0xD0000000  }
0x3: {  	_ = 	snop  }
0x4: {  	_ = 	snop  }
0x5: {  	_ = 	snop  }
0x6: {  	_ = 	snop  }
0x7: {  	_ = 	snop  }
__scs_overlays_trampoline_lowered:
0x8: {  	[smem:$0x3FAB] =	sst s0  }
0x9: {  	[smem:$0x3FAC] =	sst s1  }
0xa: {  	[smem:$0x3FAD] =	sst s2  }
0xb: {  	[smem:$0x3FAE] =	sst s3  }
0xc: {  	[smem:$0x3FAF] =	sst s4  }
0xd: {  	[smem:$0x3FB0] =	sst s5  }
0xe: {  	[smem:$0x3FB1] =	sst s6  }
0xf: {  	[smem:$0x3FB2] =	sst s7  }
0x10: {  	[smem:$0x3FB3] =	sst s8  }
0x11: {  	[smem:$0x3FB4] =	sst s9;
	s0 =	simm.s32 @!p0 $0x0  }
0x12: {  	s1 =	sld [smem:$0x3F9A];
	s0 =	simm.s32 @p0 $0x1  }
0x13: {  	[smem:$0x3FB5] =	sst s0;
	s0 =	simm.s32 @!p1 $0x0  }
0x14: {  	s2 =	sld [smem:$0x3F99];
	s0 =	simm.s32 @p1 $0x1  }
0x15: {  	[smem:$0x3FB6] =	sst s0;
	s0 =	simm.s32 @!p2 $0x0  }
0x16: {  	s3 =	sld [smem:$0x3FDB];
	s0 =	simm.s32 @p2 $0x1  }
0x17: {  	s4 =	simm.s32 $0x1BF5;
	[smem:$0x3FB8] =	sst s0  }
0x18: {  	s0 =	sld [smem:$0x3F9B];
	_ =	swait.ge [sflag:s4], $0x0  }
0x19: {  	s7 =	sld [smem:$0x3F9C]  }
0x1a: {  	s8 =	sadd.s32 $0xFFFFE003, lr  }
0x1b: {  	s9 =	sadd.s32 $0xFFFFFEF7, lr;
	s5 =	simm.s32 $0xFFFFFFFF;
	p2 =	slt.u32 s8, $0xFFFFF086  }
0x1c: {  	p1 =	slt.u32 s9, $0xF7A;
	s5 =	simm.s32 @!p2 $0x0  }
0x1d: {  	s5 =	simm.s32 @p1 $0x1;
	p0 =	seq.s32 s7, s2  }
0x1e: {  	s7 =	smul.u32 @!p0 $0xF7A, s2;
	p2 =	seq.s32 @!p0 s5, $0x0  }
0x1f: {  	s9 =	smul.u32 $0xF7A, s1;
	s8 =	simm.s32 @!p0 $0x1BF5;
	p2 =	por !p2, p0  }
0x20: {  	[sflag:s8] =	ssyncset.s32 @!p0 $0xFFFFF086;
	s6 =	sadd.s32 @!p0 s3, s7;
	s7 =	simm.s32 @!p0 $0x108  }
0x21: {  	s3 =	sadd.s32 s3, s9;
	s6 =	sadd.s32 @!p0 $0x88, s6;
	s7 =	simm.s32 @p2 $0x1082  }
0x22: {  	[simem:s7], [sflag:s8] =	dma.local @!p0 [hbm:s6], $0xF7A  }
0x23: {  	s9 =	sor.u32 $0xD0000000, s2;
	s6 =	simm.s32 $0x108;
	_ =	swait.ge @!p0 [sflag:s8], $0x0  }
0x24: {  	s3 =	sadd.s32 $0x88, s3;
	s6 =	simm.s32 @!p1 $0x1082;
	[sflag:s4] =	ssyncset.s32 $0xFFFFF086  }
0x25: {  	[simem:s6], [sflag:s4] =	dma.local [hbm:s3], $0xF7A  }
0x26: {  	[smem:$0x3F9C] =	sst s1;
	(tag) =	ssettag s2;
	_ =	strace s9  }
0x27: {  	s1 =	sld [smem:$0x3FAC]  }
0x28: {  	s2 =	sld [smem:$0x3FAD]  }
0x29: {  	s4 =	sld [smem:$0x3FAF]  }
0x2a: {  	p0 =	seq.s32 s5, $0x0;
	s5 =	sld [smem:$0x3FB0]  }
0x2b: {  	s6 =	sld [smem:$0x3FB1]  }
0x2c: {  	s7 =	sld [smem:$0x3FB2]  }
0x2d: {  	s3 =	simm.s32 $0x108;
	s8 =	sld [smem:$0x3FB3]  }
0x2e: {  	s3 =	simm.s32 @!p0 $0x1082;
	s9 =	sld [smem:$0x3FB4]  }
0x2f: {  	lr =	sadd.s32 s0, s3;
	s0 =	sld [smem:$0x3FAB]  }
0x30: {  	s3 =	sld [smem:$0x3FAE]  }
0x31: {  	[smem:$0x3FB7] =	sst s10  }
0x32: {  	s10 =	sld [smem:$0x3FB5];
	_ =	sdelay $0x3  }
0x33: {  	p0 =	seq.s32 s10, $0x1;
	s10 =	sld [smem:$0x3FB7];
	_ =	sdelay $0x3  }
0x34: {  	[smem:$0x3FB7] =	sst s10  }
0x35: {  	s10 =	sld [smem:$0x3FB6];
	_ =	sdelay $0x3  }
0x36: {  	p1 =	seq.s32 s10, $0x1;
	s10 =	sld [smem:$0x3FB7];
	_ =	sdelay $0x3  }
0x37: {  	[smem:$0x3FB7] =	sst s10  }
0x38: {  	s10 =	sld [smem:$0x3FB8]  }
0x39: {  	_ = 	snop;
	(pc) =	sbr.ind lr, $3  }
0x3a: {  	_ = 	snop  }
0x3b: {  	_ = 	snop  }
0x3c: {  	p2 =	seq.s32 s10, $0x1;
	s10 =	sld [smem:$0x3FB7]  }
0x3d: {  	_ =	shalt  }
0x3e: {  	_ =	shalt  }
0x3f: {  	_ =	shalt  }
0x40: {  	_ =	shalt  }
0x41: {  	_ =	shalt  }
0x42: {  	_ =	shalt  }
0x43: {  	_ =	shalt  }
0x44: {  	_ =	shalt  }
0x45: {  	_ =	shalt  }
0x46: {  	_ =	shalt  }
0x47: {  	_ =	shalt  }
0x48: {  	_ =	shalt  }
0x49: {  	_ =	shalt  }
0x4a: {  	_ =	shalt  }
0x4b: {  	_ =	shalt  }
0x4c: {  	_ =	shalt  }
0x4d: {  	_ =	shalt  }
0x4e: {  	_ =	shalt  }
0x4f: {  	_ =	shalt  }
0x50: {  	_ =	shalt  }
0x51: {  	_ =	shalt  }
0x52: {  	_ =	shalt  }
0x53: {  	_ =	shalt  }
0x54: {  	_ =	shalt  }
0x55: {  	_ =	shalt  }
0x56: {  	_ =	shalt  }
0x57: {  	_ =	shalt  }
0x58: {  	_ =	shalt  }
0x59: {  	_ =	shalt  }
0x5a: {  	_ =	shalt  }
0x5b: {  	_ =	shalt  }
0x5c: {  	_ =	shalt  }
0x5d: {  	_ =	shalt  }
0x5e: {  	_ =	shalt  }
0x5f: {  	_ =	shalt  }
0x60: {  	_ =	shalt  }
0x61: {  	_ =	shalt  }
0x62: {  	_ =	shalt  }
0x63: {  	_ =	shalt  }
0x64: {  	_ =	shalt  }
0x65: {  	_ =	shalt  }
0x66: {  	_ =	shalt  }
0x67: {  	_ =	shalt  }
0x68: {  	_ =	shalt  }
0x69: {  	_ =	shalt  }
0x6a: {  	_ =	shalt  }
0x6b: {  	_ =	shalt  }
0x6c: {  	_ =	shalt  }
0x6d: {  	_ =	shalt  }
0x6e: {  	_ =	shalt  }
0x6f: {  	_ =	shalt  }
0x70: {  	_ =	shalt  }
0x71: {  	_ =	shalt  }
0x72: {  	_ =	shalt  }
0x73: {  	_ =	shalt  }
0x74: {  	_ =	shalt  }
0x75: {  	_ =	shalt  }
0x76: {  	_ =	shalt  }
0x77: {  	_ =	shalt  }
0x78: {  	_ =	shalt  }
0x79: {  	_ =	shalt  }
0x7a: {  	_ =	shalt  }
0x7b: {  	_ =	shalt  }
0x7c: {  	_ =	shalt  }
0x7d: {  	_ =	shalt  }
0x7e: {  	_ =	shalt  }
0x7f: {  	_ =	shalt  }
0x80: {  	_ =	shalt  }
0x81: {  	_ =	shalt  }
0x82: {  	_ =	shalt  }
0x83: {  	_ =	shalt  }
0x84: {  	_ =	shalt  }
0x85: {  	_ =	shalt  }
0x86: {  	_ =	shalt  }
0x87: {  	_ =	shalt  }
.Lfunc_end0:
.L_simem_size_0:
called_computation_lowered:
.L_overlay_start_0:
0x88: {  	s2 =	sld [smem:$0x3FD9]  }
0x89: {  	s3 =	sld [smem:$0x3FFE];
	_ =	sdelay $0x1  }
0x8a: {  	s1 =	srdreg.scid  }
0x8b: {  	s0 =	sand.u32 $0x1, s1  }
0x8c: {  	s17 =	sshll.u32 s0, $0xA;
	s2 =	sadd.s32 s3, s2  }
0x8d: {  	s2 =	sadd.s32 s2, s17  }
0x8e: {  	[smem:$0x3FC3] =	sst s2  }
0x8f: {  	_ = 	snop  }
0x90: {  	s2 =	sld [smem:$0x3FC9];
	(tm) =	ssettm $0x1  }
0x91: {  	s18 =	sld [smem:$0x3FFB];
	_ =	sdelay $0x3  }
0x92: {  	_ =	strace s18  }
0x93: {  	s3 =	sld [smem:$0x3FFC];
	_ =	sdelay $0x3  }
0x94: {  	_ =	strace s3  }
0x95: {  	s3 =	sld [smem:$0x3FFD];
	_ =	sdelay $0x3  }
0x96: {  	_ =	strace s3  }
0x97: {  	_ =	strace $0x8FFFFFFF  }
0x98: {  	s19 =	sld [smem:$0x3FDB];
	_ =	sdelay $0x1  }
0x99: {  	s4 =	simm.s32 $_scs_section_size  }
0x9a: {  	s5 =	simm.s32 $_size__tile_overlayer_lowered;
	s6 =	simm.s32 $_tile_overlayer_lowered  }
0x9b: {  	s22 =	simm.s32 $0x1BFF;
	s21 =	sshll.u32 s6, $0x1;
	s3 =	sadd.s32 s4, s19  }
0x9c: {  	s7 =	simm.s32 $0x0;
	s20 =	sshll.u32 s5, $0x1;
	s5 =	sadd.s32 s21, s3  }
0x9d: {  	[timem:s7], [sflag:s22] =	dma.local [hbm:s5], s20  }
0x9e: {  	_ =	swait.ge [sflag:s22], s20  }
0x9f: {  	s4 =	ssub.s32 $0x0, s20;
	[sflag:s22] =	ssyncset.done $0x0  }
0xa0: {  	[sflag:s22] =	ssyncadd.s32 s4;
	_ =	sdelay $0x1  }
0xa1: {  	s23 =	simm.s32 $0x1B8B  }
0xa2: {  	_ =	swait.ge [sflag:s23], $0x1  }
0xa3: {  	[sflag:s23] =	ssyncset.done $0x0  }
0xa4: {  	s25 =	simm.s32 $0x1B8E;
	s24 =	sld [smem:$0x3FFE];
	[sflag:s23] =	ssyncadd.s32 $0xFFFFFFFF  }
0xa5: {  	s26 =	simm.s32 $execute0_lowered;
	[smem:$0x3FD2] =	sst s25  }
0xa6: {  	s5 =	sshll.u32 s26, $0x1;
	_ =	strace $0x80000046;
	[dreg:$0x1] =	wrdreg $0xFFFFFFFF  }
0xa7: {  	s28 =	simm.s32 $_size_execute0_lowered;
	s3 =	sadd.s32 s3, s5;
	[dreg:$0x0] =	wrdreg $0x0  }
0xa8: {  	s5 =	sshll.u32 s28, $0x1;
	[dreg:$0x2] =	wrdreg s3  }
0xa9: {  	[dreg:$0x3] =	wrdreg s5  }
0xaa: {  	[dreg:$0x4] =	wrdreg $0xC0  }
0xab: {  	_ =	task [dreg:s7], $0x5FFFF  }
0xac: {  	[dreg:$0x1] =	wrdreg $0xFFFFFFFF  }
0xad: {  	[dreg:$0x0] =	wrdreg $0x60  }
0xae: {  	[dreg:$0x2] =	wrdreg s2  }
0xaf: {  	[dreg:$0x3] =	wrdreg s24  }
0xb0: {  	[dreg:$0x4] =	wrdreg $0x9  }
0xb1: {  	_ =	task.clear_ibuf [dreg:s7], $0x5FFFF;
	_ =	strace $0x90000046  }
0xb2: {  	s29 =	simm.s32 $0x9;
	_ =	strace $0x80000048  }
0xb3: {  	_ =	swait.ge [sflag:s29], $0x1  }
0xb4: {  	[sflag:s29] =	ssyncadd.s32 $0xFFFFFFFF  }
0xb5: {  	_ =	strace $0x90000048  }
0xb6: {  	_ =	sfence  }
0xb7: {  	s30 =	sld [smem:$0x0];
	_ =	sdelay $0x2  }
0xb8: {  	s31 =	sshll.u32 s1, $0xD;
	s1 =	sshrl.u32 s1, $0x2  }
0xb9: {  	s3 =	sand.u32 $0x4000, s31;
	s1 =	sadd.s32 s1, s30  }
0xba: {  	s0 =	sor.u32 s3, s0;
	s1 =	sshll.u32 s1, $0x11  }
0xbb: {  	s0 =	sor.u32 s1, s0  }
0xbc: {  	s0 =	sadd.s32 $0x8F2B, s0  }
0xbd: {  	[sflag:s0] =	ssyncadd.remote.s32 $0x1  }
0xbe: {  	_ =	sfence.sel $0xFFFF  }
0xbf: {  	[dreg:$0x0] =	wrdreg $0xFFFFFFFF;
	(pc) =	sbr.abs _section_cstart, $3  }
0xc0: {  	[dreg:$0x1] =	wrdreg $0xFFFFFFFF  }
0xc1: {  	_ =	task.clear_ibuf [dreg:s7], $0x2FFFF;
	_ =	strace $0x9FFFFFFF  }
0xc2: {  	(tm) =	ssettm $0x7FFFFFFF  }
0xc3: {  	_ =	shalt  }
tec
execute0_lowered:
.L_overlay_start_1:
0x0: {  	(tag) =	ssettag $0x1  }
0x1: {  	s0 =	rddreg [dreg:$0x0]  }
0x2: {  	s1 =	rddreg [dreg:$0x1];
	s2 =	srdreg.scid  }
0x3: {  	s4 =	stileid.u32;
	s26 =	simm.s32 $0x80;
	s8 =	simm.s32 $0x2  }
0x4: {  	s9 =	simm.s32 $0x100;
	s12 =	simm.s32 $0x1900;
	s13 =	simm.s32 $0x2100  }
0x5: {  	s14 =	simm.s32 $0x2900;
	s15 =	simm.s32 $0x3100;
	s16 =	simm.s32 $0x3900  }
0x6: {  	s17 =	simm.s32 $0x4100;
	s18 =	simm.s32 $0x4900;
	s19 =	simm.s32 $0x5100  }
0x7: {  	s20 =	simm.s32 $0x5900;
	s21 =	simm.s32 $0x6100;
	s22 =	simm.s32 $0x6900  }
0x8: {  	s23 =	simm.s32 $0x7100;
	s24 =	simm.s32 $0x7900;
	s25 =	simm.s32 $0x8100  }
0x9: {  	s28 =	simm.s32 $0x9100;
	s29 =	simm.s32 $0x9900;
	s30 =	simm.s32 $0xA100  }
0xa: {  	s31 =	simm.s32 $0xA900;
	s3 =	sand.u32 $0x1, s2;
	s2 =	simm.s32 $0x0  }
0xb: {  	s4 =	sshll.u32 s4, $0x4;
	s5 =	sshll.u32 s3, $0x3;
	[smem:$0x7FF] =	sst s2  }
0xc: {  	s3 =	ssub.s32 $0x2, s3;
	s4 =	sor.u32 s5, s4;
	_ =	strace $0x80000047  }
0xd: {  	s7 =	sshrl.u32 s3, $0x1;
	[dreg:$0x5] =	wrdreg s26;
	s26 =	simm.s32 $0x8900  }
0xe: {  	s6 =	sadd.s32 s1, s4;
	s5 =	smul.u32 $0x300, s4;
	s4 =	sadd.s32 $0x400, s1  }
0xf: {  	s3 =	ssub.s32 s3, s7;
	[dreg:$0x6] =	wrdreg s6;
	s6 =	sadd.s32 $0x200, s6  }
0x10: {  	v2 =	vlaneseq.u32;
	s7 =	smax.u32 s3, $0x1;
	s3 =	simm.s32 $0x1;
	[dreg:$0x3] =	wrdreg s6  }
0x11: {  	vm0 =	vmmov $0xffff;
	v1 =	vshrl.u32 v2, $0x3;
	s0 =	sadd.s32 s0, s5;
	s5 =	sadd.s32 $0x500, s1;
	s6 =	sadd.s32 $0x600, s1  }
0x12: {  	v0 =	vand.u32 $0x7, v2;
	v2 =	vor.u32 $0x8, v2;
	v1 =	vmul.u32 $0x8, v1;
	s1 =	simm.s32 $0xB900;
	[dreg:$0x4] =	wrdreg s0;
	s0 =	simm.s32 $0xB100  }
.LBB2_1:
0x13: {  	s10 =	rddreg [dreg:$0x6]  }
0x14: {  	[tilespmem:s2], [sflag:$0x2] =	stream.linear.gather [hbm4b:s10+s2], $0x40, $0x38;
	[tilespmem:$0xC100] =	vst v63  }
0x15: {  	_ =	swait.ge [sflag:s8], $0x40  }
0x16: {  	s10 =	rddreg [dreg:$0x3];
	[sflag:s8] =	ssyncset.done $0x0  }
0x17: {  	s11 =	rddreg [dreg:$0x5];
	[sflag:s8] =	ssyncadd.s32 $0xFFFFFFC0  }
0x18: {  	[tilespmem:s11], [sflag:$0x2] =	stream.linear.gather [hbm4b:s10+s2], $0x40, $0x38;
	[tilespmem:$0xC100] =	vst v63  }
0x19: {  	_ =	swait.ge [sflag:s8], $0x40  }
0x1a: {  	[sflag:s8] =	ssyncset.done $0x0  }
0x1b: {  	s11 =	rddreg [dreg:$0x4];
	[sflag:s8] =	ssyncadd.s32 $0xFFFFFFC0  }
0x1c: {  	[tilespmem:s9], [sflag:$0x2] =	stream.linear.gather [hbm4b:s11+s2], $0xC000, $0x38;
	[tilespmem:$0xC100] =	vst v63  }
0x1d: {  	_ =	swait.ge [sflag:s8], $0xC000  }
0x1e: {  	[sflag:s8] =	ssyncset.done $0x0  }
0x1f: {  	[sflag:s8] =	ssyncadd.s32 $0xFFFF4000  }
0x20: {  	v3 =	vld [tilespmem:$0x0];
	_ =	sdelay $0x4  }
0x21: {  	v4 =	vshrl.u32 v3, $0x3  }
0x22: {  	v4 =	vmul.u32 $0x30, v4  }
0x23: {  	v3 =	vand.u32 $0x7, v3  }
0x24: {  	v3 =	vor.u32 v3, v4  }
0x25: {  	v4 =	vperm.xlane v3, v0;
	_ =	sdelay $0x1  }
0x26: {  	v4 =	vadd.s32 v1, v4;
	_ =	sdelay $0x3  }
0x27: {  	v3 =	vperm.xlane v3, v2  }
0x28: {  	[hbm4b:s4+s2] =	stream.indirect_vreg.scatter [tilespmem:s9], [sflag:$0x1], $0x80, v4, vm0, $0xb8;
	[tilespmem:$0xC100] =	vst v63  }
0x29: {  	s10 =	simm.s32 $0x900;
	v3 =	vadd.s32 v1, v3  }
0x2a: {  	[hbm4b:s5+s2] =	stream.indirect_vreg.scatter [tilespmem:s10], [sflag:$0x1], $0x80, v4, vm0, $0xb8;
	[tilespmem:$0xC100] =	vst v63  }
0x2b: {  	s11 =	simm.s32 $0x1100  }
0x2c: {  	[hbm4b:s6+s2] =	stream.indirect_vreg.scatter [tilespmem:s11], [sflag:$0x1], $0x80, v4, vm0, $0xb8;
	[tilespmem:$0xC100] =	vst v63  }
0x2d: {  	_ = 	snop  }
0x2e: {  	[hbm4b:s4+s2] =	stream.indirect_vreg.scatter [tilespmem:s12], [sflag:$0x1], $0x80, v3, vm0, $0xb8;
	[tilespmem:$0xC100] =	vst v63  }
0x2f: {  	_ = 	snop  }
0x30: {  	[hbm4b:s5+s2] =	stream.indirect_vreg.scatter [tilespmem:s13], [sflag:$0x1], $0x80, v3, vm0, $0xb8;
	[tilespmem:$0xC100] =	vst v63  }
0x31: {  	_ = 	snop  }
0x32: {  	[hbm4b:s6+s2] =	stream.indirect_vreg.scatter [tilespmem:s14], [sflag:$0x1], $0x80, v3, vm0, $0xb8;
	[tilespmem:$0xC100] =	vst v63  }
0x33: {  	v3 =	vld [tilespmem:$0x10];
	_ =	sdelay $0x4  }
0x34: {  	v57 =	vshrl.u32 v3, $0x3  }
0x35: {  	v4 =	vmul.u32 $0x30, v57  }
0x36: {  	v3 =	vand.u32 $0x7, v3  }
0x37: {  	v3 =	vor.u32 v3, v4  }
0x38: {  	v4 =	vperm.xlane v3, v0;
	_ =	sdelay $0x1  }
0x39: {  	v4 =	vadd.s32 v1, v4;
	_ =	sdelay $0x3  }
0x3a: {  	v3 =	vperm.xlane v3, v2  }
0x3b: {  	[hbm4b:s4+s2] =	stream.indirect_vreg.scatter [tilespmem:s15], [sflag:$0x1], $0x80, v4, vm0, $0xb8;
	[tilespmem:$0xC100] =	vst v63  }
0x3c: {  	v3 =	vadd.s32 v1, v3  }
0x3d: {  	[hbm4b:s5+s2] =	stream.indirect_vreg.scatter [tilespmem:s16], [sflag:$0x1], $0x80, v4, vm0, $0xb8;
	[tilespmem:$0xC100] =	vst v63  }
0x3e: {  	_ = 	snop  }
0x3f: {  	[hbm4b:s6+s2] =	stream.indirect_vreg.scatter [tilespmem:s17], [sflag:$0x1], $0x80, v4, vm0, $0xb8;
	[tilespmem:$0xC100] =	vst v63  }
0x40: {  	_ = 	snop  }
0x41: {  	[hbm4b:s4+s2] =	stream.indirect_vreg.scatter [tilespmem:s18], [sflag:$0x1], $0x80, v3, vm0, $0xb8;
	[tilespmem:$0xC100] =	vst v63  }
0x42: {  	_ = 	snop  }
0x43: {  	[hbm4b:s5+s2] =	stream.indirect_vreg.scatter [tilespmem:s19], [sflag:$0x1], $0x80, v3, vm0, $0xb8;
	[tilespmem:$0xC100] =	vst v63  }
0x44: {  	_ = 	snop  }
0x45: {  	[hbm4b:s6+s2] =	stream.indirect_vreg.scatter [tilespmem:s20], [sflag:$0x1], $0x80, v3, vm0, $0xb8;
	[tilespmem:$0xC100] =	vst v63  }
0x46: {  	v3 =	vld [tilespmem:$0x20];
	_ =	sdelay $0x4  }
0x47: {  	v58 =	vshrl.u32 v3, $0x3  }
0x48: {  	v4 =	vmul.u32 $0x30, v58  }
0x49: {  	v3 =	vand.u32 $0x7, v3  }
0x4a: {  	v3 =	vor.u32 v3, v4  }
0x4b: {  	v4 =	vperm.xlane v3, v0;
	_ =	sdelay $0x1  }
0x4c: {  	v4 =	vadd.s32 v1, v4;
	_ =	sdelay $0x3  }
0x4d: {  	v3 =	vperm.xlane v3, v2  }
0x4e: {  	[hbm4b:s4+s2] =	stream.indirect_vreg.scatter [tilespmem:s21], [sflag:$0x1], $0x80, v4, vm0, $0xb8;
	[tilespmem:$0xC100] =	vst v63  }
0x4f: {  	v3 =	vadd.s32 v1, v3  }
0x50: {  	[hbm4b:s5+s2] =	stream.indirect_vreg.scatter [tilespmem:s22], [sflag:$0x1], $0x80, v4, vm0, $0xb8;
	[tilespmem:$0xC100] =	vst v63  }
0x51: {  	_ = 	snop  }
0x52: {  	[hbm4b:s6+s2] =	stream.indirect_vreg.scatter [tilespmem:s23], [sflag:$0x1], $0x80, v4, vm0, $0xb8;
	[tilespmem:$0xC100] =	vst v63  }
0x53: {  	_ = 	snop  }
0x54: {  	[hbm4b:s4+s2] =	stream.indirect_vreg.scatter [tilespmem:s24], [sflag:$0x1], $0x80, v3, vm0, $0xb8;
	[tilespmem:$0xC100] =	vst v63  }
0x55: {  	_ = 	snop  }
0x56: {  	[hbm4b:s5+s2] =	stream.indirect_vreg.scatter [tilespmem:s25], [sflag:$0x1], $0x80, v3, vm0, $0xb8;
	[tilespmem:$0xC100] =	vst v63  }
0x57: {  	_ = 	snop  }
0x58: {  	[hbm4b:s6+s2] =	stream.indirect_vreg.scatter [tilespmem:s26], [sflag:$0x1], $0x80, v3, vm0, $0xb8;
	[tilespmem:$0xC100] =	vst v63  }
0x59: {  	v3 =	vld [tilespmem:$0x30];
	_ =	sdelay $0x4  }
0x5a: {  	v59 =	vshrl.u32 v3, $0x3  }
0x5b: {  	v4 =	vmul.u32 $0x30, v59  }
0x5c: {  	v3 =	vand.u32 $0x7, v3  }
0x5d: {  	v3 =	vor.u32 v3, v4  }
0x5e: {  	v4 =	vperm.xlane v3, v0;
	_ =	sdelay $0x1  }
0x5f: {  	v4 =	vadd.s32 v1, v4;
	_ =	sdelay $0x3  }
0x60: {  	v3 =	vperm.xlane v3, v2  }
0x61: {  	[hbm4b:s4+s2] =	stream.indirect_vreg.scatter [tilespmem:s28], [sflag:$0x1], $0x80, v4, vm0, $0xb8;
	[tilespmem:$0xC100] =	vst v63  }
0x62: {  	v3 =	vadd.s32 v1, v3  }
0x63: {  	[hbm4b:s5+s2] =	stream.indirect_vreg.scatter [tilespmem:s29], [sflag:$0x1], $0x80, v4, vm0, $0xb8;
	[tilespmem:$0xC100] =	vst v63  }
0x64: {  	_ = 	snop  }
0x65: {  	[hbm4b:s6+s2] =	stream.indirect_vreg.scatter [tilespmem:s30], [sflag:$0x1], $0x80, v4, vm0, $0xb8;
	[tilespmem:$0xC100] =	vst v63  }
0x66: {  	_ = 	snop  }
0x67: {  	[hbm4b:s4+s2] =	stream.indirect_vreg.scatter [tilespmem:s31], [sflag:$0x1], $0x80, v3, vm0, $0xb8;
	[tilespmem:$0xC100] =	vst v63  }
0x68: {  	_ = 	snop  }
0x69: {  	[hbm4b:s5+s2] =	stream.indirect_vreg.scatter [tilespmem:s0], [sflag:$0x1], $0x80, v3, vm0, $0xb8;
	[tilespmem:$0xC100] =	vst v63  }
0x6a: {  	_ = 	snop  }
0x6b: {  	[hbm4b:s6+s2] =	stream.indirect_vreg.scatter [tilespmem:s1], [sflag:$0x1], $0x80, v3, vm0, $0xb8;
	[tilespmem:$0xC100] =	vst v63  }
0x6c: {  	_ =	swait.ge [sflag:s3], $0xC000  }
0x6d: {  	[sflag:s3] =	ssyncset.done $0x0  }
0x6e: {  	[sflag:s3] =	ssyncadd.s32 $0xFFFF4000  }
0x6f: {  	v3 =	vld [tilespmem:$0x80];
	_ =	sdelay $0x4  }
0x70: {  	v60 =	vshrl.u32 v3, $0x3  }
0x71: {  	v4 =	vmul.u32 $0x30, v60  }
0x72: {  	v3 =	vand.u32 $0x7, v3  }
0x73: {  	v3 =	vor.u32 v3, v4  }
0x74: {  	v4 =	vperm.xlane v3, v0;
	_ =	sdelay $0x1  }
0x75: {  	v4 =	vadd.s32 v1, v4;
	_ =	sdelay $0x3  }
0x76: {  	v3 =	vperm.xlane v3, v2  }
0x77: {  	[hbm4b:s4+s2] =	stream.indirect_vreg.scatter [tilespmem:s9], [sflag:$0x1], $0x80, v4, vm0, $0xb8;
	[tilespmem:$0xC100] =	vst v63  }
0x78: {  	v3 =	vadd.s32 v1, v3  }
0x79: {  	[hbm4b:s5+s2] =	stream.indirect_vreg.scatter [tilespmem:s10], [sflag:$0x1], $0x80, v4, vm0, $0xb8;
	[tilespmem:$0xC100] =	vst v63  }
0x7a: {  	_ = 	snop  }
0x7b: {  	[hbm4b:s6+s2] =	stream.indirect_vreg.scatter [tilespmem:s11], [sflag:$0x1], $0x80, v4, vm0, $0xb8;
	[tilespmem:$0xC100] =	vst v63  }
0x7c: {  	_ = 	snop  }
0x7d: {  	[hbm4b:s4+s2] =	stream.indirect_vreg.scatter [tilespmem:s12], [sflag:$0x1], $0x80, v3, vm0, $0xb8;
	[tilespmem:$0xC100] =	vst v63  }
0x7e: {  	_ = 	snop  }
0x7f: {  	[hbm4b:s5+s2] =	stream.indirect_vreg.scatter [tilespmem:s13], [sflag:$0x1], $0x80, v3, vm0, $0xb8;
	[tilespmem:$0xC100] =	vst v63  }
0x80: {  	_ = 	snop  }
0x81: {  	[hbm4b:s6+s2] =	stream.indirect_vreg.scatter [tilespmem:s14], [sflag:$0x1], $0x80, v3, vm0, $0xb8;
	[tilespmem:$0xC100] =	vst v63  }
0x82: {  	v3 =	vld [tilespmem:$0x90];
	_ =	sdelay $0x4  }
0x83: {  	v61 =	vshrl.u32 v3, $0x3  }
0x84: {  	v4 =	vmul.u32 $0x30, v61  }
0x85: {  	v3 =	vand.u32 $0x7, v3  }
0x86: {  	v3 =	vor.u32 v3, v4  }
0x87: {  	v4 =	vperm.xlane v3, v0;
	_ =	sdelay $0x1  }
0x88: {  	v4 =	vadd.s32 v1, v4;
	_ =	sdelay $0x3  }
0x89: {  	v3 =	vperm.xlane v3, v2  }
0x8a: {  	[hbm4b:s4+s2] =	stream.indirect_vreg.scatter [tilespmem:s15], [sflag:$0x1], $0x80, v4, vm0, $0xb8;
	[tilespmem:$0xC100] =	vst v63  }
0x8b: {  	v3 =	vadd.s32 v1, v3  }
0x8c: {  	[hbm4b:s5+s2] =	stream.indirect_vreg.scatter [tilespmem:s16], [sflag:$0x1], $0x80, v4, vm0, $0xb8;
	[tilespmem:$0xC100] =	vst v63  }
0x8d: {  	_ = 	snop  }
0x8e: {  	[hbm4b:s6+s2] =	stream.indirect_vreg.scatter [tilespmem:s17], [sflag:$0x1], $0x80, v4, vm0, $0xb8;
	[tilespmem:$0xC100] =	vst v63  }
0x8f: {  	_ = 	snop  }
0x90: {  	[hbm4b:s4+s2] =	stream.indirect_vreg.scatter [tilespmem:s18], [sflag:$0x1], $0x80, v3, vm0, $0xb8;
	[tilespmem:$0xC100] =	vst v63  }
0x91: {  	_ = 	snop  }
0x92: {  	[hbm4b:s5+s2] =	stream.indirect_vreg.scatter [tilespmem:s19], [sflag:$0x1], $0x80, v3, vm0, $0xb8;
	[tilespmem:$0xC100] =	vst v63  }
0x93: {  	_ = 	snop  }
0x94: {  	[hbm4b:s6+s2] =	stream.indirect_vreg.scatter [tilespmem:s20], [sflag:$0x1], $0x80, v3, vm0, $0xb8;
	[tilespmem:$0xC100] =	vst v63  }
0x95: {  	v3 =	vld [tilespmem:$0xA0];
	_ =	sdelay $0x4  }
0x96: {  	v62 =	vshrl.u32 v3, $0x3  }
0x97: {  	v4 =	vmul.u32 $0x30, v62  }
0x98: {  	v3 =	vand.u32 $0x7, v3  }
0x99: {  	v3 =	vor.u32 v3, v4  }
0x9a: {  	v4 =	vperm.xlane v3, v0;
	_ =	sdelay $0x1  }
0x9b: {  	v4 =	vadd.s32 v1, v4;
	_ =	sdelay $0x3  }
0x9c: {  	v3 =	vperm.xlane v3, v2  }
0x9d: {  	[hbm4b:s4+s2] =	stream.indirect_vreg.scatter [tilespmem:s21], [sflag:$0x1], $0x80, v4, vm0, $0xb8;
	[tilespmem:$0xC100] =	vst v63  }
0x9e: {  	v3 =	vadd.s32 v1, v3  }
0x9f: {  	[hbm4b:s5+s2] =	stream.indirect_vreg.scatter [tilespmem:s22], [sflag:$0x1], $0x80, v4, vm0, $0xb8;
	[tilespmem:$0xC100] =	vst v63  }
0xa0: {  	_ = 	snop  }
0xa1: {  	[hbm4b:s6+s2] =	stream.indirect_vreg.scatter [tilespmem:s23], [sflag:$0x1], $0x80, v4, vm0, $0xb8;
	[tilespmem:$0xC100] =	vst v63  }
0xa2: {  	_ = 	snop  }
0xa3: {  	[hbm4b:s4+s2] =	stream.indirect_vreg.scatter [tilespmem:s24], [sflag:$0x1], $0x80, v3, vm0, $0xb8;
	[tilespmem:$0xC100] =	vst v63  }
0xa4: {  	_ = 	snop  }
0xa5: {  	[hbm4b:s5+s2] =	stream.indirect_vreg.scatter [tilespmem:s25], [sflag:$0x1], $0x80, v3, vm0, $0xb8;
	[tilespmem:$0xC100] =	vst v63  }
0xa6: {  	_ = 	snop  }
0xa7: {  	[hbm4b:s6+s2] =	stream.indirect_vreg.scatter [tilespmem:s26], [sflag:$0x1], $0x80, v3, vm0, $0xb8;
	[tilespmem:$0xC100] =	vst v63  }
0xa8: {  	v3 =	vld [tilespmem:$0xB0];
	_ =	sdelay $0x4  }
0xa9: {  	v63 =	vshrl.u32 v3, $0x3  }
0xaa: {  	v4 =	vmul.u32 $0x30, v63  }
0xab: {  	v3 =	vand.u32 $0x7, v3  }
0xac: {  	v3 =	vor.u32 v3, v4  }
0xad: {  	v4 =	vperm.xlane v3, v0;
	_ =	sdelay $0x1  }
0xae: {  	v4 =	vadd.s32 v1, v4;
	_ =	sdelay $0x3  }
0xaf: {  	v3 =	vperm.xlane v3, v2  }
0xb0: {  	[hbm4b:s4+s2] =	stream.indirect_vreg.scatter [tilespmem:s28], [sflag:$0x1], $0x80, v4, vm0, $0xb8;
	[tilespmem:$0xC100] =	vst v63  }
0xb1: {  	v3 =	vadd.s32 v1, v3  }
0xb2: {  	[hbm4b:s5+s2] =	stream.indirect_vreg.scatter [tilespmem:s29], [sflag:$0x1], $0x80, v4, vm0, $0xb8;
	[tilespmem:$0xC100] =	vst v63  }
0xb3: {  	_ = 	snop  }
0xb4: {  	[hbm4b:s6+s2] =	stream.indirect_vreg.scatter [tilespmem:s30], [sflag:$0x1], $0x80, v4, vm0, $0xb8;
	[tilespmem:$0xC100] =	vst v63  }
0xb5: {  	_ = 	snop  }
0xb6: {  	[hbm4b:s4+s2] =	stream.indirect_vreg.scatter [tilespmem:s31], [sflag:$0x1], $0x80, v3, vm0, $0xb8;
	[tilespmem:$0xC100] =	vst v63  }
0xb7: {  	p0 =	sne.s32 s7, $0x1  }
0xb8: {  	[hbm4b:s5+s2] =	stream.indirect_vreg.scatter [tilespmem:s0], [sflag:$0x1], $0x80, v3, vm0, $0xb8;
	[tilespmem:$0xC100] =	vst v63  }
.Ltmp0:
0xb9: {  	_ = 	snop;
	(pc) =	sbr.rel @p0 .LBB2_1-.Ltmp0, $4  }
0xba: {  	[hbm4b:s6+s2] =	stream.indirect_vreg.scatter [tilespmem:s1], [sflag:$0x1], $0x80, v3, vm0, $0xb8;
	[tilespmem:$0xC100] =	vst v63  }
0xbb: {  	_ =	swait.ge [sflag:s3], $0xC000  }
0xbc: {  	[sflag:s3] =	ssyncset.done $0x0  }
0xbd: {  	s7 =	sadd.s32 $0xFFFFFFFF, s7;
	[sflag:s3] =	ssyncadd.s32 $0xFFFF4000  }
0xbe: {  	_ =	sfence.sel $0x180000  }
0xbf: {  	[bflag:$0x0] =	sbarrier.arrive $0xFFFF  }
0xc0: {  	_ =	strace $0x90000047  }
0xc1: {  	s0 =	stileid.u32;
	[bflag:$0x2] =	sbarrier.arrive $0xFFFF  }
0xc2: {  	p0 =	sne.s32 s0, $0x0;
	s0 =	rddreg [dreg:$0x2]  }
0xc3: {  	s0 =	sadd.s32 @!p0 $0x100000, s0  }
0xc4: {  	[sflag:s0] =	ssyncadd.tile.s32 @!p0 $0x1;
	_ =	shalt  }
.Lfunc_end2:
_tile_overlayer_lowered:
.L_overlay_start_2:
0xc5: {  	(tag) =	ssettag $0x2  }
0xc6: {  	s0 =	rddreg [dreg:$0x0];
	s2 =	stileid.u32  }
0xc7: {  	s1 =	rddreg [dreg:$0x1];
	p0 =	sne.s32 s2, $0x0  }
0xc8: {  	s3 =	rddreg [dreg:$0x2];
	[bflag:$0x3] =	sbarrier.arrive $0xFFFF;
	s2 =	simm.s32 @!p0 $0x1C02  }
0xc9: {  	[timem:s3], [sflag:s2] =	dma.local @!p0 [hbm:s0], s1  }
0xca: {  	s0 =	simm.s32 @!p0 $0x2  }
0xcb: {  	_ =	swait.ge @!p0 [sflag:s0], s1  }
0xcc: {  	s1 =	ssub.s32 @!p0 $0x0, s1;
	[sflag:s0] =	ssyncset.done @!p0 $0x0  }
0xcd: {  	[sflag:s0] =	ssyncadd.s32 @!p0 s1  }
0xce: {  	[bflag:$0x3] =	sbarrier.arrive $0xFFFF  }
0xcf: {  	_ =	shalt  }

// kernel: kernel.9.cloned.1.call-start
scs
__scs_entry_jumppad:
0x0: {  	(pc) =	sbr.rel $0x88, $3  }
0x1: {  	(tag) =	ssettag $0x0;
	lr =	simm.s32 $0x1  }
0x2: {  	[smem:$0x3F9C] =	sst lr;
	_ =	strace $0xD0000000  }
0x3: {  	_ = 	snop  }
0x4: {  	_ = 	snop  }
0x5: {  	_ = 	snop  }
0x6: {  	_ = 	snop  }
0x7: {  	_ = 	snop  }
__scs_overlays_trampoline_lowered:
0x8: {  	[smem:$0x3FAB] =	sst s0  }
0x9: {  	[smem:$0x3FAC] =	sst s1  }
0xa: {  	[smem:$0x3FAD] =	sst s2  }
0xb: {  	[smem:$0x3FAE] =	sst s3  }
0xc: {  	[smem:$0x3FAF] =	sst s4  }
0xd: {  	[smem:$0x3FB0] =	sst s5  }
0xe: {  	[smem:$0x3FB1] =	sst s6  }
0xf: {  	[smem:$0x3FB2] =	sst s7  }
0x10: {  	[smem:$0x3FB3] =	sst s8  }
0x11: {  	[smem:$0x3FB4] =	sst s9;
	s0 =	simm.s32 @!p0 $0x0  }
0x12: {  	s1 =	sld [smem:$0x3F9A];
	s0 =	simm.s32 @p0 $0x1  }
0x13: {  	[smem:$0x3FB5] =	sst s0;
	s0 =	simm.s32 @!p1 $0x0  }
0x14: {  	s2 =	sld [smem:$0x3F99];
	s0 =	simm.s32 @p1 $0x1  }
0x15: {  	[smem:$0x3FB6] =	sst s0;
	s0 =	simm.s32 @!p2 $0x0  }
0x16: {  	s3 =	sld [smem:$0x3FDB];
	s0 =	simm.s32 @p2 $0x1  }
0x17: {  	s4 =	simm.s32 $0x1BF5;
	[smem:$0x3FB8] =	sst s0  }
0x18: {  	s0 =	sld [smem:$0x3F9B];
	_ =	swait.ge [sflag:s4], $0x0  }
0x19: {  	s7 =	sld [smem:$0x3F9C]  }
0x1a: {  	s8 =	sadd.s32 $0xFFFFE003, lr  }
0x1b: {  	s9 =	sadd.s32 $0xFFFFFEF7, lr;
	s5 =	simm.s32 $0xFFFFFFFF;
	p2 =	slt.u32 s8, $0xFFFFF086  }
0x1c: {  	p1 =	slt.u32 s9, $0xF7A;
	s5 =	simm.s32 @!p2 $0x0  }
0x1d: {  	s5 =	simm.s32 @p1 $0x1;
	p0 =	seq.s32 s7, s2  }
0x1e: {  	s7 =	smul.u32 @!p0 $0xF7A, s2;
	p2 =	seq.s32 @!p0 s5, $0x0  }
0x1f: {  	s9 =	smul.u32 $0xF7A, s1;
	s8 =	simm.s32 @!p0 $0x1BF5;
	p2 =	por !p2, p0  }
0x20: {  	[sflag:s8] =	ssyncset.s32 @!p0 $0xFFFFF086;
	s6 =	sadd.s32 @!p0 s3, s7;
	s7 =	simm.s32 @!p0 $0x108  }
0x21: {  	s3 =	sadd.s32 s3, s9;
	s6 =	sadd.s32 @!p0 $0x88, s6;
	s7 =	simm.s32 @p2 $0x1082  }
0x22: {  	[simem:s7], [sflag:s8] =	dma.local @!p0 [hbm:s6], $0xF7A  }
0x23: {  	s9 =	sor.u32 $0xD0000000, s2;
	s6 =	simm.s32 $0x108;
	_ =	swait.ge @!p0 [sflag:s8], $0x0  }
0x24: {  	s3 =	sadd.s32 $0x88, s3;
	s6 =	simm.s32 @!p1 $0x1082;
	[sflag:s4] =	ssyncset.s32 $0xFFFFF086  }
0x25: {  	[simem:s6], [sflag:s4] =	dma.local [hbm:s3], $0xF7A  }
0x26: {  	[smem:$0x3F9C] =	sst s1;
	(tag) =	ssettag s2;
	_ =	strace s9  }
0x27: {  	s1 =	sld [smem:$0x3FAC]  }
0x28: {  	s2 =	sld [smem:$0x3FAD]  }
0x29: {  	s4 =	sld [smem:$0x3FAF]  }
0x2a: {  	p0 =	seq.s32 s5, $0x0;
	s5 =	sld [smem:$0x3FB0]  }
0x2b: {  	s6 =	sld [smem:$0x3FB1]  }
0x2c: {  	s7 =	sld [smem:$0x3FB2]  }
0x2d: {  	s3 =	simm.s32 $0x108;
	s8 =	sld [smem:$0x3FB3]  }
0x2e: {  	s3 =	simm.s32 @!p0 $0x1082;
	s9 =	sld [smem:$0x3FB4]  }
0x2f: {  	lr =	sadd.s32 s0, s3;
	s0 =	sld [smem:$0x3FAB]  }
0x30: {  	s3 =	sld [smem:$0x3FAE]  }
0x31: {  	[smem:$0x3FB7] =	sst s10  }
0x32: {  	s10 =	sld [smem:$0x3FB5];
	_ =	sdelay $0x3  }
0x33: {  	p0 =	seq.s32 s10, $0x1;
	s10 =	sld [smem:$0x3FB7];
	_ =	sdelay $0x3  }
0x34: {  	[smem:$0x3FB7] =	sst s10  }
0x35: {  	s10 =	sld [smem:$0x3FB6];
	_ =	sdelay $0x3  }
0x36: {  	p1 =	seq.s32 s10, $0x1;
	s10 =	sld [smem:$0x3FB7];
	_ =	sdelay $0x3  }
0x37: {  	[smem:$0x3FB7] =	sst s10  }
0x38: {  	s10 =	sld [smem:$0x3FB8]  }
0x39: {  	_ = 	snop;
	(pc) =	sbr.ind lr, $3  }
0x3a: {  	_ = 	snop  }
0x3b: {  	_ = 	snop  }
0x3c: {  	p2 =	seq.s32 s10, $0x1;
	s10 =	sld [smem:$0x3FB7]  }
0x3d: {  	_ =	shalt  }
0x3e: {  	_ =	shalt  }
0x3f: {  	_ =	shalt  }
0x40: {  	_ =	shalt  }
0x41: {  	_ =	shalt  }
0x42: {  	_ =	shalt  }
0x43: {  	_ =	shalt  }
0x44: {  	_ =	shalt  }
0x45: {  	_ =	shalt  }
0x46: {  	_ =	shalt  }
0x47: {  	_ =	shalt  }
0x48: {  	_ =	shalt  }
0x49: {  	_ =	shalt  }
0x4a: {  	_ =	shalt  }
0x4b: {  	_ =	shalt  }
0x4c: {  	_ =	shalt  }
0x4d: {  	_ =	shalt  }
0x4e: {  	_ =	shalt  }
0x4f: {  	_ =	shalt  }
0x50: {  	_ =	shalt  }
0x51: {  	_ =	shalt  }
0x52: {  	_ =	shalt  }
0x53: {  	_ =	shalt  }
0x54: {  	_ =	shalt  }
0x55: {  	_ =	shalt  }
0x56: {  	_ =	shalt  }
0x57: {  	_ =	shalt  }
0x58: {  	_ =	shalt  }
0x59: {  	_ =	shalt  }
0x5a: {  	_ =	shalt  }
0x5b: {  	_ =	shalt  }
0x5c: {  	_ =	shalt  }
0x5d: {  	_ =	shalt  }
0x5e: {  	_ =	shalt  }
0x5f: {  	_ =	shalt  }
0x60: {  	_ =	shalt  }
0x61: {  	_ =	shalt  }
0x62: {  	_ =	shalt  }
0x63: {  	_ =	shalt  }
0x64: {  	_ =	shalt  }
0x65: {  	_ =	shalt  }
0x66: {  	_ =	shalt  }
0x67: {  	_ =	shalt  }
0x68: {  	_ =	shalt  }
0x69: {  	_ =	shalt  }
0x6a: {  	_ =	shalt  }
0x6b: {  	_ =	shalt  }
0x6c: {  	_ =	shalt  }
0x6d: {  	_ =	shalt  }
0x6e: {  	_ =	shalt  }
0x6f: {  	_ =	shalt  }
0x70: {  	_ =	shalt  }
0x71: {  	_ =	shalt  }
0x72: {  	_ =	shalt  }
0x73: {  	_ =	shalt  }
0x74: {  	_ =	shalt  }
0x75: {  	_ =	shalt  }
0x76: {  	_ =	shalt  }
0x77: {  	_ =	shalt  }
0x78: {  	_ =	shalt  }
0x79: {  	_ =	shalt  }
0x7a: {  	_ =	shalt  }
0x7b: {  	_ =	shalt  }
0x7c: {  	_ =	shalt  }
0x7d: {  	_ =	shalt  }
0x7e: {  	_ =	shalt  }
0x7f: {  	_ =	shalt  }
0x80: {  	_ =	shalt  }
0x81: {  	_ =	shalt  }
0x82: {  	_ =	shalt  }
0x83: {  	_ =	shalt  }
0x84: {  	_ =	shalt  }
0x85: {  	_ =	shalt  }
0x86: {  	_ =	shalt  }
0x87: {  	_ =	shalt  }
.Lfunc_end0:
.L_simem_size_0:
called_computation.1_lowered:
.L_overlay_start_0:
0x88: {  	s2 =	sld [smem:$0x3FD9]  }
0x89: {  	s3 =	sld [smem:$0x3FFE];
	_ =	sdelay $0x1  }
0x8a: {  	s1 =	srdreg.scid  }
0x8b: {  	s0 =	sand.u32 $0x1, s1  }
0x8c: {  	s14 =	sshll.u32 s0, $0xA;
	s2 =	sadd.s32 s3, s2  }
0x8d: {  	s2 =	sadd.s32 s2, s14  }
0x8e: {  	[smem:$0x3FC3] =	sst s2  }
0x8f: {  	_ = 	snop  }
0x90: {  	s2 =	sld [smem:$0x3FD0];
	_ =	sdelay $0x2  }
0x91: {  	s15 =	simm.s32 $0xA;
	s4 =	simm.s32 $0x10  }
0x92: {  	[smem:s4], [sflag:s15] =	dma.local [hbm:s2], $0x1  }
0x93: {  	_ =	swait.eq [sflag:s15], $0x1  }
0x94: {  	[sflag:s15] =	ssyncset.done $0x0  }
0x95: {  	[sflag:s15] =	ssyncadd.s32 $0xFFFFFFFF  }
0x96: {  	s16 =	sld [smem:$0x10];
	(tm) =	ssettm $0x1  }
0x97: {  	s17 =	sld [smem:$0x3FFB];
	_ =	sdelay $0x3  }
0x98: {  	_ =	strace s17  }
0x99: {  	s3 =	sld [smem:$0x3FFC];
	_ =	sdelay $0x3  }
0x9a: {  	_ =	strace s3  }
0x9b: {  	s3 =	sld [smem:$0x3FFD];
	_ =	sdelay $0x3  }
0x9c: {  	_ =	strace s3  }
0x9d: {  	_ =	strace $0x8FFFFFFF  }
0x9e: {  	s18 =	sld [smem:$0x3FDB];
	_ =	sdelay $0x1  }
0x9f: {  	s19 =	simm.s32 $_scs_section_size  }
0xa0: {  	s5 =	simm.s32 $_size__tile_overlayer_lowered;
	s6 =	simm.s32 $_tile_overlayer_lowered  }
0xa1: {  	s22 =	simm.s32 $0x1BFF;
	s21 =	sshll.u32 s6, $0x1;
	s3 =	sadd.s32 s19, s18  }
0xa2: {  	s7 =	simm.s32 $0x0;
	s20 =	sshll.u32 s5, $0x1;
	s5 =	sadd.s32 s21, s3  }
0xa3: {  	[timem:s7], [sflag:s22] =	dma.local [hbm:s5], s20  }
0xa4: {  	_ =	swait.ge [sflag:s22], s20  }
0xa5: {  	s4 =	ssub.s32 $0x0, s20;
	[sflag:s22] =	ssyncset.done $0x0  }
0xa6: {  	[sflag:s22] =	ssyncadd.s32 s4;
	_ =	sdelay $0x1  }
0xa7: {  	s23 =	simm.s32 $0x1B8B  }
0xa8: {  	_ =	swait.ge [sflag:s23], $0x1  }
0xa9: {  	[sflag:s23] =	ssyncset.done $0x0  }
0xaa: {  	s25 =	simm.s32 $0x1B8E;
	s24 =	sld [smem:$0x3FFE];
	[sflag:s23] =	ssyncadd.s32 $0xFFFFFFFF  }
0xab: {  	s26 =	simm.s32 $execute0_lowered;
	[smem:$0x3FD2] =	sst s25  }
0xac: {  	s5 =	sshll.u32 s26, $0x1;
	_ =	strace $0x80000049;
	[dreg:$0x1] =	wrdreg $0xFFFFFFFF  }
0xad: {  	s28 =	simm.s32 $_size_execute0_lowered;
	s3 =	sadd.s32 s3, s5;
	[dreg:$0x0] =	wrdreg $0x0  }
0xae: {  	s5 =	sshll.u32 s28, $0x1;
	[dreg:$0x2] =	wrdreg s3  }
0xaf: {  	[dreg:$0x3] =	wrdreg s5  }
0xb0: {  	[dreg:$0x4] =	wrdreg $0xC0  }
0xb1: {  	_ =	task [dreg:s7], $0x5FFFF  }
0xb2: {  	[dreg:$0x1] =	wrdreg $0xFFFFFFFF  }
0xb3: {  	[dreg:$0x0] =	wrdreg $0x60  }
0xb4: {  	[dreg:$0x2] =	wrdreg s24  }
0xb5: {  	[dreg:$0x3] =	wrdreg s16  }
0xb6: {  	[dreg:$0x4] =	wrdreg $0x9  }
0xb7: {  	_ =	task.clear_ibuf [dreg:s7], $0x5FFFF;
	_ =	strace $0x90000049  }
0xb8: {  	s29 =	simm.s32 $0x9;
	_ =	strace $0x8000004B  }
0xb9: {  	_ =	swait.ge [sflag:s29], $0x1  }
0xba: {  	[sflag:s29] =	ssyncadd.s32 $0xFFFFFFFF  }
0xbb: {  	_ =	strace $0x9000004B  }
0xbc: {  	_ =	sfence  }
0xbd: {  	s30 =	sld [smem:$0x0];
	_ =	sdelay $0x2  }
0xbe: {  	s31 =	sshll.u32 s1, $0xD;
	s1 =	sshrl.u32 s1, $0x2  }
0xbf: {  	s3 =	sand.u32 $0x4000, s31;
	s1 =	sadd.s32 s1, s30  }
0xc0: {  	s0 =	sor.u32 s3, s0;
	s1 =	sshll.u32 s1, $0x11  }
0xc1: {  	s0 =	sor.u32 s1, s0  }
0xc2: {  	s0 =	sadd.s32 $0x8F2B, s0  }
0xc3: {  	[sflag:s0] =	ssyncadd.remote.s32 $0x1  }
0xc4: {  	_ =	sfence.sel $0xFFFF  }
0xc5: {  	[dreg:$0x0] =	wrdreg $0xFFFFFFFF;
	(pc) =	sbr.abs _section_cstart, $3  }
0xc6: {  	[dreg:$0x1] =	wrdreg $0xFFFFFFFF  }
0xc7: {  	_ =	task.clear_ibuf [dreg:s7], $0x2FFFF;
	_ =	strace $0x9FFFFFFF  }
0xc8: {  	(tm) =	ssettm $0x7FFFFFFF  }
0xc9: {  	_ =	shalt  }
tec
execute0_lowered:
.L_overlay_start_1:
0x0: {  	(tag) =	ssettag $0x1  }
0x1: {  	s0 =	rddreg [dreg:$0x0]  }
0x2: {  	s1 =	rddreg [dreg:$0x1];
	s3 =	srdreg.scid;
	s2 =	simm.s32 $0x0  }
0x3: {  	s4 =	stileid.u32;
	s12 =	simm.s32 $0x2;
	s14 =	simm.s32 $0x100  }
0x4: {  	s15 =	simm.s32 $0x180;
	s16 =	simm.s32 $0x200;
	s20 =	simm.s32 $0x13200  }
0x5: {  	s21 =	simm.s32 $0x13A00;
	s22 =	simm.s32 $0x14200;
	s23 =	simm.s32 $0x14A00  }
0x6: {  	s24 =	simm.s32 $0x15200;
	s25 =	simm.s32 $0x15A00;
	s28 =	simm.s32 $0x16A00  }
0x7: {  	s29 =	simm.s32 $0x17200;
	s30 =	simm.s32 $0x17A00;
	s31 =	simm.s32 $0x1  }
0x8: {  	s3 =	sand.u32 $0x1, s3;
	[smem:$0x7FF] =	sst s2;
	s4 =	sshll.u32 s4, $0x4  }
0x9: {  	s8 =	sadd.s32 $0xC0900, s0;
	s9 =	sadd.s32 $0xC0A00, s0;
	s5 =	sshll.u32 s3, $0x3  }
0xa: {  	_ =	strace $0x8000004A;
	s6 =	ssub.s32 $0x2, s3;
	s7 =	sor.u32 s5, s4  }
0xb: {  	s3 =	sadd.s32 $0xC0800, s0;
	s26 =	sshrl.u32 s6, $0x1;
	s4 =	sadd.s32 s0, s7  }
0xc: {  	v2 =	vlaneseq.u32;
	s11 =	ssub.s32 s6, s26;
	s10 =	smul.u32 $0x300, s7;
	s26 =	simm.s32 $0x16200  }
0xd: {  	vm0 =	vmmov $0xffff;
	v1 =	vshrl.u32 v2, $0x3;
	s0 =	simm.s32 $0x0;
	s5 =	sadd.s32 $0x200, s4;
	s6 =	sadd.s32 $0xC0400, s4  }
0xe: {  	v0 =	vand.u32 $0x7, v2;
	v2 =	vor.u32 $0x8, v2;
	v1 =	vmul.u32 $0x8, v1;
	s7 =	sadd.s32 $0xC0600, s4;
	s11 =	smax.u32 s11, $0x1;
	s10 =	sadd.s32 s1, s10  }
.LBB2_1:
0xf: {  	[tilespmem:s2], [sflag:$0x2] =	stream.linear.gather [hbm4b:s4+s2], $0x40, $0x38;
	[tilespmem:$0x18200] =	vst v63  }
0x10: {  	_ =	swait.ge [sflag:s12], $0x40  }
0x11: {  	[sflag:s12] =	ssyncset.done $0x0  }
0x12: {  	s1 =	simm.s32 $0x80;
	[sflag:s12] =	ssyncadd.s32 $0xFFFFFFC0  }
0x13: {  	[tilespmem:s1], [sflag:$0x2] =	stream.linear.gather [hbm4b:s5+s2], $0x40, $0x38;
	[tilespmem:$0x18200] =	vst v63  }
0x14: {  	_ =	swait.ge [sflag:s12], $0x40  }
0x15: {  	[sflag:s12] =	ssyncset.done $0x0  }
0x16: {  	[sflag:s12] =	ssyncadd.s32 $0xFFFFFFC0  }
0x17: {  	[tilespmem:s14], [sflag:$0x2] =	stream.linear.gather [hbm4b:s6+s2], $0x40, $0x38;
	[tilespmem:$0x18200] =	vst v63  }
0x18: {  	_ =	swait.ge [sflag:s12], $0x40  }
0x19: {  	[sflag:s12] =	ssyncset.done $0x0  }
0x1a: {  	[sflag:s12] =	ssyncadd.s32 $0xFFFFFFC0  }
0x1b: {  	[tilespmem:s15], [sflag:$0x2] =	stream.linear.gather [hbm4b:s7+s2], $0x40, $0x38;
	[tilespmem:$0x18200] =	vst v63  }
0x1c: {  	_ =	swait.ge [sflag:s12], $0x40  }
0x1d: {  	[sflag:s12] =	ssyncset.done $0x0  }
0x1e: {  	[sflag:s12] =	ssyncadd.s32 $0xFFFFFFC0  }
0x1f: {  	v3 =	vld [tilespmem:$0x0];
	_ =	sdelay $0x4  }
0x20: {  	v4 =	vshrl.u32 v3, $0x3  }
0x21: {  	v4 =	vmul.u32 $0x30, v4  }
0x22: {  	v3 =	vand.u32 $0x7, v3  }
0x23: {  	v3 =	vor.u32 v3, v4  }
0x24: {  	v4 =	vperm.xlane v3, v0;
	_ =	sdelay $0x1  }
0x25: {  	v4 =	vadd.s32 v1, v4;
	_ =	sdelay $0x3  }
0x26: {  	v3 =	vperm.xlane v3, v2  }
0x27: {  	[tilespmem:s16], [sflag:$0x1] =	stream.indirect_vreg.gather [hbm4b:s3+s2], $0x80, v4, vm0, $0xb8;
	[tilespmem:$0x18200] =	vst v63  }
0x28: {  	s18 =	simm.s32 $0xA00;
	v3 =	vadd.s32 v1, v3  }
0x29: {  	[tilespmem:s18], [sflag:$0x1] =	stream.indirect_vreg.gather [hbm4b:s8+s2], $0x80, v4, vm0, $0xb8;
	[tilespmem:$0x18200] =	vst v63  }
0x2a: {  	s19 =	simm.s32 $0x1200  }
0x2b: {  	[tilespmem:s19], [sflag:$0x1] =	stream.indirect_vreg.gather [hbm4b:s9+s2], $0x80, v4, vm0, $0xb8;
	[tilespmem:$0x18200] =	vst v63  }
0x2c: {  	s13 =	simm.s32 $0x1A00  }
0x2d: {  	[tilespmem:s13], [sflag:$0x1] =	stream.indirect_vreg.gather [hbm4b:s3+s2], $0x80, v3, vm0, $0xb8;
	[tilespmem:$0x18200] =	vst v63  }
0x2e: {  	s17 =	simm.s32 $0x2200  }
0x2f: {  	[tilespmem:s17], [sflag:$0x1] =	stream.indirect_vreg.gather [hbm4b:s8+s2], $0x80, v3, vm0, $0xb8;
	[tilespmem:$0x18200] =	vst v63  }
0x30: {  	s18 =	simm.s32 $0x2A00  }
0x31: {  	[tilespmem:s18], [sflag:$0x1] =	stream.indirect_vreg.gather [hbm4b:s9+s2], $0x80, v3, vm0, $0xb8;
	[tilespmem:$0x18200] =	vst v63  }
0x32: {  	v3 =	vld [tilespmem:$0x10];
	_ =	sdelay $0x4  }
0x33: {  	v4 =	vshrl.u32 v3, $0x3  }
0x34: {  	v4 =	vmul.u32 $0x30, v4  }
0x35: {  	v3 =	vand.u32 $0x7, v3  }
0x36: {  	v3 =	vor.u32 v3, v4  }
0x37: {  	v4 =	vperm.xlane v3, v0;
	_ =	sdelay $0x1  }
0x38: {  	v4 =	vadd.s32 v1, v4;
	_ =	sdelay $0x3  }
0x39: {  	s19 =	simm.s32 $0x3200;
	v3 =	vperm.xlane v3, v2  }
0x3a: {  	[tilespmem:s19], [sflag:$0x1] =	stream.indirect_vreg.gather [hbm4b:s3+s2], $0x80, v4, vm0, $0xb8;
	[tilespmem:$0x18200] =	vst v63  }
0x3b: {  	s13 =	simm.s32 $0x3A00;
	v3 =	vadd.s32 v1, v3  }
0x3c: {  	[tilespmem:s13], [sflag:$0x1] =	stream.indirect_vreg.gather [hbm4b:s8+s2], $0x80, v4, vm0, $0xb8;
	[tilespmem:$0x18200] =	vst v63  }
0x3d: {  	s17 =	simm.s32 $0x4200  }
0x3e: {  	[tilespmem:s17], [sflag:$0x1] =	stream.indirect_vreg.gather [hbm4b:s9+s2], $0x80, v4, vm0, $0xb8;
	[tilespmem:$0x18200] =	vst v63  }
0x3f: {  	s18 =	simm.s32 $0x4A00  }
0x40: {  	[tilespmem:s18], [sflag:$0x1] =	stream.indirect_vreg.gather [hbm4b:s3+s2], $0x80, v3, vm0, $0xb8;
	[tilespmem:$0x18200] =	vst v63  }
0x41: {  	s19 =	simm.s32 $0x5200  }
0x42: {  	[tilespmem:s19], [sflag:$0x1] =	stream.indirect_vreg.gather [hbm4b:s8+s2], $0x80, v3, vm0, $0xb8;
	[tilespmem:$0x18200] =	vst v63  }
0x43: {  	s13 =	simm.s32 $0x5A00  }
0x44: {  	[tilespmem:s13], [sflag:$0x1] =	stream.indirect_vreg.gather [hbm4b:s9+s2], $0x80, v3, vm0, $0xb8;
	[tilespmem:$0x18200] =	vst v63  }
0x45: {  	v3 =	vld [tilespmem:$0x20];
	_ =	sdelay $0x4  }
0x46: {  	v4 =	vshrl.u32 v3, $0x3  }
0x47: {  	v4 =	vmul.u32 $0x30, v4  }
0x48: {  	v3 =	vand.u32 $0x7, v3  }
0x49: {  	v3 =	vor.u32 v3, v4  }
0x4a: {  	v4 =	vperm.xlane v3, v0;
	_ =	sdelay $0x1  }
0x4b: {  	v4 =	vadd.s32 v1, v4;
	_ =	sdelay $0x3  }
0x4c: {  	s17 =	simm.s32 $0x6200;
	v3 =	vperm.xlane v3, v2  }
0x4d: {  	[tilespmem:s17], [sflag:$0x1] =	stream.indirect_vreg.gather [hbm4b:s3+s2], $0x80, v4, vm0, $0xb8;
	[tilespmem:$0x18200] =	vst v63  }
0x4e: {  	s18 =	simm.s32 $0x6A00;
	v3 =	vadd.s32 v1, v3  }
0x4f: {  	[tilespmem:s18], [sflag:$0x1] =	stream.indirect_vreg.gather [hbm4b:s8+s2], $0x80, v4, vm0, $0xb8;
	[tilespmem:$0x18200] =	vst v63  }
0x50: {  	s19 =	simm.s32 $0x7200  }
0x51: {  	[tilespmem:s19], [sflag:$0x1] =	stream.indirect_vreg.gather [hbm4b:s9+s2], $0x80, v4, vm0, $0xb8;
	[tilespmem:$0x18200] =	vst v63  }
0x52: {  	s13 =	simm.s32 $0x7A00  }
0x53: {  	[tilespmem:s13], [sflag:$0x1] =	stream.indirect_vreg.gather [hbm4b:s3+s2], $0x80, v3, vm0, $0xb8;
	[tilespmem:$0x18200] =	vst v63  }
0x54: {  	s17 =	simm.s32 $0x8200  }
0x55: {  	[tilespmem:s17], [sflag:$0x1] =	stream.indirect_vreg.gather [hbm4b:s8+s2], $0x80, v3, vm0, $0xb8;
	[tilespmem:$0x18200] =	vst v63  }
0x56: {  	s18 =	simm.s32 $0x8A00  }
0x57: {  	[tilespmem:s18], [sflag:$0x1] =	stream.indirect_vreg.gather [hbm4b:s9+s2], $0x80, v3, vm0, $0xb8;
	[tilespmem:$0x18200] =	vst v63  }
0x58: {  	v3 =	vld [tilespmem:$0x30];
	_ =	sdelay $0x4  }
0x59: {  	v4 =	vshrl.u32 v3, $0x3  }
0x5a: {  	v4 =	vmul.u32 $0x30, v4  }
0x5b: {  	v3 =	vand.u32 $0x7, v3  }
0x5c: {  	v3 =	vor.u32 v3, v4  }
0x5d: {  	v4 =	vperm.xlane v3, v0;
	_ =	sdelay $0x1  }
0x5e: {  	v4 =	vadd.s32 v1, v4;
	_ =	sdelay $0x3  }
0x5f: {  	s19 =	simm.s32 $0x9200;
	v3 =	vperm.xlane v3, v2  }
0x60: {  	[tilespmem:s19], [sflag:$0x1] =	stream.indirect_vreg.gather [hbm4b:s3+s2], $0x80, v4, vm0, $0xb8;
	[tilespmem:$0x18200] =	vst v63  }
0x61: {  	s13 =	simm.s32 $0x9A00;
	v3 =	vadd.s32 v1, v3  }
0x62: {  	[tilespmem:s13], [sflag:$0x1] =	stream.indirect_vreg.gather [hbm4b:s8+s2], $0x80, v4, vm0, $0xb8;
	[tilespmem:$0x18200] =	vst v63  }
0x63: {  	s17 =	simm.s32 $0xA200  }
0x64: {  	[tilespmem:s17], [sflag:$0x1] =	stream.indirect_vreg.gather [hbm4b:s9+s2], $0x80, v4, vm0, $0xb8;
	[tilespmem:$0x18200] =	vst v63  }
0x65: {  	s18 =	simm.s32 $0xAA00  }
0x66: {  	[tilespmem:s18], [sflag:$0x1] =	stream.indirect_vreg.gather [hbm4b:s3+s2], $0x80, v3, vm0, $0xb8;
	[tilespmem:$0x18200] =	vst v63  }
0x67: {  	s19 =	simm.s32 $0xB200  }
0x68: {  	[tilespmem:s19], [sflag:$0x1] =	stream.indirect_vreg.gather [hbm4b:s8+s2], $0x80, v3, vm0, $0xb8;
	[tilespmem:$0x18200] =	vst v63  }
0x69: {  	s13 =	simm.s32 $0xBA00  }
0x6a: {  	[tilespmem:s13], [sflag:$0x1] =	stream.indirect_vreg.gather [hbm4b:s9+s2], $0x80, v3, vm0, $0xb8;
	[tilespmem:$0x18200] =	vst v63  }
0x6b: {  	v3 =	vld [tilespmem:$0x80];
	_ =	sdelay $0x4  }
0x6c: {  	v4 =	vshrl.u32 v3, $0x3  }
0x6d: {  	v4 =	vmul.u32 $0x30, v4  }
0x6e: {  	v3 =	vand.u32 $0x7, v3  }
0x6f: {  	v3 =	vor.u32 v3, v4  }
0x70: {  	v4 =	vperm.xlane v3, v0;
	_ =	sdelay $0x1  }
0x71: {  	v4 =	vadd.s32 v1, v4;
	_ =	sdelay $0x3  }
0x72: {  	s17 =	simm.s32 $0xC200;
	v3 =	vperm.xlane v3, v2  }
0x73: {  	[tilespmem:s17], [sflag:$0x1] =	stream.indirect_vreg.gather [hbm4b:s3+s2], $0x80, v4, vm0, $0xb8;
	[tilespmem:$0x18200] =	vst v63  }
0x74: {  	s18 =	simm.s32 $0xCA00;
	v3 =	vadd.s32 v1, v3  }
0x75: {  	[tilespmem:s18], [sflag:$0x1] =	stream.indirect_vreg.gather [hbm4b:s8+s2], $0x80, v4, vm0, $0xb8;
	[tilespmem:$0x18200] =	vst v63  }
0x76: {  	s19 =	simm.s32 $0xD200  }
0x77: {  	[tilespmem:s19], [sflag:$0x1] =	stream.indirect_vreg.gather [hbm4b:s9+s2], $0x80, v4, vm0, $0xb8;
	[tilespmem:$0x18200] =	vst v63  }
0x78: {  	s13 =	simm.s32 $0xDA00  }
0x79: {  	[tilespmem:s13], [sflag:$0x1] =	stream.indirect_vreg.gather [hbm4b:s3+s2], $0x80, v3, vm0, $0xb8;
	[tilespmem:$0x18200] =	vst v63  }
0x7a: {  	s17 =	simm.s32 $0xE200  }
0x7b: {  	[tilespmem:s17], [sflag:$0x1] =	stream.indirect_vreg.gather [hbm4b:s8+s2], $0x80, v3, vm0, $0xb8;
	[tilespmem:$0x18200] =	vst v63  }
0x7c: {  	s18 =	simm.s32 $0xEA00  }
0x7d: {  	[tilespmem:s18], [sflag:$0x1] =	stream.indirect_vreg.gather [hbm4b:s9+s2], $0x80, v3, vm0, $0xb8;
	[tilespmem:$0x18200] =	vst v63  }
0x7e: {  	v3 =	vld [tilespmem:$0x90];
	_ =	sdelay $0x4  }
0x7f: {  	v4 =	vshrl.u32 v3, $0x3  }
0x80: {  	v4 =	vmul.u32 $0x30, v4  }
0x81: {  	v3 =	vand.u32 $0x7, v3  }
0x82: {  	v3 =	vor.u32 v3, v4  }
0x83: {  	v4 =	vperm.xlane v3, v0;
	_ =	sdelay $0x1  }
0x84: {  	v4 =	vadd.s32 v1, v4;
	_ =	sdelay $0x3  }
0x85: {  	s19 =	simm.s32 $0xF200;
	v3 =	vperm.xlane v3, v2  }
0x86: {  	[tilespmem:s19], [sflag:$0x1] =	stream.indirect_vreg.gather [hbm4b:s3+s2], $0x80, v4, vm0, $0xb8;
	[tilespmem:$0x18200] =	vst v63  }
0x87: {  	s13 =	simm.s32 $0xFA00;
	v3 =	vadd.s32 v1, v3  }
0x88: {  	[tilespmem:s13], [sflag:$0x1] =	stream.indirect_vreg.gather [hbm4b:s8+s2], $0x80, v4, vm0, $0xb8;
	[tilespmem:$0x18200] =	vst v63  }
0x89: {  	s17 =	simm.s32 $0x10200  }
0x8a: {  	[tilespmem:s17], [sflag:$0x1] =	stream.indirect_vreg.gather [hbm4b:s9+s2], $0x80, v4, vm0, $0xb8;
	[tilespmem:$0x18200] =	vst v63  }
0x8b: {  	s18 =	simm.s32 $0x10A00  }
0x8c: {  	[tilespmem:s18], [sflag:$0x1] =	stream.indirect_vreg.gather [hbm4b:s3+s2], $0x80, v3, vm0, $0xb8;
	[tilespmem:$0x18200] =	vst v63  }
0x8d: {  	s19 =	simm.s32 $0x11200  }
0x8e: {  	[tilespmem:s19], [sflag:$0x1] =	stream.indirect_vreg.gather [hbm4b:s8+s2], $0x80, v3, vm0, $0xb8;
	[tilespmem:$0x18200] =	vst v63  }
0x8f: {  	s13 =	simm.s32 $0x11A00  }
0x90: {  	[tilespmem:s13], [sflag:$0x1] =	stream.indirect_vreg.gather [hbm4b:s9+s2], $0x80, v3, vm0, $0xb8;
	[tilespmem:$0x18200] =	vst v63  }
0x91: {  	v3 =	vld [tilespmem:$0xA0];
	_ =	sdelay $0x4  }
0x92: {  	v4 =	vshrl.u32 v3, $0x3  }
0x93: {  	v4 =	vmul.u32 $0x30, v4  }
0x94: {  	v3 =	vand.u32 $0x7, v3  }
0x95: {  	v3 =	vor.u32 v3, v4  }
0x96: {  	v4 =	vperm.xlane v3, v0;
	_ =	sdelay $0x1  }
0x97: {  	v4 =	vadd.s32 v1, v4;
	_ =	sdelay $0x3  }
0x98: {  	s17 =	simm.s32 $0x12200;
	v3 =	vperm.xlane v3, v2  }
0x99: {  	[tilespmem:s17], [sflag:$0x1] =	stream.indirect_vreg.gather [hbm4b:s3+s2], $0x80, v4, vm0, $0xb8;
	[tilespmem:$0x18200] =	vst v63  }
0x9a: {  	s18 =	simm.s32 $0x12A00;
	v3 =	vadd.s32 v1, v3  }
0x9b: {  	[tilespmem:s18], [sflag:$0x1] =	stream.indirect_vreg.gather [hbm4b:s8+s2], $0x80, v4, vm0, $0xb8;
	[tilespmem:$0x18200] =	vst v63  }
0x9c: {  	_ = 	snop  }
0x9d: {  	[tilespmem:s20], [sflag:$0x1] =	stream.indirect_vreg.gather [hbm4b:s9+s2], $0x80, v4, vm0, $0xb8;
	[tilespmem:$0x18200] =	vst v63  }
0x9e: {  	_ = 	snop  }
0x9f: {  	[tilespmem:s21], [sflag:$0x1] =	stream.indirect_vreg.gather [hbm4b:s3+s2], $0x80, v3, vm0, $0xb8;
	[tilespmem:$0x18200] =	vst v63  }
0xa0: {  	_ = 	snop  }
0xa1: {  	[tilespmem:s22], [sflag:$0x1] =	stream.indirect_vreg.gather [hbm4b:s8+s2], $0x80, v3, vm0, $0xb8;
	[tilespmem:$0x18200] =	vst v63  }
0xa2: {  	_ = 	snop  }
0xa3: {  	[tilespmem:s23], [sflag:$0x1] =	stream.indirect_vreg.gather [hbm4b:s9+s2], $0x80, v3, vm0, $0xb8;
	[tilespmem:$0x18200] =	vst v63  }
0xa4: {  	v3 =	vld [tilespmem:$0xB0];
	_ =	sdelay $0x4  }
0xa5: {  	v4 =	vshrl.u32 v3, $0x3  }
0xa6: {  	v4 =	vmul.u32 $0x30, v4  }
0xa7: {  	v3 =	vand.u32 $0x7, v3  }
0xa8: {  	v3 =	vor.u32 v3, v4  }
0xa9: {  	v4 =	vperm.xlane v3, v0;
	_ =	sdelay $0x1  }
0xaa: {  	v4 =	vadd.s32 v1, v4;
	_ =	sdelay $0x3  }
0xab: {  	v3 =	vperm.xlane v3, v2  }
0xac: {  	[tilespmem:s24], [sflag:$0x1] =	stream.indirect_vreg.gather [hbm4b:s3+s2], $0x80, v4, vm0, $0xb8;
	[tilespmem:$0x18200] =	vst v63  }
0xad: {  	v3 =	vadd.s32 v1, v3  }
0xae: {  	[tilespmem:s25], [sflag:$0x1] =	stream.indirect_vreg.gather [hbm4b:s8+s2], $0x80, v4, vm0, $0xb8;
	[tilespmem:$0x18200] =	vst v63  }
0xaf: {  	_ = 	snop  }
0xb0: {  	[tilespmem:s26], [sflag:$0x1] =	stream.indirect_vreg.gather [hbm4b:s9+s2], $0x80, v4, vm0, $0xb8;
	[tilespmem:$0x18200] =	vst v63  }
0xb1: {  	_ = 	snop  }
0xb2: {  	[tilespmem:s28], [sflag:$0x1] =	stream.indirect_vreg.gather [hbm4b:s3+s2], $0x80, v3, vm0, $0xb8;
	[tilespmem:$0x18200] =	vst v63  }
0xb3: {  	_ = 	snop  }
0xb4: {  	[tilespmem:s29], [sflag:$0x1] =	stream.indirect_vreg.gather [hbm4b:s8+s2], $0x80, v3, vm0, $0xb8;
	[tilespmem:$0x18200] =	vst v63  }
0xb5: {  	_ = 	snop  }
0xb6: {  	[tilespmem:s30], [sflag:$0x1] =	stream.indirect_vreg.gather [hbm4b:s9+s2], $0x80, v3, vm0, $0xb8;
	[tilespmem:$0x18200] =	vst v63  }
0xb7: {  	_ =	swait.ge [sflag:s31], $0xC000  }
0xb8: {  	[sflag:s31] =	ssyncset.done $0x0  }
0xb9: {  	s19 =	simm.s32 $0x0;
	[sflag:s31] =	ssyncadd.s32 $0xFFFF4000  }
0xba: {  	s1 =	smul.u32 $0x1800, s19;
	_ =	swait.ge [sflag:s31], $0xC000  }
0xbb: {  	s13 =	sand.u32 $0x380, s2;
	[sflag:s31] =	ssyncset.done $0x0  }
0xbc: {  	s1 =	sor.u32 s13, s1;
	[sflag:s31] =	ssyncadd.s32 $0xFFFF4000  }
0xbd: {  	v4 =	vld [tilespmem:s1+$0x210]  }
0xbe: {  	v3 =	vld [tilespmem:s1+$0xC210]  }
0xbf: {  	v6 =	vld [tilespmem:s1+$0x220]  }
0xc0: {  	v5 =	vld [tilespmem:s1+$0xC220]  }
0xc1: {  	v8 =	vld [tilespmem:s1+$0x230]  }
0xc2: {  	v7 =	vld [tilespmem:s1+$0xC230]  }
0xc3: {  	v10 =	vld [tilespmem:s1+$0x240]  }
0xc4: {  	v9 =	vld [tilespmem:s1+$0xC240]  }
0xc5: {  	v12 =	vld [tilespmem:s1+$0x250]  }
0xc6: {  	v11 =	vld [tilespmem:s1+$0xC250]  }
0xc7: {  	v13 =	vld [tilespmem:s1+$0x260]  }
0xc8: {  	v14 =	vld [tilespmem:s1+$0x270]  }
0xc9: {  	v15 =	vld [tilespmem:s1+$0x600]  }
0xca: {  	v16 =	vld [tilespmem:s1+$0x610]  }
0xcb: {  	v17 =	vld [tilespmem:s1+$0x620]  }
0xcc: {  	v18 =	vld [tilespmem:s1+$0x630]  }
0xcd: {  	v19 =	vld [tilespmem:s1+$0x640]  }
0xce: {  	v20 =	vld [tilespmem:s1+$0x650]  }
0xcf: {  	v21 =	vld [tilespmem:s1+$0x660]  }
0xd0: {  	v22 =	vld [tilespmem:s1+$0x670]  }
0xd1: {  	v23 =	vld [tilespmem:s1+$0xA00]  }
0xd2: {  	v24 =	vld [tilespmem:s1+$0xA10]  }
0xd3: {  	v25 =	vld [tilespmem:s1+$0xA20]  }
0xd4: {  	v26 =	vld [tilespmem:s1+$0xA30]  }
0xd5: {  	v27 =	vld [tilespmem:s1+$0xA40]  }
0xd6: {  	v28 =	vld [tilespmem:s1+$0xA50]  }
0xd7: {  	v29 =	vld [tilespmem:s1+$0xA60]  }
0xd8: {  	v30 =	vld [tilespmem:s1+$0xA70]  }
0xd9: {  	v32 =	vld [tilespmem:s1+$0xE00]  }
0xda: {  	v34 =	vld [tilespmem:s1+$0xE10]  }
0xdb: {  	v35 =	vld [tilespmem:s1+$0xE20]  }
0xdc: {  	v36 =	vld [tilespmem:s1+$0xE30]  }
0xdd: {  	v37 =	vld [tilespmem:s1+$0xE40]  }
0xde: {  	v38 =	vld [tilespmem:s1+$0xE50]  }
0xdf: {  	v39 =	vld [tilespmem:s1+$0xE60]  }
0xe0: {  	v40 =	vld [tilespmem:s1+$0xE70]  }
0xe1: {  	v41 =	vld [tilespmem:s1+$0x1200]  }
0xe2: {  	v42 =	vld [tilespmem:s1+$0x1210]  }
0xe3: {  	v43 =	vld [tilespmem:s1+$0x1220]  }
0xe4: {  	v44 =	vld [tilespmem:s1+$0x1230]  }
0xe5: {  	v45 =	vld [tilespmem:s1+$0x1240]  }
0xe6: {  	v46 =	vld [tilespmem:s1+$0x1250]  }
0xe7: {  	v47 =	vld [tilespmem:s1+$0x1260]  }
0xe8: {  	v50 =	vmov s2;
	v48 =	vld [tilespmem:s1+$0x1600]  }
0xe9: {  	s13 =	simm.s32 $0x1;
	s17 =	simm.s32 $0x0;
	v49 =	vld [tilespmem:s1+$0x1610]  }
.LBB2_2:
0xea: {  	p0 =	sne.s32 s13, $0x3F;
	v51 =	vld [tilespmem:s1+$0xD610]  }
0xeb: {  	v52 =	vld [tilespmem:s1+$0xD630]  }
0xec: {  	v53 =	vld [tilespmem:s1+$0x1620]  }
0xed: {  	v33 =	vld.idx.msk [tilespmem:v50+s14+$0x0], $0xffff  }
0xee: {  	v31 =	vld.idx.msk [tilespmem:v50+s15+$0x0], $0xffff  }
0xef: {  	v50 =	vld [tilespmem:s1+$0x1630]  }
0xf0: {  	v54 =	vld [tilespmem:s1+$0xD620]  }
0xf1: {  	v55 =	vld [tilespmem:s1+$0xD600]  }
0xf2: {  	v56 =	vld [tilespmem:s1+$0x1270]  }
0xf3: {  	v49 =	vmul.f32 v49, v33;
	v53 =	vmul.f32 v53, v33;
	v57 =	vld [tilespmem:s1+$0xD270]  }
0xf4: {  	v52 =	vmul.f32 v52, v31;
	v58 =	vld [tilespmem:s1+$0xD260];
	v50 =	vmul.f32 v50, v33  }
0xf5: {  	v51 =	vmul.f32 v51, v31;
	v59 =	vld [tilespmem:s1+$0xD250];
	v54 =	vmul.f32 v54, v31  }
0xf6: {  	v48 =	vmul.f32 v48, v33;
	v60 =	vld [tilespmem:s1+$0xD240];
	v55 =	vmul.f32 v55, v31;
	v50 =	vadd.f32 v52, v50  }
0xf7: {  	v49 =	vadd.f32 v51, v49;
	v52 =	vld [tilespmem:s1+$0xD230];
	v56 =	vmul.f32 v56, v33;
	v51 =	vadd.f32 v54, v53  }
0xf8: {  	v47 =	vmul.f32 v47, v33;
	v53 =	vld [tilespmem:s1+$0xD220];
	v54 =	vmul.f32 v57, v31;
	v48 =	vadd.f32 v55, v48;
	[tilespmem:s1+$0x1630] =	vst v50  }
0xf9: {  	v46 =	vmul.f32 v46, v33;
	v50 =	vld [tilespmem:s1+$0xD210];
	v55 =	vmul.f32 v58, v31;
	[tilespmem:s1+$0x1620] =	vst v51  }
0xfa: {  	v45 =	vmul.f32 v45, v33;
	v51 =	vld [tilespmem:s1+$0xD200];
	v57 =	vmul.f32 v59, v31;
	v54 =	vadd.f32 v54, v56;
	[tilespmem:s1+$0x1610] =	vst v49  }
0xfb: {  	v44 =	vmul.f32 v44, v33;
	v49 =	vld [tilespmem:s1+$0xCE70];
	v56 =	vmul.f32 v60, v31;
	v47 =	vadd.f32 v55, v47;
	[tilespmem:s1+$0x1600] =	vst v48  }
0xfc: {  	v43 =	vmul.f32 v43, v33;
	v48 =	vld [tilespmem:s1+$0xCE60];
	v52 =	vmul.f32 v52, v31;
	v46 =	vadd.f32 v57, v46;
	[tilespmem:s1+$0x1270] =	vst v54  }
0xfd: {  	v42 =	vmul.f32 v42, v33;
	v54 =	vld [tilespmem:s1+$0xCE50];
	v53 =	vmul.f32 v53, v31;
	v45 =	vadd.f32 v56, v45;
	[tilespmem:s1+$0x1260] =	vst v47  }
0xfe: {  	v41 =	vmul.f32 v41, v33;
	v47 =	vld [tilespmem:s1+$0xCE40];
	v50 =	vmul.f32 v50, v31;
	v44 =	vadd.f32 v52, v44;
	[tilespmem:s1+$0x1250] =	vst v46  }
0xff: {  	v40 =	vmul.f32 v40, v33;
	v46 =	vld [tilespmem:s1+$0xCE30];
	v51 =	vmul.f32 v51, v31;
	v43 =	vadd.f32 v53, v43;
	[tilespmem:s1+$0x1240] =	vst v45  }
0x100: {  	v39 =	vmul.f32 v39, v33;
	v45 =	vld [tilespmem:s1+$0xCE20];
	v49 =	vmul.f32 v49, v31;
	v42 =	vadd.f32 v50, v42;
	[tilespmem:s1+$0x1230] =	vst v44  }
0x101: {  	v38 =	vmul.f32 v38, v33;
	v44 =	vld [tilespmem:s1+$0xCE10];
	v48 =	vmul.f32 v48, v31;
	v41 =	vadd.f32 v51, v41;
	[tilespmem:s1+$0x1220] =	vst v43  }
0x102: {  	v37 =	vmul.f32 v37, v33;
	v43 =	vld [tilespmem:s1+$0xCE00];
	v50 =	vmul.f32 v54, v31;
	v40 =	vadd.f32 v49, v40;
	[tilespmem:s1+$0x1210] =	vst v42  }
0x103: {  	v36 =	vmul.f32 v36, v33;
	v42 =	vld [tilespmem:s1+$0xCA70];
	v47 =	vmul.f32 v47, v31;
	v39 =	vadd.f32 v48, v39;
	[tilespmem:s1+$0x1200] =	vst v41  }
0x104: {  	v35 =	vmul.f32 v35, v33;
	v41 =	vld [tilespmem:s1+$0xCA60];
	v46 =	vmul.f32 v46, v31;
	v38 =	vadd.f32 v50, v38;
	[tilespmem:s1+$0xE70] =	vst v40  }
0x105: {  	v34 =	vmul.f32 v34, v33;
	v40 =	vld [tilespmem:s1+$0xCA50];
	v45 =	vmul.f32 v45, v31;
	v37 =	vadd.f32 v47, v37;
	[tilespmem:s1+$0xE60] =	vst v39  }
0x106: {  	v32 =	vmul.f32 v32, v33;
	v39 =	vld [tilespmem:s1+$0xCA40];
	v44 =	vmul.f32 v44, v31;
	v36 =	vadd.f32 v46, v36;
	[tilespmem:s1+$0xE50] =	vst v38  }
0x107: {  	v30 =	vmul.f32 v30, v33;
	v38 =	vld [tilespmem:s1+$0xCA30];
	v43 =	vmul.f32 v43, v31;
	v35 =	vadd.f32 v45, v35;
	[tilespmem:s1+$0xE40] =	vst v37  }
0x108: {  	v29 =	vmul.f32 v29, v33;
	v37 =	vld [tilespmem:s1+$0xCA20];
	v42 =	vmul.f32 v42, v31;
	v34 =	vadd.f32 v44, v34;
	[tilespmem:s1+$0xE30] =	vst v36  }
0x109: {  	v28 =	vmul.f32 v28, v33;
	v36 =	vld [tilespmem:s1+$0xCA10];
	v41 =	vmul.f32 v41, v31;
	v32 =	vadd.f32 v43, v32;
	[tilespmem:s1+$0xE20] =	vst v35  }
0x10a: {  	v27 =	vmul.f32 v27, v33;
	v35 =	vld [tilespmem:s1+$0xCA00];
	v40 =	vmul.f32 v40, v31;
	v30 =	vadd.f32 v42, v30;
	[tilespmem:s1+$0xE10] =	vst v34  }
0x10b: {  	v26 =	vmul.f32 v26, v33;
	v34 =	vld [tilespmem:s1+$0xC670];
	v39 =	vmul.f32 v39, v31;
	v29 =	vadd.f32 v41, v29;
	[tilespmem:s1+$0xE00] =	vst v32  }
0x10c: {  	v25 =	vmul.f32 v25, v33;
	v32 =	vld [tilespmem:s1+$0xC660];
	v38 =	vmul.f32 v38, v31;
	v28 =	vadd.f32 v40, v28;
	[tilespmem:s1+$0xA70] =	vst v30  }
0x10d: {  	v24 =	vmul.f32 v24, v33;
	v30 =	vld [tilespmem:s1+$0xC650];
	v37 =	vmul.f32 v37, v31;
	v27 =	vadd.f32 v39, v27;
	[tilespmem:s1+$0xA60] =	vst v29  }
0x10e: {  	v23 =	vmul.f32 v23, v33;
	v29 =	vld [tilespmem:s1+$0xC640];
	v36 =	vmul.f32 v36, v31;
	v26 =	vadd.f32 v38, v26;
	[tilespmem:s1+$0xA50] =	vst v28  }
0x10f: {  	v22 =	vmul.f32 v22, v33;
	v28 =	vld [tilespmem:s1+$0xC630];
	v35 =	vmul.f32 v35, v31;
	v25 =	vadd.f32 v37, v25;
	[tilespmem:s1+$0xA40] =	vst v27  }
0x110: {  	v21 =	vmul.f32 v21, v33;
	v27 =	vld [tilespmem:s1+$0xC620];
	v34 =	vmul.f32 v34, v31;
	v24 =	vadd.f32 v36, v24;
	[tilespmem:s1+$0xA30] =	vst v26  }
0x111: {  	v20 =	vmul.f32 v20, v33;
	v26 =	vld [tilespmem:s1+$0xC610];
	v32 =	vmul.f32 v32, v31;
	v23 =	vadd.f32 v35, v23;
	[tilespmem:s1+$0xA20] =	vst v25  }
0x112: {  	v19 =	vmul.f32 v19, v33;
	v25 =	vld [tilespmem:s1+$0xC600];
	v30 =	vmul.f32 v30, v31;
	v22 =	vadd.f32 v34, v22;
	[tilespmem:s1+$0xA10] =	vst v24  }
0x113: {  	v18 =	vmul.f32 v18, v33;
	v24 =	vld [tilespmem:s1+$0xC270];
	v29 =	vmul.f32 v29, v31;
	v21 =	vadd.f32 v32, v21;
	[tilespmem:s1+$0xA00] =	vst v23  }
0x114: {  	v17 =	vmul.f32 v17, v33;
	v23 =	vld [tilespmem:s1+$0xC260];
	v28 =	vmul.f32 v28, v31;
	v20 =	vadd.f32 v30, v20;
	[tilespmem:s1+$0x670] =	vst v22  }
0x115: {  	v16 =	vmul.f32 v16, v33;
	v22 =	vmul.f32 v27, v31;
	v19 =	vadd.f32 v29, v19;
	[tilespmem:s1+$0x660] =	vst v21;
	v21 =	vld [tilespmem:s1+$0xD640]  }
0x116: {  	v15 =	vmul.f32 v15, v33;
	v26 =	vmul.f32 v26, v31;
	v18 =	vadd.f32 v28, v18;
	[tilespmem:s1+$0x650] =	vst v20;
	v20 =	vld [tilespmem:s1+$0xD650]  }
0x117: {  	v14 =	vmul.f32 v14, v33;
	v25 =	vmul.f32 v25, v31;
	v17 =	vadd.f32 v22, v17;
	[tilespmem:s1+$0x640] =	vst v19;
	v19 =	vld [tilespmem:s1+$0xD660]  }
0x118: {  	v13 =	vmul.f32 v13, v33;
	v22 =	vmul.f32 v24, v31;
	v16 =	vadd.f32 v26, v16;
	[tilespmem:s1+$0x630] =	vst v18;
	v18 =	vld [tilespmem:s1+$0xD670]  }
0x119: {  	v12 =	vmul.f32 v12, v33;
	v23 =	vmul.f32 v23, v31;
	v15 =	vadd.f32 v25, v15;
	[tilespmem:s1+$0x620] =	vst v17;
	v17 =	vld [tilespmem:s1+$0x1640]  }
0x11a: {  	v10 =	vmul.f32 v10, v33;
	v11 =	vmul.f32 v11, v31;
	v14 =	vadd.f32 v22, v14;
	[tilespmem:s1+$0x610] =	vst v16;
	v16 =	vld [tilespmem:s1+$0x1650]  }
0x11b: {  	v8 =	vmul.f32 v8, v33;
	v9 =	vmul.f32 v9, v31;
	v13 =	vadd.f32 v23, v13;
	[tilespmem:s1+$0x600] =	vst v15;
	v15 =	vld [tilespmem:s1+$0x1660]  }
0x11c: {  	v6 =	vmul.f32 v6, v33;
	v7 =	vmul.f32 v7, v31;
	v11 =	vadd.f32 v11, v12;
	[tilespmem:s1+$0x270] =	vst v14;
	v12 =	vld [tilespmem:s1+$0x1670]  }
0x11d: {  	v4 =	vmul.f32 v4, v33;
	v5 =	vmul.f32 v5, v31;
	v9 =	vadd.f32 v9, v10;
	v14 =	vld [tilespmem:s1+$0x200];
	[tilespmem:s1+$0x260] =	vst v13  }
0x11e: {  	v3 =	vmul.f32 v3, v31;
	v7 =	vadd.f32 v7, v8;
	v10 =	vld [tilespmem:s1+$0xC200];
	[tilespmem:s1+$0x250] =	vst v11;
	v8 =	vmul.f32 v17, v33  }
0x11f: {  	s18 =	sshrl.u32 s13, $0x3;
	v5 =	vadd.f32 v5, v6;
	v6 =	vmul.f32 v21, v31;
	[tilespmem:s1+$0x240] =	vst v9;
	v9 =	vmul.f32 v16, v33  }
0x120: {  	s17 =	sadd.s32 $0x80, s17;
	s18 =	smul.u32 $0x1800, s18;
	v3 =	vadd.f32 v3, v4;
	v4 =	vmul.f32 v20, v31;
	[tilespmem:s1+$0x230] =	vst v7;
	v7 =	vmul.f32 v15, v33  }
0x121: {  	s19 =	sand.u32 $0x380, s17;
	[tilespmem:s1+$0x220] =	vst v5;
	v5 =	vadd.f32 v6, v8;
	v6 =	vmul.f32 v19, v31;
	v8 =	vmul.f32 v12, v33  }
0x122: {  	s18 =	sor.u32 s19, s18;
	v9 =	vadd.f32 v4, v9;
	v12 =	vmul.f32 v18, v31;
	v11 =	vmul.f32 v14, v33;
	[tilespmem:s1+$0x210] =	vst v3  }
0x123: {  	v4 =	vld [tilespmem:s18+$0x210];
	v10 =	vmul.f32 v10, v31;
	[tilespmem:s1+$0x1640] =	vst v5;
	v5 =	vadd.f32 v6, v7  }
0x124: {  	v7 =	vadd.f32 v12, v8;
	v3 =	vld [tilespmem:s18+$0xC210];
	[tilespmem:s1+$0x1650] =	vst v9  }
0x125: {  	v6 =	vld [tilespmem:s18+$0x220];
	v9 =	vadd.f32 v10, v11;
	[tilespmem:s1+$0x1660] =	vst v5  }
0x126: {  	v5 =	vld [tilespmem:s18+$0xC220];
	[tilespmem:s1+$0x1670] =	vst v7  }
0x127: {  	v8 =	vld [tilespmem:s18+$0x230];
	[tilespmem:s1+$0x200] =	vst v9;
	s1 =	smov.u32 s18  }
0x128: {  	v7 =	vld [tilespmem:s1+$0xC230]  }
0x129: {  	v10 =	vld [tilespmem:s1+$0x240]  }
0x12a: {  	v9 =	vld [tilespmem:s1+$0xC240]  }
0x12b: {  	v12 =	vld [tilespmem:s1+$0x250]  }
0x12c: {  	v11 =	vld [tilespmem:s1+$0xC250]  }
0x12d: {  	v13 =	vld [tilespmem:s1+$0x260]  }
0x12e: {  	v14 =	vld [tilespmem:s1+$0x270]  }
0x12f: {  	v15 =	vld [tilespmem:s1+$0x600]  }
0x130: {  	v16 =	vld [tilespmem:s1+$0x610]  }
0x131: {  	v17 =	vld [tilespmem:s1+$0x620]  }
0x132: {  	v18 =	vld [tilespmem:s1+$0x630]  }
0x133: {  	v19 =	vld [tilespmem:s1+$0x640]  }
0x134: {  	v20 =	vld [tilespmem:s1+$0x650]  }
0x135: {  	v21 =	vld [tilespmem:s1+$0x660]  }
0x136: {  	v22 =	vld [tilespmem:s1+$0x670]  }
0x137: {  	v23 =	vld [tilespmem:s1+$0xA00]  }
0x138: {  	v24 =	vld [tilespmem:s1+$0xA10]  }
0x139: {  	v25 =	vld [tilespmem:s1+$0xA20]  }
0x13a: {  	v26 =	vld [tilespmem:s1+$0xA30]  }
0x13b: {  	v27 =	vld [tilespmem:s1+$0xA40]  }
0x13c: {  	v28 =	vld [tilespmem:s1+$0xA50]  }
0x13d: {  	v29 =	vld [tilespmem:s1+$0xA60]  }
0x13e: {  	v30 =	vld [tilespmem:s1+$0xA70]  }
0x13f: {  	v32 =	vld [tilespmem:s1+$0xE00]  }
0x140: {  	v34 =	vld [tilespmem:s1+$0xE10]  }
0x141: {  	v35 =	vld [tilespmem:s1+$0xE20]  }
0x142: {  	v36 =	vld [tilespmem:s1+$0xE30]  }
0x143: {  	v37 =	vld [tilespmem:s1+$0xE40]  }
0x144: {  	v38 =	vld [tilespmem:s1+$0xE50]  }
0x145: {  	v39 =	vld [tilespmem:s1+$0xE60]  }
0x146: {  	v40 =	vld [tilespmem:s1+$0xE70]  }
0x147: {  	v41 =	vld [tilespmem:s1+$0x1200]  }
0x148: {  	v42 =	vld [tilespmem:s1+$0x1210]  }
0x149: {  	v43 =	vld [tilespmem:s1+$0x1220]  }
0x14a: {  	v44 =	vld [tilespmem:s1+$0x1230]  }
.Ltmp0:
0x14b: {  	v45 =	vld [tilespmem:s1+$0x1240];
	(pc) =	sbr.rel @p0 .LBB2_2-.Ltmp0, $4  }
0x14c: {  	v46 =	vld [tilespmem:s1+$0x1250]  }
0x14d: {  	v47 =	vld [tilespmem:s1+$0x1260]  }
0x14e: {  	v50 =	vmov s13;
	v48 =	vld [tilespmem:s1+$0x1600]  }
0x14f: {  	s13 =	sadd.s32 $0x1, s13;
	v49 =	vld [tilespmem:s1+$0x1610]  }
0x150: {  	_ =	sdelay $0x1  }
0x151: {  	v52 =	vld [tilespmem:s1+$0xD630]  }
0x152: {  	v53 =	vld [tilespmem:s1+$0x1620]  }
0x153: {  	v31 =	vld.idx.msk [tilespmem:v50+s14+$0x0], $0xffff  }
0x154: {  	v33 =	vld.idx.msk [tilespmem:v50+s15+$0x0], $0xffff  }
0x155: {  	v61 =	vld [tilespmem:s1+$0x1630]  }
0x156: {  	v54 =	vld [tilespmem:s1+$0xD620]  }
0x157: {  	v51 =	vld [tilespmem:s1+$0xD610]  }
0x158: {  	v55 =	vld [tilespmem:s1+$0xD600]  }
0x159: {  	v56 =	vld [tilespmem:s1+$0x1270]  }
0x15a: {  	v58 =	vld [tilespmem:s1+$0xD260];
	v50 =	vmul.f32 v61, v31;
	v52 =	vmul.f32 v52, v33  }
0x15b: {  	v57 =	vld [tilespmem:s1+$0xD270];
	v53 =	vmul.f32 v53, v31;
	v54 =	vmul.f32 v54, v33  }
0x15c: {  	v59 =	vld [tilespmem:s1+$0xD250];
	v49 =	vmul.f32 v49, v31;
	v51 =	vmul.f32 v51, v33  }
0x15d: {  	v60 =	vld [tilespmem:s1+$0xD240];
	v48 =	vmul.f32 v48, v31;
	v62 =	vmul.f32 v55, v33;
	v50 =	vadd.f32 v52, v50  }
0x15e: {  	v61 =	vld [tilespmem:s1+$0xD220];
	v63 =	vmul.f32 v56, v31;
	v47 =	vmul.f32 v47, v31;
	v53 =	vadd.f32 v54, v53  }
0x15f: {  	v58 =	vmul.f32 v58, v33;
	v55 =	vld [tilespmem:s1+$0xC660];
	v12 =	vmul.f32 v12, v31;
	v49 =	vadd.f32 v51, v49;
	[tilespmem:s1+$0x1630] =	vst v50  }
0x160: {  	v56 =	vld [tilespmem:s1+$0xC650];
	v11 =	vmul.f32 v11, v33;
	v10 =	vmul.f32 v10, v31;
	v48 =	vadd.f32 v62, v48;
	[tilespmem:s1+$0x1620] =	vst v53  }
0x161: {  	v9 =	vmul.f32 v9, v33;
	v8 =	vmul.f32 v8, v31;
	v52 =	vld [tilespmem:s1+$0xD230];
	v47 =	vadd.f32 v58, v47;
	[tilespmem:s1+$0x1610] =	vst v49  }
0x162: {  	v7 =	vmul.f32 v7, v33;
	v6 =	vmul.f32 v6, v31;
	v51 =	vld [tilespmem:s1+$0xD200];
	v11 =	vadd.f32 v11, v12;
	[tilespmem:s1+$0x1600] =	vst v48  }
0x163: {  	v5 =	vmul.f32 v5, v33;
	v4 =	vmul.f32 v4, v31;
	v58 =	vld [tilespmem:s1+$0xCE20];
	v9 =	vadd.f32 v9, v10;
	[tilespmem:s1+$0x1260] =	vst v47  }
0x164: {  	v3 =	vmul.f32 v3, v33;
	v62 =	vmul.f32 v59, v33;
	v59 =	vld [tilespmem:s1+$0xCE10];
	v7 =	vadd.f32 v7, v8;
	[tilespmem:s1+$0x250] =	vst v11  }
0x165: {  	v57 =	vmul.f32 v57, v33;
	v54 =	vld [tilespmem:s1+$0xC670];
	v5 =	vadd.f32 v5, v6;
	[tilespmem:s1+$0x240] =	vst v9  }
0x166: {  	v46 =	vmul.f32 v46, v31;
	v3 =	vadd.f32 v3, v4;
	v50 =	vld [tilespmem:s1+$0xD210];
	[tilespmem:s1+$0x230] =	vst v7  }
0x167: {  	v45 =	vmul.f32 v45, v31;
	v49 =	vld [tilespmem:s1+$0xCE70];
	v53 =	vadd.f32 v57, v63;
	v63 =	vmul.f32 v60, v33;
	[tilespmem:s1+$0x220] =	vst v5  }
0x168: {  	v43 =	vmul.f32 v43, v31;
	v48 =	vld [tilespmem:s1+$0xCE60];
	v46 =	vadd.f32 v62, v46;
	[tilespmem:s1+$0x210] =	vst v3;
	v57 =	vmul.f32 v61, v33  }
0x169: {  	v44 =	vmul.f32 v44, v31;
	v47 =	vld [tilespmem:s1+$0xCE40];
	[tilespmem:s1+$0x1270] =	vst v53;
	v45 =	vadd.f32 v63, v45;
	v52 =	vmul.f32 v52, v33  }
0x16a: {  	v41 =	vmul.f32 v41, v31;
	v60 =	vld [tilespmem:s1+$0xCE00];
	[tilespmem:s1+$0x1250] =	vst v46;
	v43 =	vadd.f32 v57, v43;
	v51 =	vmul.f32 v51, v33  }
0x16b: {  	v35 =	vmul.f32 v35, v31;
	v62 =	vld [tilespmem:s1+$0xCA60];
	[tilespmem:s1+$0x1240] =	vst v45;
	v45 =	vmul.f32 v58, v33;
	v44 =	vadd.f32 v52, v44  }
0x16c: {  	v42 =	vmul.f32 v42, v31;
	v53 =	vld [tilespmem:s1+$0xCE50];
	v50 =	vmul.f32 v50, v33;
	[tilespmem:s1+$0x1220] =	vst v43;
	v41 =	vadd.f32 v51, v41  }
0x16d: {  	v40 =	vmul.f32 v40, v31;
	v46 =	vld [tilespmem:s1+$0xCE30];
	v49 =	vmul.f32 v49, v33;
	v35 =	vadd.f32 v45, v35;
	[tilespmem:s1+$0x1230] =	vst v44  }
0x16e: {  	v39 =	vmul.f32 v39, v31;
	v61 =	vld [tilespmem:s1+$0xCA70];
	v48 =	vmul.f32 v48, v33;
	v42 =	vadd.f32 v50, v42;
	[tilespmem:s1+$0x1200] =	vst v41  }
0x16f: {  	v37 =	vmul.f32 v37, v31;
	v57 =	vld [tilespmem:s1+$0xC640];
	v47 =	vmul.f32 v47, v33;
	v40 =	vadd.f32 v49, v40;
	[tilespmem:s1+$0xE20] =	vst v35  }
0x170: {  	v32 =	vmul.f32 v32, v31;
	v58 =	vld [tilespmem:s1+$0xC630];
	v43 =	vmul.f32 v60, v33;
	v39 =	vadd.f32 v48, v39;
	[tilespmem:s1+$0x1210] =	vst v42  }
0x171: {  	v38 =	vmul.f32 v38, v31;
	v51 =	vld [tilespmem:s1+$0xCA20];
	v63 =	vmul.f32 v53, v33;
	v37 =	vadd.f32 v47, v37;
	[tilespmem:s1+$0xE70] =	vst v40  }
0x172: {  	v36 =	vmul.f32 v36, v31;
	v52 =	vld [tilespmem:s1+$0xCA10];
	v46 =	vmul.f32 v46, v33;
	v32 =	vadd.f32 v43, v32;
	[tilespmem:s1+$0xE60] =	vst v39  }
0x173: {  	v34 =	vmul.f32 v34, v31;
	v60 =	vld [tilespmem:s1+$0xC610];
	v44 =	vmul.f32 v59, v33;
	v38 =	vadd.f32 v63, v38;
	[tilespmem:s1+$0xE40] =	vst v37  }
0x174: {  	v29 =	vmul.f32 v29, v31;
	v45 =	vld [tilespmem:s1+$0x1640];
	v41 =	vmul.f32 v62, v33;
	v36 =	vadd.f32 v46, v36;
	[tilespmem:s1+$0xE00] =	vst v32  }
0x175: {  	v21 =	vmul.f32 v21, v31;
	v48 =	vld [tilespmem:s1+$0xCA50];
	v62 =	vmul.f32 v55, v33;
	v34 =	vadd.f32 v44, v34;
	[tilespmem:s1+$0xE50] =	vst v38  }
0x176: {  	v30 =	vmul.f32 v30, v31;
	v49 =	vld [tilespmem:s1+$0xCA40];
	v42 =	vmul.f32 v61, v33;
	v29 =	vadd.f32 v41, v29;
	[tilespmem:s1+$0xE30] =	vst v36  }
0x177: {  	v25 =	vmul.f32 v25, v31;
	v50 =	vld [tilespmem:s1+$0xCA30];
	v21 =	vadd.f32 v62, v21;
	v37 =	vmul.f32 v51, v33;
	[tilespmem:s1+$0xE10] =	vst v34  }
0x178: {  	v16 =	vmul.f32 v16, v31;
	v53 =	vld [tilespmem:s1+$0xCA00];
	v41 =	vmul.f32 v60, v33;
	v30 =	vadd.f32 v42, v30;
	[tilespmem:s1+$0xA60] =	vst v29  }
0x179: {  	v24 =	vmul.f32 v24, v31;
	v59 =	vld [tilespmem:s1+$0xC620];
	v36 =	vmul.f32 v52, v33;
	[tilespmem:s1+$0x660] =	vst v21;
	v25 =	vadd.f32 v37, v25  }
0x17a: {  	v22 =	vmul.f32 v22, v31;
	v43 =	vld [tilespmem:s1+$0xD670];
	v34 =	vmul.f32 v54, v33;
	v16 =	vadd.f32 v41, v16;
	[tilespmem:s1+$0xA70] =	vst v30  }
0x17b: {  	v28 =	vmul.f32 v28, v31;
	v61 =	vld [tilespmem:s1+$0xC600];
	v40 =	vmul.f32 v48, v33;
	v24 =	vadd.f32 v36, v24;
	[tilespmem:s1+$0xA20] =	vst v25  }
0x17c: {  	v27 =	vmul.f32 v27, v31;
	v63 =	vld [tilespmem:s1+$0xC270];
	v39 =	vmul.f32 v49, v33;
	v22 =	vadd.f32 v34, v22;
	[tilespmem:s1+$0x610] =	vst v16  }
0x17d: {  	v26 =	vmul.f32 v26, v31;
	v46 =	vld [tilespmem:s1+$0x1650];
	v38 =	vmul.f32 v50, v33;
	v28 =	vadd.f32 v40, v28;
	[tilespmem:s1+$0xA10] =	vst v24  }
0x17e: {  	v23 =	vmul.f32 v23, v31;
	v51 =	vld [tilespmem:s1+$0x200];
	v35 =	vmul.f32 v53, v33;
	v27 =	vadd.f32 v39, v27;
	[tilespmem:s1+$0x670] =	vst v22  }
0x17f: {  	v18 =	vmul.f32 v18, v31;
	v37 =	vmul.f32 v58, v33;
	v48 =	vld [tilespmem:s1+$0x1660];
	v26 =	vadd.f32 v38, v26;
	[tilespmem:s1+$0xA50] =	vst v28  }
0x180: {  	v20 =	vmul.f32 v20, v31;
	v50 =	vld [tilespmem:s1+$0xC200];
	v30 =	vmul.f32 v56, v33;
	v23 =	vadd.f32 v35, v23;
	[tilespmem:s1+$0xA40] =	vst v27  }
0x181: {  	v19 =	vmul.f32 v19, v31;
	v34 =	vld [tilespmem:s1+$0xC260];
	v35 =	vmul.f32 v57, v33;
	v18 =	vadd.f32 v37, v18;
	[tilespmem:s1+$0xA30] =	vst v26  }
0x182: {  	v17 =	vmul.f32 v17, v31;
	v36 =	vld [tilespmem:s1+$0xD640];
	v39 =	vmul.f32 v59, v33;
	v20 =	vadd.f32 v30, v20;
	[tilespmem:s1+$0xA00] =	vst v23  }
0x183: {  	v15 =	vmul.f32 v15, v31;
	v38 =	vld [tilespmem:s1+$0xD650];
	v42 =	vmul.f32 v61, v33;
	v19 =	vadd.f32 v35, v19;
	[tilespmem:s1+$0x630] =	vst v18  }
0x184: {  	v14 =	vmul.f32 v14, v31;
	v40 =	vld [tilespmem:s1+$0xD660];
	v44 =	vmul.f32 v63, v33;
	v17 =	vadd.f32 v39, v17;
	[tilespmem:s1+$0x650] =	vst v20  }
0x185: {  	v49 =	vld [tilespmem:s1+$0x1670];
	v61 =	vmul.f32 v51, v31;
	v15 =	vadd.f32 v42, v15;
	v10 =	vmul.f32 v50, v33;
	[tilespmem:s1+$0x640] =	vst v19  }
0x186: {  	v13 =	vmul.f32 v13, v31;
	v14 =	vadd.f32 v44, v14;
	[tilespmem:s1+$0x620] =	vst v17;
	v47 =	vmul.f32 v34, v33  }
0x187: {  	v52 =	vmul.f32 v45, v31;
	[tilespmem:s1+$0x600] =	vst v15;
	v53 =	vmul.f32 v36, v33;
	v63 =	vadd.f32 v10, v61  }
0x188: {  	v54 =	vmul.f32 v46, v31;
	[tilespmem:s1+$0x270] =	vst v14;
	v55 =	vmul.f32 v38, v33;
	v13 =	vadd.f32 v47, v13  }
0x189: {  	v56 =	vmul.f32 v48, v31;
	v58 =	vmul.f32 v40, v33;
	v57 =	vadd.f32 v53, v52;
	[tilespmem:s1+$0x200] =	vst v63  }
0x18a: {  	v60 =	vmul.f32 v43, v33;
	v59 =	vmul.f32 v49, v31;
	v3 =	vadd.f32 v55, v54;
	[tilespmem:s1+$0x260] =	vst v13  }
0x18b: {  	v62 =	vadd.f32 v58, v56;
	[tilespmem:s1+$0x1640] =	vst v57  }
0x18c: {  	s0 =	sadd.s32 $0x1, s0;
	[tilespmem:s1+$0x1650] =	vst v3;
	v3 =	vadd.f32 v60, v59  }
0x18d: {  	p0 =	sne.s32 s0, s11;
	[tilespmem:s1+$0x1660] =	vst v62  }
.Ltmp1:
0x18e: {  	[tilespmem:s1+$0x1670] =	vst v3;
	(pc) =	sbr.rel @p0 .LBB2_1-.Ltmp1, $4  }
0x18f: {  	[hbm4b:s10+s2] =	stream.linear.scatter [tilespmem:s16], [sflag:$0x2], $0xC000, $0x38;
	[tilespmem:$0x18200] =	vst v63  }
0x190: {  	_ =	swait.ge [sflag:s12], $0xC000  }
0x191: {  	[sflag:s12] =	ssyncset.done $0x0  }
0x192: {  	[sflag:s12] =	ssyncadd.s32 $0xFFFF4000  }
0x193: {  	_ =	sfence.sel $0x180000  }
0x194: {  	[bflag:$0x0] =	sbarrier.arrive $0xFFFF  }
0x195: {  	_ =	strace $0x9000004A  }
0x196: {  	s0 =	stileid.u32;
	[bflag:$0x2] =	sbarrier.arrive $0xFFFF  }
0x197: {  	p0 =	sne.s32 s0, $0x0;
	s0 =	rddreg [dreg:$0x2]  }
0x198: {  	s0 =	sadd.s32 @!p0 $0x100000, s0  }
0x199: {  	[sflag:s0] =	ssyncadd.tile.s32 @!p0 $0x1;
	_ =	shalt  }
.Lfunc_end2:
_tile_overlayer_lowered:
.L_overlay_start_2:
0x19a: {  	(tag) =	ssettag $0x2  }
0x19b: {  	s0 =	rddreg [dreg:$0x0];
	s2 =	stileid.u32  }
0x19c: {  	s1 =	rddreg [dreg:$0x1];
	p0 =	sne.s32 s2, $0x0  }
0x19d: {  	s3 =	rddreg [dreg:$0x2];
	[bflag:$0x3] =	sbarrier.arrive $0xFFFF;
	s2 =	simm.s32 @!p0 $0x1C02  }
0x19e: {  	[timem:s3], [sflag:s2] =	dma.local @!p0 [hbm:s0], s1  }
0x19f: {  	s0 =	simm.s32 @!p0 $0x2  }
0x1a0: {  	_ =	swait.ge @!p0 [sflag:s0], s1  }
0x1a1: {  	s1 =	ssub.s32 @!p0 $0x0, s1;
	[sflag:s0] =	ssyncset.done @!p0 $0x0  }
0x1a2: {  	[sflag:s0] =	ssyncadd.s32 @!p0 s1  }
0x1a3: {  	[bflag:$0x3] =	sbarrier.arrive $0xFFFF  }
0x1a4: {  	_ =	shalt  }

</sc_bundles>
